<compile_context>
chip_gen: v7x
topology: tpu7x:2x2x1
jax: 0.10.2.dev20260603
libtpu: 0.0.44.dev20260713+nightly
codegen_flags: <defaults>
</compile_context>

<pallas_src>
import jax
import jax.numpy as jnp
from jax import lax
from jax.experimental import pallas as pl
from jax.experimental.pallas import tpu as pltpu
from jax.experimental.pallas import tpu_sc as plsc

_B, _S, _F, _D = 4, 8192, 6, 128
_NPOS = 1025
_NC, _NS = 2, 16
_NW = _NC * _NS
_TW = _B * _S // _NW
_CT = 128
_NK = _TW // _CT
_RING = 4


def _sc_body(bbox_hbm, x_hbm, y_hbm, h_hbm, w_hbm, out_hbm,
             x_sh, y_sh, h_sh, w_sh, idx_v, rows_v, gsem):
    cid = lax.axis_index("c")
    sid = lax.axis_index("s")
    wid = sid * _NC + cid
    bat = wid // (_S // _TW)
    s0 = (wid % (_S // _TW)) * _TW

    q = sid % 4
    tabs_hbm = (x_hbm, y_hbm, h_hbm, w_hbm)
    tabs_sh = (x_sh, y_sh, h_sh, w_sh)
    for f in range(4):
        @pl.when(sid // 4 == f)
        def _():
            pltpu.make_async_copy(
                tabs_hbm[f].at[pl.ds(q * 256, 256)],
                tabs_sh[f].at[pl.ds(q * 256, 256)],
                gsem,
            ).start()

            @pl.when(q == 3)
            def _():
                pltpu.make_async_copy(
                    tabs_hbm[f].at[pl.ds(1024, 1)],
                    tabs_sh[f].at[pl.ds(1024, 1)],
                    gsem,
                ).start()

    for f in range(_F):
        pltpu.make_async_copy(
            bbox_hbm.at[pl.ds(f * _B * _S + wid * _TW, _TW)],
            idx_v.at[pl.ds(f * _TW, _TW)],
            gsem,
        ).start()

    pltpu.make_async_copy(
        tabs_hbm[0].at[pl.ds(0, 256)], tabs_sh[0].at[pl.ds(0, 256)], gsem
    ).wait()

    @pl.when(q == 3)
    def _():
        pltpu.make_async_copy(
            tabs_hbm[0].at[pl.ds(1024, 1)], tabs_sh[0].at[pl.ds(1024, 1)], gsem
        ).wait()

    for f in range(_F):
        pltpu.make_async_copy(
            bbox_hbm.at[pl.ds(0, _TW)], idx_v.at[pl.ds(f * _TW, _TW)], gsem
        ).wait()

    plsc.subcore_barrier()

    fsrc = (x_sh, y_sh, x_sh, y_sh, h_sh, w_sh)

    def start_unit(k, f, b2):
        pltpu.make_async_copy(
            fsrc[f].at[idx_v.at[pl.ds(f * _TW + k * _CT, _CT)]],
            rows_v.at[b2],
            gsem,
        ).start()

    def wait_unit(b2):
        pltpu.make_async_copy(
            fsrc[0].at[idx_v.at[pl.ds(0, _CT)]],
            rows_v.at[b2],
            gsem,
        ).wait()

    for m in range(_RING - 1):
        start_unit(m // _F, m % _F, m % _RING)

    def chunk_quad(g, carry):
        k0 = 4 * g
        for j in range(4):
            k = k0 + j
            for f in range(_F):
                m6 = 6 * j + f
                b2 = m6 % _RING
                wait_unit(b2)
                fn = (f + _RING - 1) % 6
                kn = k + (f + _RING - 1) // 6

                @pl.when(kn < _NK)
                def _():
                    start_unit(kn, fn, (m6 + _RING - 1) % _RING)

                pltpu.sync_copy(
                    rows_v.at[b2],
                    out_hbm.at[bat, pl.ds(s0 + k * _CT, _CT),
                               pl.ds(f * _D, _D)],
                )
        return carry

    lax.fori_loop(0, _NK // 4, chunk_quad, 0)


@jax.jit
def _sc_embed(bbox_fm, x_tab, y_tab, h_tab, w_tab):
    mesh = plsc.VectorSubcoreMesh(core_axis_name="c", subcore_axis_name="s")
    return pl.kernel(
        _sc_body,
        mesh=mesh,
        compiler_params=pltpu.CompilerParams(needs_layout_passes=False),
        out_type=jax.ShapeDtypeStruct((_B, _S, _F * _D), jnp.float32),
        scratch_types=[
            pltpu.VMEM_SHARED((_NPOS, _D), jnp.float32),
            pltpu.VMEM_SHARED((_NPOS, _D), jnp.float32),
            pltpu.VMEM_SHARED((_NPOS, _D), jnp.float32),
            pltpu.VMEM_SHARED((_NPOS, _D), jnp.float32),
            pltpu.VMEM((_F * _TW,), jnp.int32),
            pltpu.VMEM((_RING, _CT, _D), jnp.float32),
            pltpu.SemaphoreType.DMA,
        ],
    )(bbox_fm, x_tab, y_tab, h_tab, w_tab)


def kernel(bbox, x_tab, y_tab, h_tab, w_tab):
    bbox_fm = bbox.astype(jnp.int32).transpose(2, 0, 1).reshape(_F * _B * _S)
    return _sc_embed(bbox_fm, x_tab, y_tab, h_tab, w_tab)

# --- scband reference (transcript-rebuilt; emitter-appended) ---
"""Pipeline reference for scband-layout-lmv2-embeddings-10977936409152 (READ-ONLY COPY).

The authoritative reference and input builder live on the scoring server;
editing this copy changes nothing except your own understanding.
"""

import jax, jax.numpy as jnp
import numpy as np

B, S = 4, 8192
COORD = 128
SHAPE = 128
NPOS = 1024 + 1  # max_2d_*_position_embeddings + 1


def setup_inputs(seed: int = 0) -> dict:
    key = jax.random.key(seed)
    k_bbox, k_x, k_y, k_h, k_w = jax.random.split(key, 5)
    bbox = jax.random.randint(k_bbox, (B, S, 6), 0, 1024, dtype=jnp.int64 if jax.config.jax_enable_x64 else jnp.int32)
    x_tab = jax.random.normal(k_x, (NPOS, COORD), dtype=jnp.float32) * 0.02
    y_tab = jax.random.normal(k_y, (NPOS, COORD), dtype=jnp.float32) * 0.02
    h_tab = jax.random.normal(k_h, (NPOS, SHAPE), dtype=jnp.float32) * 0.02
    w_tab = jax.random.normal(k_w, (NPOS, SHAPE), dtype=jnp.float32) * 0.02
    return {"bbox": bbox, "x_tab": x_tab, "y_tab": y_tab, "h_tab": h_tab, "w_tab": w_tab}


def reference(bbox, x_tab, y_tab, h_tab, w_tab):
    # _calc_spatial_position_embeddings
    left = jnp.take(x_tab, bbox[:, :, 0], axis=0)
    upper = jnp.take(y_tab, bbox[:, :, 1], axis=0)
    right = jnp.take(x_tab, bbox[:, :, 2], axis=0)
    lower = jnp.take(y_tab, bbox[:, :, 3], axis=0)
    h_emb = jnp.take(h_tab, bbox[:, :, 4], axis=0)
    w_emb = jnp.take(w_tab, bbox[:, :, 5], axis=0)
    spatial = jnp.concatenate([left, upper, right, lower, h_emb, w_emb], axis=-1)
    return spatial

if __name__ == "__main__":
    import jax
    _d = setup_inputs()
    print(jax.jit(kernel)(*tuple(_d.values())))

</pallas_src>

<mosaic_0001>
#map = affine_map<(d0, d1) -> (0)>
#map1 = affine_map<(d0, d1) -> (0, 0)>
#map2 = affine_map<(d0, d1) -> (0, 0, 0)>
module attributes {stable_mosaic.version = 14 : i64} {
  func.func @_sc_body(%arg0: i32, %arg1: i32, %arg2: memref<196608xi32, #tpu.memory_space<hbm>>, %arg3: memref<1025x128xf32, #tpu.memory_space<hbm>>, %arg4: memref<1025x128xf32, #tpu.memory_space<hbm>>, %arg5: memref<1025x128xf32, #tpu.memory_space<hbm>>, %arg6: memref<1025x128xf32, #tpu.memory_space<hbm>>, %arg7: memref<4x8192x768xf32, #tpu.memory_space<hbm>>, %arg8: memref<1025x128xf32, #tpu.memory_space<vmem_shared>>, %arg9: memref<1025x128xf32, #tpu.memory_space<vmem_shared>>, %arg10: memref<1025x128xf32, #tpu.memory_space<vmem_shared>>, %arg11: memref<1025x128xf32, #tpu.memory_space<vmem_shared>>, %arg12: memref<6144xi32, #tpu.memory_space<vmem>>, %arg13: memref<4x128x128xf32, #tpu.memory_space<vmem>>, %arg14: memref<!tpu.dma_semaphore, #tpu.memory_space<semaphore_mem>>) attributes {dimension_semantics = [#tpu.dimension_semantics<core_parallel>, #tpu.dimension_semantics<subcore_parallel>], iteration_bounds = array<i64: 2, 16>, scalar_prefetch = 0 : i64, scratch_operands = 7 : i64, tpu.core_type = #tpu.core_type<sc_vector_subcore>, window_params = [{transform_indices = #map}, {transform_indices = #map1}, {transform_indices = #map1}, {transform_indices = #map1}, {transform_indices = #map1}, {transform_indices = #map2}]} {
    %mul3A = arith.constant 2 : i32
    %mul3A_0 = arith.muli %arg1, %mul3A : i32
    %add3A = arith.addi %mul3A_0, %arg0 : i32
    %jit3A = arith.constant 8 : i32
    %div3A = arith.divsi %add3A, %jit3A : i32
    %sign3A = arith.constant 0 : i32
    %sign3A_1 = arith.cmpi sgt, %add3A, %sign3A : i32
    %sign3A_2 = arith.extui %sign3A_1 : i1 to i32
    %sign3A_3 = arith.constant 0 : i32
    %sign3A_4 = arith.cmpi slt, %add3A, %sign3A_3 : i32
    %sign3A_5 = arith.extui %sign3A_4 : i1 to i32
    %sign3A_6 = arith.subi %sign3A_2, %sign3A_5 : i32
    %sign3A_7 = arith.constant 0 : i32
    %sign3A_8 = arith.cmpi sgt, %jit3A, %sign3A_7 : i32
    %sign3A_9 = arith.extui %sign3A_8 : i1 to i32
    %sign3A_10 = arith.constant 0 : i32
    %sign3A_11 = arith.cmpi slt, %jit3A, %sign3A_10 : i32
    %sign3A_12 = arith.extui %sign3A_11 : i1 to i32
    %sign3A_13 = arith.subi %sign3A_9, %sign3A_12 : i32
    %ne3A = arith.cmpi ne, %sign3A_6, %sign3A_13 : i32
    %rem3A = arith.remsi %add3A, %jit3A : i32
    %ne3A_14 = arith.constant 0 : i32
    %ne3A_15 = arith.cmpi ne, %rem3A, %ne3A_14 : i32
    %and3A = arith.andi %ne3A, %ne3A_15 : i1
    %sub3A = arith.constant 1 : i32
    %sub3A_16 = arith.subi %div3A, %sub3A : i32
    %select_n3A = arith.select %and3A, %sub3A_16, %div3A : i32
    %jit3A_17 = arith.constant 8 : i32
    %eq3A = arith.constant 0 : i32
    %eq3A_18 = arith.cmpi eq, %jit3A_17, %eq3A : i32
    %jit3A_19 = arith.constant 1 : i32
    %select_n3A_20 = arith.select %eq3A_18, %jit3A_19, %jit3A_17 : i32
    %rem3A_21 = arith.remsi %add3A, %select_n3A_20 : i32
    %ne3A_22 = arith.constant 0 : i32
    %ne3A_23 = arith.cmpi ne, %rem3A_21, %ne3A_22 : i32
    %lt3A = arith.constant 0 : i32
    %lt3A_24 = arith.cmpi slt, %rem3A_21, %lt3A : i32
    %lt3A_25 = arith.constant 0 : i32
    %lt3A_26 = arith.cmpi slt, %select_n3A_20, %lt3A_25 : i32
    %ne3A_27 = arith.xori %lt3A_24, %lt3A_26 : i1
    %and3A_28 = arith.andi %ne3A_27, %ne3A_23 : i1
    %add3A_29 = arith.addi %rem3A_21, %select_n3A_20 : i32
    %select_n3A_30 = arith.select %and3A_28, %add3A_29, %rem3A_21 : i32
    %mul3A_31 = arith.constant 1024 : i32
    %mul3A_32 = arith.muli %select_n3A_30, %mul3A_31 : i32
    %jit3A_33 = arith.constant 4 : i32
    %eq3A_34 = arith.constant 0 : i32
    %eq3A_35 = arith.cmpi eq, %jit3A_33, %eq3A_34 : i32
    %jit3A_36 = arith.constant 1 : i32
    %select_n3A_37 = arith.select %eq3A_35, %jit3A_36, %jit3A_33 : i32
    %rem3A_38 = arith.remsi %arg1, %select_n3A_37 : i32
    %ne3A_39 = arith.constant 0 : i32
    %ne3A_40 = arith.cmpi ne, %rem3A_38, %ne3A_39 : i32
    %lt3A_41 = arith.constant 0 : i32
    %lt3A_42 = arith.cmpi slt, %rem3A_38, %lt3A_41 : i32
    %lt3A_43 = arith.constant 0 : i32
    %lt3A_44 = arith.cmpi slt, %select_n3A_37, %lt3A_43 : i32
    %ne3A_45 = arith.xori %lt3A_42, %lt3A_44 : i1
    %and3A_46 = arith.andi %ne3A_45, %ne3A_40 : i1
    %add3A_47 = arith.addi %rem3A_38, %select_n3A_37 : i32
    %select_n3A_48 = arith.select %and3A_46, %add3A_47, %rem3A_38 : i32
    %jit3A_49 = arith.constant 4 : i32
    %div3A_50 = arith.divsi %arg1, %jit3A_49 : i32
    %sign3A_51 = arith.constant 0 : i32
    %sign3A_52 = arith.cmpi sgt, %arg1, %sign3A_51 : i32
    %sign3A_53 = arith.extui %sign3A_52 : i1 to i32
    %sign3A_54 = arith.constant 0 : i32
    %sign3A_55 = arith.cmpi slt, %arg1, %sign3A_54 : i32
    %sign3A_56 = arith.extui %sign3A_55 : i1 to i32
    %sign3A_57 = arith.subi %sign3A_53, %sign3A_56 : i32
    %sign3A_58 = arith.constant 0 : i32
    %sign3A_59 = arith.cmpi sgt, %jit3A_49, %sign3A_58 : i32
    %sign3A_60 = arith.extui %sign3A_59 : i1 to i32
    %sign3A_61 = arith.constant 0 : i32
    %sign3A_62 = arith.cmpi slt, %jit3A_49, %sign3A_61 : i32
    %sign3A_63 = arith.extui %sign3A_62 : i1 to i32
    %sign3A_64 = arith.subi %sign3A_60, %sign3A_63 : i32
    %ne3A_65 = arith.cmpi ne, %sign3A_57, %sign3A_64 : i32
    %rem3A_66 = arith.remsi %arg1, %jit3A_49 : i32
    %ne3A_67 = arith.constant 0 : i32
    %ne3A_68 = arith.cmpi ne, %rem3A_66, %ne3A_67 : i32
    %and3A_69 = arith.andi %ne3A_65, %ne3A_68 : i1
    %sub3A_70 = arith.constant 1 : i32
    %sub3A_71 = arith.subi %div3A_50, %sub3A_70 : i32
    %select_n3A_72 = arith.select %and3A_69, %sub3A_71, %div3A_50 : i32
    %eq3A_73 = arith.constant 0 : i32
    %eq3A_74 = arith.cmpi eq, %select_n3A_72, %eq3A_73 : i32
    %convert_element_type3A = arith.extui %eq3A_74 : i1 to i32
    %cond3A = arith.constant 0 : i32
    %cond3A_75 = arith.cmpi ne, %convert_element_type3A, %cond3A : i32
    scf.if %cond3A_75 {
      %mul3A_315 = arith.constant 256 : i32
      %mul3A_316 = arith.muli %select_n3A_48, %mul3A_315 : i32
      %mul3A_317 = arith.constant 256 : i32
      %mul3A_318 = arith.muli %select_n3A_48, %mul3A_317 : i32
      %dma_start3A_319 = arith.constant 0 : i32
      %dma_start3A_320 = tpu.memref_slice %arg8[%mul3A_318, %dma_start3A_319] : memref<1025x128xf32, #tpu.memory_space<vmem_shared>> -> memref<256x128xf32, #tpu.memory_space<vmem_shared>>
      %dma_start3A_321 = arith.constant 0 : i32
      %dma_start3A_322 = tpu.memref_slice %arg3[%mul3A_316, %dma_start3A_321] : memref<1025x128xf32, #tpu.memory_space<hbm>> -> memref<256x128xf32, #tpu.memory_space<hbm>>
      tpu.enqueue_dma source(%dma_start3A_322 : memref<256x128xf32, #tpu.memory_space<hbm>>) target(%dma_start3A_320 : memref<256x128xf32, #tpu.memory_space<vmem_shared>>) target_semaphore(%arg14 : memref<!tpu.dma_semaphore, #tpu.memory_space<semaphore_mem>>)
      %eq3A_323 = arith.constant 3 : i32
      %eq3A_324 = arith.cmpi eq, %select_n3A_48, %eq3A_323 : i32
      %convert_element_type3A_325 = arith.extui %eq3A_324 : i1 to i32
      %cond3A_326 = arith.constant 0 : i32
      %cond3A_327 = arith.cmpi ne, %convert_element_type3A_325, %cond3A_326 : i32
      scf.if %cond3A_327 {
        %dma_start3A_328 = arith.constant 1024 : i32
        %dma_start3A_329 = arith.constant 0 : i32
        %dma_start3A_330 = tpu.memref_slice %arg8[%dma_start3A_328, %dma_start3A_329] : memref<1025x128xf32, #tpu.memory_space<vmem_shared>> -> memref<1x128xf32, #tpu.memory_space<vmem_shared>>
        %dma_start3A_331 = arith.constant 1024 : i32
        %dma_start3A_332 = arith.constant 0 : i32
        %dma_start3A_333 = tpu.memref_slice %arg3[%dma_start3A_331, %dma_start3A_332] : memref<1025x128xf32, #tpu.memory_space<hbm>> -> memref<1x128xf32, #tpu.memory_space<hbm>>
        tpu.enqueue_dma source(%dma_start3A_333 : memref<1x128xf32, #tpu.memory_space<hbm>>) target(%dma_start3A_330 : memref<1x128xf32, #tpu.memory_space<vmem_shared>>) target_semaphore(%arg14 : memref<!tpu.dma_semaphore, #tpu.memory_space<semaphore_mem>>)
      } else {
      }
    } else {
    }
    %jit3A_76 = arith.constant 4 : i32
    %div3A_77 = arith.divsi %arg1, %jit3A_76 : i32
    %sign3A_78 = arith.constant 0 : i32
    %sign3A_79 = arith.cmpi sgt, %arg1, %sign3A_78 : i32
    %sign3A_80 = arith.extui %sign3A_79 : i1 to i32
    %sign3A_81 = arith.constant 0 : i32
    %sign3A_82 = arith.cmpi slt, %arg1, %sign3A_81 : i32
    %sign3A_83 = arith.extui %sign3A_82 : i1 to i32
    %sign3A_84 = arith.subi %sign3A_80, %sign3A_83 : i32
    %sign3A_85 = arith.constant 0 : i32
    %sign3A_86 = arith.cmpi sgt, %jit3A_76, %sign3A_85 : i32
    %sign3A_87 = arith.extui %sign3A_86 : i1 to i32
    %sign3A_88 = arith.constant 0 : i32
    %sign3A_89 = arith.cmpi slt, %jit3A_76, %sign3A_88 : i32
    %sign3A_90 = arith.extui %sign3A_89 : i1 to i32
    %sign3A_91 = arith.subi %sign3A_87, %sign3A_90 : i32
    %ne3A_92 = arith.cmpi ne, %sign3A_84, %sign3A_91 : i32
    %rem3A_93 = arith.remsi %arg1, %jit3A_76 : i32
    %ne3A_94 = arith.constant 0 : i32
    %ne3A_95 = arith.cmpi ne, %rem3A_93, %ne3A_94 : i32
    %and3A_96 = arith.andi %ne3A_92, %ne3A_95 : i1
    %sub3A_97 = arith.constant 1 : i32
    %sub3A_98 = arith.subi %div3A_77, %sub3A_97 : i32
    %select_n3A_99 = arith.select %and3A_96, %sub3A_98, %div3A_77 : i32
    %eq3A_100 = arith.constant 1 : i32
    %eq3A_101 = arith.cmpi eq, %select_n3A_99, %eq3A_100 : i32
    %convert_element_type3A_102 = arith.extui %eq3A_101 : i1 to i32
    %cond3A_103 = arith.constant 0 : i32
    %cond3A_104 = arith.cmpi ne, %convert_element_type3A_102, %cond3A_103 : i32
    scf.if %cond3A_104 {
      %mul3A_315 = arith.constant 256 : i32
      %mul3A_316 = arith.muli %select_n3A_48, %mul3A_315 : i32
      %mul3A_317 = arith.constant 256 : i32
      %mul3A_318 = arith.muli %select_n3A_48, %mul3A_317 : i32
      %dma_start3A_319 = arith.constant 0 : i32
      %dma_start3A_320 = tpu.memref_slice %arg9[%mul3A_318, %dma_start3A_319] : memref<1025x128xf32, #tpu.memory_space<vmem_shared>> -> memref<256x128xf32, #tpu.memory_space<vmem_shared>>
      %dma_start3A_321 = arith.constant 0 : i32
      %dma_start3A_322 = tpu.memref_slice %arg4[%mul3A_316, %dma_start3A_321] : memref<1025x128xf32, #tpu.memory_space<hbm>> -> memref<256x128xf32, #tpu.memory_space<hbm>>
      tpu.enqueue_dma source(%dma_start3A_322 : memref<256x128xf32, #tpu.memory_space<hbm>>) target(%dma_start3A_320 : memref<256x128xf32, #tpu.memory_space<vmem_shared>>) target_semaphore(%arg14 : memref<!tpu.dma_semaphore, #tpu.memory_space<semaphore_mem>>)
      %eq3A_323 = arith.constant 3 : i32
      %eq3A_324 = arith.cmpi eq, %select_n3A_48, %eq3A_323 : i32
      %convert_element_type3A_325 = arith.extui %eq3A_324 : i1 to i32
      %cond3A_326 = arith.constant 0 : i32
      %cond3A_327 = arith.cmpi ne, %convert_element_type3A_325, %cond3A_326 : i32
      scf.if %cond3A_327 {
        %dma_start3A_328 = arith.constant 1024 : i32
        %dma_start3A_329 = arith.constant 0 : i32
        %dma_start3A_330 = tpu.memref_slice %arg9[%dma_start3A_328, %dma_start3A_329] : memref<1025x128xf32, #tpu.memory_space<vmem_shared>> -> memref<1x128xf32, #tpu.memory_space<vmem_shared>>
        %dma_start3A_331 = arith.constant 1024 : i32
        %dma_start3A_332 = arith.constant 0 : i32
        %dma_start3A_333 = tpu.memref_slice %arg4[%dma_start3A_331, %dma_start3A_332] : memref<1025x128xf32, #tpu.memory_space<hbm>> -> memref<1x128xf32, #tpu.memory_space<hbm>>
        tpu.enqueue_dma source(%dma_start3A_333 : memref<1x128xf32, #tpu.memory_space<hbm>>) target(%dma_start3A_330 : memref<1x128xf32, #tpu.memory_space<vmem_shared>>) target_semaphore(%arg14 : memref<!tpu.dma_semaphore, #tpu.memory_space<semaphore_mem>>)
      } else {
      }
    } else {
    }
    %jit3A_105 = arith.constant 4 : i32
    %div3A_106 = arith.divsi %arg1, %jit3A_105 : i32
    %sign3A_107 = arith.constant 0 : i32
    %sign3A_108 = arith.cmpi sgt, %arg1, %sign3A_107 : i32
    %sign3A_109 = arith.extui %sign3A_108 : i1 to i32
    %sign3A_110 = arith.constant 0 : i32
    %sign3A_111 = arith.cmpi slt, %arg1, %sign3A_110 : i32
    %sign3A_112 = arith.extui %sign3A_111 : i1 to i32
    %sign3A_113 = arith.subi %sign3A_109, %sign3A_112 : i32
    %sign3A_114 = arith.constant 0 : i32
    %sign3A_115 = arith.cmpi sgt, %jit3A_105, %sign3A_114 : i32
    %sign3A_116 = arith.extui %sign3A_115 : i1 to i32
    %sign3A_117 = arith.constant 0 : i32
    %sign3A_118 = arith.cmpi slt, %jit3A_105, %sign3A_117 : i32
    %sign3A_119 = arith.extui %sign3A_118 : i1 to i32
    %sign3A_120 = arith.subi %sign3A_116, %sign3A_119 : i32
    %ne3A_121 = arith.cmpi ne, %sign3A_113, %sign3A_120 : i32
    %rem3A_122 = arith.remsi %arg1, %jit3A_105 : i32
    %ne3A_123 = arith.constant 0 : i32
    %ne3A_124 = arith.cmpi ne, %rem3A_122, %ne3A_123 : i32
    %and3A_125 = arith.andi %ne3A_121, %ne3A_124 : i1
    %sub3A_126 = arith.constant 1 : i32
    %sub3A_127 = arith.subi %div3A_106, %sub3A_126 : i32
    %select_n3A_128 = arith.select %and3A_125, %sub3A_127, %div3A_106 : i32
    %eq3A_129 = arith.constant 2 : i32
    %eq3A_130 = arith.cmpi eq, %select_n3A_128, %eq3A_129 : i32
    %convert_element_type3A_131 = arith.extui %eq3A_130 : i1 to i32
    %cond3A_132 = arith.constant 0 : i32
    %cond3A_133 = arith.cmpi ne, %convert_element_type3A_131, %cond3A_132 : i32
    scf.if %cond3A_133 {
      %mul3A_315 = arith.constant 256 : i32
      %mul3A_316 = arith.muli %select_n3A_48, %mul3A_315 : i32
      %mul3A_317 = arith.constant 256 : i32
      %mul3A_318 = arith.muli %select_n3A_48, %mul3A_317 : i32
      %dma_start3A_319 = arith.constant 0 : i32
      %dma_start3A_320 = tpu.memref_slice %arg10[%mul3A_318, %dma_start3A_319] : memref<1025x128xf32, #tpu.memory_space<vmem_shared>> -> memref<256x128xf32, #tpu.memory_space<vmem_shared>>
      %dma_start3A_321 = arith.constant 0 : i32
      %dma_start3A_322 = tpu.memref_slice %arg5[%mul3A_316, %dma_start3A_321] : memref<1025x128xf32, #tpu.memory_space<hbm>> -> memref<256x128xf32, #tpu.memory_space<hbm>>
      tpu.enqueue_dma source(%dma_start3A_322 : memref<256x128xf32, #tpu.memory_space<hbm>>) target(%dma_start3A_320 : memref<256x128xf32, #tpu.memory_space<vmem_shared>>) target_semaphore(%arg14 : memref<!tpu.dma_semaphore, #tpu.memory_space<semaphore_mem>>)
      %eq3A_323 = arith.constant 3 : i32
      %eq3A_324 = arith.cmpi eq, %select_n3A_48, %eq3A_323 : i32
      %convert_element_type3A_325 = arith.extui %eq3A_324 : i1 to i32
      %cond3A_326 = arith.constant 0 : i32
      %cond3A_327 = arith.cmpi ne, %convert_element_type3A_325, %cond3A_326 : i32
      scf.if %cond3A_327 {
        %dma_start3A_328 = arith.constant 1024 : i32
        %dma_start3A_329 = arith.constant 0 : i32
        %dma_start3A_330 = tpu.memref_slice %arg10[%dma_start3A_328, %dma_start3A_329] : memref<1025x128xf32, #tpu.memory_space<vmem_shared>> -> memref<1x128xf32, #tpu.memory_space<vmem_shared>>
        %dma_start3A_331 = arith.constant 1024 : i32
        %dma_start3A_332 = arith.constant 0 : i32
        %dma_start3A_333 = tpu.memref_slice %arg5[%dma_start3A_331, %dma_start3A_332] : memref<1025x128xf32, #tpu.memory_space<hbm>> -> memref<1x128xf32, #tpu.memory_space<hbm>>
        tpu.enqueue_dma source(%dma_start3A_333 : memref<1x128xf32, #tpu.memory_space<hbm>>) target(%dma_start3A_330 : memref<1x128xf32, #tpu.memory_space<vmem_shared>>) target_semaphore(%arg14 : memref<!tpu.dma_semaphore, #tpu.memory_space<semaphore_mem>>)
      } else {
      }
    } else {
    }
    %jit3A_134 = arith.constant 4 : i32
    %div3A_135 = arith.divsi %arg1, %jit3A_134 : i32
    %sign3A_136 = arith.constant 0 : i32
    %sign3A_137 = arith.cmpi sgt, %arg1, %sign3A_136 : i32
    %sign3A_138 = arith.extui %sign3A_137 : i1 to i32
    %sign3A_139 = arith.constant 0 : i32
    %sign3A_140 = arith.cmpi slt, %arg1, %sign3A_139 : i32
    %sign3A_141 = arith.extui %sign3A_140 : i1 to i32
    %sign3A_142 = arith.subi %sign3A_138, %sign3A_141 : i32
    %sign3A_143 = arith.constant 0 : i32
    %sign3A_144 = arith.cmpi sgt, %jit3A_134, %sign3A_143 : i32
    %sign3A_145 = arith.extui %sign3A_144 : i1 to i32
    %sign3A_146 = arith.constant 0 : i32
    %sign3A_147 = arith.cmpi slt, %jit3A_134, %sign3A_146 : i32
    %sign3A_148 = arith.extui %sign3A_147 : i1 to i32
    %sign3A_149 = arith.subi %sign3A_145, %sign3A_148 : i32
    %ne3A_150 = arith.cmpi ne, %sign3A_142, %sign3A_149 : i32
    %rem3A_151 = arith.remsi %arg1, %jit3A_134 : i32
    %ne3A_152 = arith.constant 0 : i32
    %ne3A_153 = arith.cmpi ne, %rem3A_151, %ne3A_152 : i32
    %and3A_154 = arith.andi %ne3A_150, %ne3A_153 : i1
    %sub3A_155 = arith.constant 1 : i32
    %sub3A_156 = arith.subi %div3A_135, %sub3A_155 : i32
    %select_n3A_157 = arith.select %and3A_154, %sub3A_156, %div3A_135 : i32
    %eq3A_158 = arith.constant 3 : i32
    %eq3A_159 = arith.cmpi eq, %select_n3A_157, %eq3A_158 : i32
    %convert_element_type3A_160 = arith.extui %eq3A_159 : i1 to i32
    %cond3A_161 = arith.constant 0 : i32
    %cond3A_162 = arith.cmpi ne, %convert_element_type3A_160, %cond3A_161 : i32
    scf.if %cond3A_162 {
      %mul3A_315 = arith.constant 256 : i32
      %mul3A_316 = arith.muli %select_n3A_48, %mul3A_315 : i32
      %mul3A_317 = arith.constant 256 : i32
      %mul3A_318 = arith.muli %select_n3A_48, %mul3A_317 : i32
      %dma_start3A_319 = arith.constant 0 : i32
      %dma_start3A_320 = tpu.memref_slice %arg11[%mul3A_318, %dma_start3A_319] : memref<1025x128xf32, #tpu.memory_space<vmem_shared>> -> memref<256x128xf32, #tpu.memory_space<vmem_shared>>
      %dma_start3A_321 = arith.constant 0 : i32
      %dma_start3A_322 = tpu.memref_slice %arg6[%mul3A_316, %dma_start3A_321] : memref<1025x128xf32, #tpu.memory_space<hbm>> -> memref<256x128xf32, #tpu.memory_space<hbm>>
      tpu.enqueue_dma source(%dma_start3A_322 : memref<256x128xf32, #tpu.memory_space<hbm>>) target(%dma_start3A_320 : memref<256x128xf32, #tpu.memory_space<vmem_shared>>) target_semaphore(%arg14 : memref<!tpu.dma_semaphore, #tpu.memory_space<semaphore_mem>>)
      %eq3A_323 = arith.constant 3 : i32
      %eq3A_324 = arith.cmpi eq, %select_n3A_48, %eq3A_323 : i32
      %convert_element_type3A_325 = arith.extui %eq3A_324 : i1 to i32
      %cond3A_326 = arith.constant 0 : i32
      %cond3A_327 = arith.cmpi ne, %convert_element_type3A_325, %cond3A_326 : i32
      scf.if %cond3A_327 {
        %dma_start3A_328 = arith.constant 1024 : i32
        %dma_start3A_329 = arith.constant 0 : i32
        %dma_start3A_330 = tpu.memref_slice %arg11[%dma_start3A_328, %dma_start3A_329] : memref<1025x128xf32, #tpu.memory_space<vmem_shared>> -> memref<1x128xf32, #tpu.memory_space<vmem_shared>>
        %dma_start3A_331 = arith.constant 1024 : i32
        %dma_start3A_332 = arith.constant 0 : i32
        %dma_start3A_333 = tpu.memref_slice %arg6[%dma_start3A_331, %dma_start3A_332] : memref<1025x128xf32, #tpu.memory_space<hbm>> -> memref<1x128xf32, #tpu.memory_space<hbm>>
        tpu.enqueue_dma source(%dma_start3A_333 : memref<1x128xf32, #tpu.memory_space<hbm>>) target(%dma_start3A_330 : memref<1x128xf32, #tpu.memory_space<vmem_shared>>) target_semaphore(%arg14 : memref<!tpu.dma_semaphore, #tpu.memory_space<semaphore_mem>>)
      } else {
      }
    } else {
    }
    %mul3A_163 = arith.constant 1024 : i32
    %mul3A_164 = arith.muli %add3A, %mul3A_163 : i32
    %add3A_165 = arith.constant 0 : i32
    %add3A_166 = arith.addi %add3A_165, %mul3A_164 : i32
    %dma_start3A = arith.constant 0 : i32
    %dma_start3A_167 = tpu.memref_slice %arg12[%dma_start3A] : memref<6144xi32, #tpu.memory_space<vmem>> -> memref<1024xi32, #tpu.memory_space<vmem>>
    %dma_start3A_168 = tpu.memref_slice %arg2[%add3A_166] : memref<196608xi32, #tpu.memory_space<hbm>> -> memref<1024xi32, #tpu.memory_space<hbm>>
    %dma_start3A_169 = arith.constant 0 : i32
    %dma_start3A_170 = tpu.memref_slice %arg12[%dma_start3A_169] : memref<6144xi32, #tpu.memory_space<vmem>> -> memref<1024xi32, #tpu.memory_space<vmem>>
    %dma_start3A_171 = tpu.memref_slice %arg2[%add3A_166] : memref<196608xi32, #tpu.memory_space<hbm>> -> memref<1024xi32, #tpu.memory_space<hbm>>
    tpu.enqueue_dma source(%dma_start3A_171 : memref<1024xi32, #tpu.memory_space<hbm>>) target(%dma_start3A_170 : memref<1024xi32, #tpu.memory_space<vmem>>) target_semaphore(%arg14 : memref<!tpu.dma_semaphore, #tpu.memory_space<semaphore_mem>>)
    %mul3A_172 = arith.constant 1024 : i32
    %mul3A_173 = arith.muli %add3A, %mul3A_172 : i32
    %add3A_174 = arith.constant 32768 : i32
    %add3A_175 = arith.addi %add3A_174, %mul3A_173 : i32
    %dma_start3A_176 = arith.constant 1024 : i32
    %dma_start3A_177 = tpu.memref_slice %arg12[%dma_start3A_176] : memref<6144xi32, #tpu.memory_space<vmem>> -> memref<1024xi32, #tpu.memory_space<vmem>>
    %dma_start3A_178 = tpu.memref_slice %arg2[%add3A_175] : memref<196608xi32, #tpu.memory_space<hbm>> -> memref<1024xi32, #tpu.memory_space<hbm>>
    %dma_start3A_179 = arith.constant 1024 : i32
    %dma_start3A_180 = tpu.memref_slice %arg12[%dma_start3A_179] : memref<6144xi32, #tpu.memory_space<vmem>> -> memref<1024xi32, #tpu.memory_space<vmem>>
    %dma_start3A_181 = tpu.memref_slice %arg2[%add3A_175] : memref<196608xi32, #tpu.memory_space<hbm>> -> memref<1024xi32, #tpu.memory_space<hbm>>
    tpu.enqueue_dma source(%dma_start3A_181 : memref<1024xi32, #tpu.memory_space<hbm>>) target(%dma_start3A_180 : memref<1024xi32, #tpu.memory_space<vmem>>) target_semaphore(%arg14 : memref<!tpu.dma_semaphore, #tpu.memory_space<semaphore_mem>>)
    %mul3A_182 = arith.constant 1024 : i32
    %mul3A_183 = arith.muli %add3A, %mul3A_182 : i32
    %add3A_184 = arith.constant 65536 : i32
    %add3A_185 = arith.addi %add3A_184, %mul3A_183 : i32
    %dma_start3A_186 = arith.constant 2048 : i32
    %dma_start3A_187 = tpu.memref_slice %arg12[%dma_start3A_186] : memref<6144xi32, #tpu.memory_space<vmem>> -> memref<1024xi32, #tpu.memory_space<vmem>>
    %dma_start3A_188 = tpu.memref_slice %arg2[%add3A_185] : memref<196608xi32, #tpu.memory_space<hbm>> -> memref<1024xi32, #tpu.memory_space<hbm>>
    %dma_start3A_189 = arith.constant 2048 : i32
    %dma_start3A_190 = tpu.memref_slice %arg12[%dma_start3A_189] : memref<6144xi32, #tpu.memory_space<vmem>> -> memref<1024xi32, #tpu.memory_space<vmem>>
    %dma_start3A_191 = tpu.memref_slice %arg2[%add3A_185] : memref<196608xi32, #tpu.memory_space<hbm>> -> memref<1024xi32, #tpu.memory_space<hbm>>
    tpu.enqueue_dma source(%dma_start3A_191 : memref<1024xi32, #tpu.memory_space<hbm>>) target(%dma_start3A_190 : memref<1024xi32, #tpu.memory_space<vmem>>) target_semaphore(%arg14 : memref<!tpu.dma_semaphore, #tpu.memory_space<semaphore_mem>>)
    %mul3A_192 = arith.constant 1024 : i32
    %mul3A_193 = arith.muli %add3A, %mul3A_192 : i32
    %add3A_194 = arith.constant 98304 : i32
    %add3A_195 = arith.addi %add3A_194, %mul3A_193 : i32
    %dma_start3A_196 = arith.constant 3072 : i32
    %dma_start3A_197 = tpu.memref_slice %arg12[%dma_start3A_196] : memref<6144xi32, #tpu.memory_space<vmem>> -> memref<1024xi32, #tpu.memory_space<vmem>>
    %dma_start3A_198 = tpu.memref_slice %arg2[%add3A_195] : memref<196608xi32, #tpu.memory_space<hbm>> -> memref<1024xi32, #tpu.memory_space<hbm>>
    %dma_start3A_199 = arith.constant 3072 : i32
    %dma_start3A_200 = tpu.memref_slice %arg12[%dma_start3A_199] : memref<6144xi32, #tpu.memory_space<vmem>> -> memref<1024xi32, #tpu.memory_space<vmem>>
    %dma_start3A_201 = tpu.memref_slice %arg2[%add3A_195] : memref<196608xi32, #tpu.memory_space<hbm>> -> memref<1024xi32, #tpu.memory_space<hbm>>
    tpu.enqueue_dma source(%dma_start3A_201 : memref<1024xi32, #tpu.memory_space<hbm>>) target(%dma_start3A_200 : memref<1024xi32, #tpu.memory_space<vmem>>) target_semaphore(%arg14 : memref<!tpu.dma_semaphore, #tpu.memory_space<semaphore_mem>>)
    %mul3A_202 = arith.constant 1024 : i32
    %mul3A_203 = arith.muli %add3A, %mul3A_202 : i32
    %add3A_204 = arith.constant 131072 : i32
    %add3A_205 = arith.addi %add3A_204, %mul3A_203 : i32
    %dma_start3A_206 = arith.constant 4096 : i32
    %dma_start3A_207 = tpu.memref_slice %arg12[%dma_start3A_206] : memref<6144xi32, #tpu.memory_space<vmem>> -> memref<1024xi32, #tpu.memory_space<vmem>>
    %dma_start3A_208 = tpu.memref_slice %arg2[%add3A_205] : memref<196608xi32, #tpu.memory_space<hbm>> -> memref<1024xi32, #tpu.memory_space<hbm>>
    %dma_start3A_209 = arith.constant 4096 : i32
    %dma_start3A_210 = tpu.memref_slice %arg12[%dma_start3A_209] : memref<6144xi32, #tpu.memory_space<vmem>> -> memref<1024xi32, #tpu.memory_space<vmem>>
    %dma_start3A_211 = tpu.memref_slice %arg2[%add3A_205] : memref<196608xi32, #tpu.memory_space<hbm>> -> memref<1024xi32, #tpu.memory_space<hbm>>
    tpu.enqueue_dma source(%dma_start3A_211 : memref<1024xi32, #tpu.memory_space<hbm>>) target(%dma_start3A_210 : memref<1024xi32, #tpu.memory_space<vmem>>) target_semaphore(%arg14 : memref<!tpu.dma_semaphore, #tpu.memory_space<semaphore_mem>>)
    %mul3A_212 = arith.constant 1024 : i32
    %mul3A_213 = arith.muli %add3A, %mul3A_212 : i32
    %add3A_214 = arith.constant 163840 : i32
    %add3A_215 = arith.addi %add3A_214, %mul3A_213 : i32
    %dma_start3A_216 = arith.constant 5120 : i32
    %dma_start3A_217 = tpu.memref_slice %arg12[%dma_start3A_216] : memref<6144xi32, #tpu.memory_space<vmem>> -> memref<1024xi32, #tpu.memory_space<vmem>>
    %dma_start3A_218 = tpu.memref_slice %arg2[%add3A_215] : memref<196608xi32, #tpu.memory_space<hbm>> -> memref<1024xi32, #tpu.memory_space<hbm>>
    %dma_start3A_219 = arith.constant 5120 : i32
    %dma_start3A_220 = tpu.memref_slice %arg12[%dma_start3A_219] : memref<6144xi32, #tpu.memory_space<vmem>> -> memref<1024xi32, #tpu.memory_space<vmem>>
    %dma_start3A_221 = tpu.memref_slice %arg2[%add3A_215] : memref<196608xi32, #tpu.memory_space<hbm>> -> memref<1024xi32, #tpu.memory_space<hbm>>
    tpu.enqueue_dma source(%dma_start3A_221 : memref<1024xi32, #tpu.memory_space<hbm>>) target(%dma_start3A_220 : memref<1024xi32, #tpu.memory_space<vmem>>) target_semaphore(%arg14 : memref<!tpu.dma_semaphore, #tpu.memory_space<semaphore_mem>>)
    %dma_wait3A = arith.constant 0 : i32
    %dma_wait3A_222 = arith.constant 0 : i32
    %dma_wait3A_223 = tpu.memref_slice %arg8[%dma_wait3A, %dma_wait3A_222] : memref<1025x128xf32, #tpu.memory_space<vmem_shared>> -> memref<256x128xf32, #tpu.memory_space<vmem_shared>>
    %dma_wait3A_224 = arith.constant 0 : i32
    %dma_wait3A_225 = arith.constant 0 : i32
    %dma_wait3A_226 = tpu.memref_slice %arg3[%dma_wait3A_224, %dma_wait3A_225] : memref<1025x128xf32, #tpu.memory_space<hbm>> -> memref<256x128xf32, #tpu.memory_space<hbm>>
    tpu.wait_dma2 semaphore(%arg14 : memref<!tpu.dma_semaphore, #tpu.memory_space<semaphore_mem>>) src(%dma_wait3A_226 : memref<256x128xf32, #tpu.memory_space<hbm>>) dst(%dma_wait3A_223 : memref<256x128xf32, #tpu.memory_space<vmem_shared>>)
    %eq3A_227 = arith.constant 3 : i32
    %eq3A_228 = arith.cmpi eq, %select_n3A_48, %eq3A_227 : i32
    %convert_element_type3A_229 = arith.extui %eq3A_228 : i1 to i32
    %cond3A_230 = arith.constant 0 : i32
    %cond3A_231 = arith.cmpi ne, %convert_element_type3A_229, %cond3A_230 : i32
    scf.if %cond3A_231 {
      %dma_wait3A_315 = arith.constant 1024 : i32
      %dma_wait3A_316 = arith.constant 0 : i32
      %dma_wait3A_317 = tpu.memref_slice %arg8[%dma_wait3A_315, %dma_wait3A_316] : memref<1025x128xf32, #tpu.memory_space<vmem_shared>> -> memref<1x128xf32, #tpu.memory_space<vmem_shared>>
      %dma_wait3A_318 = arith.constant 1024 : i32
      %dma_wait3A_319 = arith.constant 0 : i32
      %dma_wait3A_320 = tpu.memref_slice %arg3[%dma_wait3A_318, %dma_wait3A_319] : memref<1025x128xf32, #tpu.memory_space<hbm>> -> memref<1x128xf32, #tpu.memory_space<hbm>>
      tpu.wait_dma2 semaphore(%arg14 : memref<!tpu.dma_semaphore, #tpu.memory_space<semaphore_mem>>) src(%dma_wait3A_320 : memref<1x128xf32, #tpu.memory_space<hbm>>) dst(%dma_wait3A_317 : memref<1x128xf32, #tpu.memory_space<vmem_shared>>)
    } else {
    }
    %dma_wait3A_232 = arith.constant 0 : i32
    %dma_wait3A_233 = tpu.memref_slice %arg12[%dma_wait3A_232] : memref<6144xi32, #tpu.memory_space<vmem>> -> memref<1024xi32, #tpu.memory_space<vmem>>
    %dma_wait3A_234 = arith.constant 0 : i32
    %dma_wait3A_235 = tpu.memref_slice %arg2[%dma_wait3A_234] : memref<196608xi32, #tpu.memory_space<hbm>> -> memref<1024xi32, #tpu.memory_space<hbm>>
    %dma_wait3A_236 = arith.constant 0 : i32
    %dma_wait3A_237 = tpu.memref_slice %arg12[%dma_wait3A_236] : memref<6144xi32, #tpu.memory_space<vmem>> -> memref<1024xi32, #tpu.memory_space<vmem>>
    %dma_wait3A_238 = arith.constant 0 : i32
    %dma_wait3A_239 = tpu.memref_slice %arg2[%dma_wait3A_238] : memref<196608xi32, #tpu.memory_space<hbm>> -> memref<1024xi32, #tpu.memory_space<hbm>>
    tpu.wait_dma2 semaphore(%arg14 : memref<!tpu.dma_semaphore, #tpu.memory_space<semaphore_mem>>) src(%dma_wait3A_239 : memref<1024xi32, #tpu.memory_space<hbm>>) dst(%dma_wait3A_237 : memref<1024xi32, #tpu.memory_space<vmem>>)
    %dma_wait3A_240 = arith.constant 1024 : i32
    %dma_wait3A_241 = tpu.memref_slice %arg12[%dma_wait3A_240] : memref<6144xi32, #tpu.memory_space<vmem>> -> memref<1024xi32, #tpu.memory_space<vmem>>
    %dma_wait3A_242 = arith.constant 0 : i32
    %dma_wait3A_243 = tpu.memref_slice %arg2[%dma_wait3A_242] : memref<196608xi32, #tpu.memory_space<hbm>> -> memref<1024xi32, #tpu.memory_space<hbm>>
    %dma_wait3A_244 = arith.constant 1024 : i32
    %dma_wait3A_245 = tpu.memref_slice %arg12[%dma_wait3A_244] : memref<6144xi32, #tpu.memory_space<vmem>> -> memref<1024xi32, #tpu.memory_space<vmem>>
    %dma_wait3A_246 = arith.constant 0 : i32
    %dma_wait3A_247 = tpu.memref_slice %arg2[%dma_wait3A_246] : memref<196608xi32, #tpu.memory_space<hbm>> -> memref<1024xi32, #tpu.memory_space<hbm>>
    tpu.wait_dma2 semaphore(%arg14 : memref<!tpu.dma_semaphore, #tpu.memory_space<semaphore_mem>>) src(%dma_wait3A_247 : memref<1024xi32, #tpu.memory_space<hbm>>) dst(%dma_wait3A_245 : memref<1024xi32, #tpu.memory_space<vmem>>)
    %dma_wait3A_248 = arith.constant 2048 : i32
    %dma_wait3A_249 = tpu.memref_slice %arg12[%dma_wait3A_248] : memref<6144xi32, #tpu.memory_space<vmem>> -> memref<1024xi32, #tpu.memory_space<vmem>>
    %dma_wait3A_250 = arith.constant 0 : i32
    %dma_wait3A_251 = tpu.memref_slice %arg2[%dma_wait3A_250] : memref<196608xi32, #tpu.memory_space<hbm>> -> memref<1024xi32, #tpu.memory_space<hbm>>
    %dma_wait3A_252 = arith.constant 2048 : i32
    %dma_wait3A_253 = tpu.memref_slice %arg12[%dma_wait3A_252] : memref<6144xi32, #tpu.memory_space<vmem>> -> memref<1024xi32, #tpu.memory_space<vmem>>
    %dma_wait3A_254 = arith.constant 0 : i32
    %dma_wait3A_255 = tpu.memref_slice %arg2[%dma_wait3A_254] : memref<196608xi32, #tpu.memory_space<hbm>> -> memref<1024xi32, #tpu.memory_space<hbm>>
    tpu.wait_dma2 semaphore(%arg14 : memref<!tpu.dma_semaphore, #tpu.memory_space<semaphore_mem>>) src(%dma_wait3A_255 : memref<1024xi32, #tpu.memory_space<hbm>>) dst(%dma_wait3A_253 : memref<1024xi32, #tpu.memory_space<vmem>>)
    %dma_wait3A_256 = arith.constant 3072 : i32
    %dma_wait3A_257 = tpu.memref_slice %arg12[%dma_wait3A_256] : memref<6144xi32, #tpu.memory_space<vmem>> -> memref<1024xi32, #tpu.memory_space<vmem>>
    %dma_wait3A_258 = arith.constant 0 : i32
    %dma_wait3A_259 = tpu.memref_slice %arg2[%dma_wait3A_258] : memref<196608xi32, #tpu.memory_space<hbm>> -> memref<1024xi32, #tpu.memory_space<hbm>>
    %dma_wait3A_260 = arith.constant 3072 : i32
    %dma_wait3A_261 = tpu.memref_slice %arg12[%dma_wait3A_260] : memref<6144xi32, #tpu.memory_space<vmem>> -> memref<1024xi32, #tpu.memory_space<vmem>>
    %dma_wait3A_262 = arith.constant 0 : i32
    %dma_wait3A_263 = tpu.memref_slice %arg2[%dma_wait3A_262] : memref<196608xi32, #tpu.memory_space<hbm>> -> memref<1024xi32, #tpu.memory_space<hbm>>
    tpu.wait_dma2 semaphore(%arg14 : memref<!tpu.dma_semaphore, #tpu.memory_space<semaphore_mem>>) src(%dma_wait3A_263 : memref<1024xi32, #tpu.memory_space<hbm>>) dst(%dma_wait3A_261 : memref<1024xi32, #tpu.memory_space<vmem>>)
    %dma_wait3A_264 = arith.constant 4096 : i32
    %dma_wait3A_265 = tpu.memref_slice %arg12[%dma_wait3A_264] : memref<6144xi32, #tpu.memory_space<vmem>> -> memref<1024xi32, #tpu.memory_space<vmem>>
    %dma_wait3A_266 = arith.constant 0 : i32
    %dma_wait3A_267 = tpu.memref_slice %arg2[%dma_wait3A_266] : memref<196608xi32, #tpu.memory_space<hbm>> -> memref<1024xi32, #tpu.memory_space<hbm>>
    %dma_wait3A_268 = arith.constant 4096 : i32
    %dma_wait3A_269 = tpu.memref_slice %arg12[%dma_wait3A_268] : memref<6144xi32, #tpu.memory_space<vmem>> -> memref<1024xi32, #tpu.memory_space<vmem>>
    %dma_wait3A_270 = arith.constant 0 : i32
    %dma_wait3A_271 = tpu.memref_slice %arg2[%dma_wait3A_270] : memref<196608xi32, #tpu.memory_space<hbm>> -> memref<1024xi32, #tpu.memory_space<hbm>>
    tpu.wait_dma2 semaphore(%arg14 : memref<!tpu.dma_semaphore, #tpu.memory_space<semaphore_mem>>) src(%dma_wait3A_271 : memref<1024xi32, #tpu.memory_space<hbm>>) dst(%dma_wait3A_269 : memref<1024xi32, #tpu.memory_space<vmem>>)
    %dma_wait3A_272 = arith.constant 5120 : i32
    %dma_wait3A_273 = tpu.memref_slice %arg12[%dma_wait3A_272] : memref<6144xi32, #tpu.memory_space<vmem>> -> memref<1024xi32, #tpu.memory_space<vmem>>
    %dma_wait3A_274 = arith.constant 0 : i32
    %dma_wait3A_275 = tpu.memref_slice %arg2[%dma_wait3A_274] : memref<196608xi32, #tpu.memory_space<hbm>> -> memref<1024xi32, #tpu.memory_space<hbm>>
    %dma_wait3A_276 = arith.constant 5120 : i32
    %dma_wait3A_277 = tpu.memref_slice %arg12[%dma_wait3A_276] : memref<6144xi32, #tpu.memory_space<vmem>> -> memref<1024xi32, #tpu.memory_space<vmem>>
    %dma_wait3A_278 = arith.constant 0 : i32
    %dma_wait3A_279 = tpu.memref_slice %arg2[%dma_wait3A_278] : memref<196608xi32, #tpu.memory_space<hbm>> -> memref<1024xi32, #tpu.memory_space<hbm>>
    tpu.wait_dma2 semaphore(%arg14 : memref<!tpu.dma_semaphore, #tpu.memory_space<semaphore_mem>>) src(%dma_wait3A_279 : memref<1024xi32, #tpu.memory_space<hbm>>) dst(%dma_wait3A_277 : memref<1024xi32, #tpu.memory_space<vmem>>)
    %barrier3A = arith.constant 0 : index
    tpu.barrier barrier_id(%barrier3A)
    %dma_start3A_280 = arith.constant 0 : i32
    %dma_start3A_281 = arith.constant 0 : i32
    %dma_start3A_282 = arith.constant 0 : i32
    %dma_start3A_283 = tpu.memref_slice %arg13[%dma_start3A_280, %dma_start3A_281, %dma_start3A_282] : memref<4x128x128xf32, #tpu.memory_space<vmem>> -> memref<1x128x128xf32, #tpu.memory_space<vmem>>
    %dma_start3A_284 = tpu.memref_squeeze %dma_start3A_283 : memref<1x128x128xf32, #tpu.memory_space<vmem>> -> memref<128x128xf32, #tpu.memory_space<vmem>>
    %dma_start3A_285 = arith.constant 0 : i32
    %dma_start3A_286 = tpu.memref_slice %arg12[%dma_start3A_285] : memref<6144xi32, #tpu.memory_space<vmem>> -> memref<128xi32, #tpu.memory_space<vmem>>
    %dma_start3A_287 = arith.constant 0 : i32
    %dma_start3A_288 = arith.constant 0 : i32
    %dma_start3A_289 = tpu.memref_slice %arg8[%dma_start3A_287, %dma_start3A_288] : memref<1025x128xf32, #tpu.memory_space<vmem_shared>> -> memref<1025x128xf32, #tpu.memory_space<vmem_shared>>
    tpu.enqueue_indirect_dma source(%dma_start3A_289 : memref<1025x128xf32, #tpu.memory_space<vmem_shared>>) target(%dma_start3A_284 : memref<128x128xf32, #tpu.memory_space<vmem>>) offsets(%dma_start3A_286 : memref<128xi32, #tpu.memory_space<vmem>>) semaphore(%arg14 : memref<!tpu.dma_semaphore, #tpu.memory_space<semaphore_mem>>)
    %dma_start3A_290 = arith.constant 1 : i32
    %dma_start3A_291 = arith.constant 0 : i32
    %dma_start3A_292 = arith.constant 0 : i32
    %dma_start3A_293 = tpu.memref_slice %arg13[%dma_start3A_290, %dma_start3A_291, %dma_start3A_292] : memref<4x128x128xf32, #tpu.memory_space<vmem>> -> memref<1x128x128xf32, #tpu.memory_space<vmem>>
    %dma_start3A_294 = tpu.memref_squeeze %dma_start3A_293 : memref<1x128x128xf32, #tpu.memory_space<vmem>> -> memref<128x128xf32, #tpu.memory_space<vmem>>
    %dma_start3A_295 = arith.constant 1024 : i32
    %dma_start3A_296 = tpu.memref_slice %arg12[%dma_start3A_295] : memref<6144xi32, #tpu.memory_space<vmem>> -> memref<128xi32, #tpu.memory_space<vmem>>
    %dma_start3A_297 = arith.constant 0 : i32
    %dma_start3A_298 = arith.constant 0 : i32
    %dma_start3A_299 = tpu.memref_slice %arg9[%dma_start3A_297, %dma_start3A_298] : memref<1025x128xf32, #tpu.memory_space<vmem_shared>> -> memref<1025x128xf32, #tpu.memory_space<vmem_shared>>
    tpu.enqueue_indirect_dma source(%dma_start3A_299 : memref<1025x128xf32, #tpu.memory_space<vmem_shared>>) target(%dma_start3A_294 : memref<128x128xf32, #tpu.memory_space<vmem>>) offsets(%dma_start3A_296 : memref<128xi32, #tpu.memory_space<vmem>>) semaphore(%arg14 : memref<!tpu.dma_semaphore, #tpu.memory_space<semaphore_mem>>)
    %dma_start3A_300 = arith.constant 2 : i32
    %dma_start3A_301 = arith.constant 0 : i32
    %dma_start3A_302 = arith.constant 0 : i32
    %dma_start3A_303 = tpu.memref_slice %arg13[%dma_start3A_300, %dma_start3A_301, %dma_start3A_302] : memref<4x128x128xf32, #tpu.memory_space<vmem>> -> memref<1x128x128xf32, #tpu.memory_space<vmem>>
    %dma_start3A_304 = tpu.memref_squeeze %dma_start3A_303 : memref<1x128x128xf32, #tpu.memory_space<vmem>> -> memref<128x128xf32, #tpu.memory_space<vmem>>
    %dma_start3A_305 = arith.constant 2048 : i32
    %dma_start3A_306 = tpu.memref_slice %arg12[%dma_start3A_305] : memref<6144xi32, #tpu.memory_space<vmem>> -> memref<128xi32, #tpu.memory_space<vmem>>
    %dma_start3A_307 = arith.constant 0 : i32
    %dma_start3A_308 = arith.constant 0 : i32
    %dma_start3A_309 = tpu.memref_slice %arg8[%dma_start3A_307, %dma_start3A_308] : memref<1025x128xf32, #tpu.memory_space<vmem_shared>> -> memref<1025x128xf32, #tpu.memory_space<vmem_shared>>
    tpu.enqueue_indirect_dma source(%dma_start3A_309 : memref<1025x128xf32, #tpu.memory_space<vmem_shared>>) target(%dma_start3A_304 : memref<128x128xf32, #tpu.memory_space<vmem>>) offsets(%dma_start3A_306 : memref<128xi32, #tpu.memory_space<vmem>>) semaphore(%arg14 : memref<!tpu.dma_semaphore, #tpu.memory_space<semaphore_mem>>)
    %scan3A = arith.constant 0 : i32
    %scan3A_310 = arith.constant 0 : i32
    %scan3A_311 = arith.constant 2 : i32
    %scan3A_312 = arith.addi %scan3A_310, %scan3A_311 : i32
    %scan3A_313 = arith.constant 1 : i32
    scf.for %scan3A_315 = %scan3A_310 to %scan3A_312 step %scan3A_313  : i32 {
      %mul3A_316 = arith.constant 4 : i32
      %mul3A_317 = arith.muli %mul3A_316, %scan3A_315 : i32
      %add3A_318 = arith.constant 0 : i32
      %add3A_319 = arith.addi %mul3A_317, %add3A_318 : i32
      %dma_wait3A_320 = arith.constant 0 : i32
      %dma_wait3A_321 = arith.constant 0 : i32
      %dma_wait3A_322 = arith.constant 0 : i32
      %dma_wait3A_323 = tpu.memref_slice %arg13[%dma_wait3A_320, %dma_wait3A_321, %dma_wait3A_322] : memref<4x128x128xf32, #tpu.memory_space<vmem>> -> memref<1x128x128xf32, #tpu.memory_space<vmem>>
      %dma_wait3A_324 = tpu.memref_squeeze %dma_wait3A_323 : memref<1x128x128xf32, #tpu.memory_space<vmem>> -> memref<128x128xf32, #tpu.memory_space<vmem>>
      %dma_wait3A_325 = arith.constant 0 : i32
      %dma_wait3A_326 = tpu.memref_slice %arg12[%dma_wait3A_325] : memref<6144xi32, #tpu.memory_space<vmem>> -> memref<128xi32, #tpu.memory_space<vmem>>
      %dma_wait3A_327 = arith.constant 0 : i32
      %dma_wait3A_328 = arith.constant 0 : i32
      %dma_wait3A_329 = tpu.memref_slice %arg8[%dma_wait3A_327, %dma_wait3A_328] : memref<1025x128xf32, #tpu.memory_space<vmem_shared>> -> memref<1025x128xf32, #tpu.memory_space<vmem_shared>>
      tpu.wait_indirect_dma semaphore(%arg14 : memref<!tpu.dma_semaphore, #tpu.memory_space<semaphore_mem>>) src(%dma_wait3A_329 : memref<1025x128xf32, #tpu.memory_space<vmem_shared>>) dst(%dma_wait3A_324 : memref<128x128xf32, #tpu.memory_space<vmem>>)
      %add3A_330 = arith.constant 0 : i32
      %add3A_331 = arith.addi %add3A_319, %add3A_330 : i32
      %lt3A_332 = arith.constant 8 : i32
      %lt3A_333 = arith.cmpi slt, %add3A_331, %lt3A_332 : i32
      %convert_element_type3A_334 = arith.extui %lt3A_333 : i1 to i32
      %cond3A_335 = arith.constant 0 : i32
      %cond3A_336 = arith.cmpi ne, %convert_element_type3A_334, %cond3A_335 : i32
      scf.if %cond3A_336 {
        %mul3A_829 = arith.constant 128 : i32
        %mul3A_830 = arith.muli %add3A_331, %mul3A_829 : i32
        %add3A_831 = arith.constant 3072 : i32
        %add3A_832 = arith.addi %add3A_831, %mul3A_830 : i32
        %dma_start3A_833 = arith.constant 3 : i32
        %dma_start3A_834 = arith.constant 0 : i32
        %dma_start3A_835 = arith.constant 0 : i32
        %dma_start3A_836 = tpu.memref_slice %arg13[%dma_start3A_833, %dma_start3A_834, %dma_start3A_835] : memref<4x128x128xf32, #tpu.memory_space<vmem>> -> memref<1x128x128xf32, #tpu.memory_space<vmem>>
        %dma_start3A_837 = tpu.memref_squeeze %dma_start3A_836 : memref<1x128x128xf32, #tpu.memory_space<vmem>> -> memref<128x128xf32, #tpu.memory_space<vmem>>
        %dma_start3A_838 = tpu.memref_slice %arg12[%add3A_832] : memref<6144xi32, #tpu.memory_space<vmem>> -> memref<128xi32, #tpu.memory_space<vmem>>
        %dma_start3A_839 = arith.constant 0 : i32
        %dma_start3A_840 = arith.constant 0 : i32
        %dma_start3A_841 = tpu.memref_slice %arg9[%dma_start3A_839, %dma_start3A_840] : memref<1025x128xf32, #tpu.memory_space<vmem_shared>> -> memref<1025x128xf32, #tpu.memory_space<vmem_shared>>
        tpu.enqueue_indirect_dma source(%dma_start3A_841 : memref<1025x128xf32, #tpu.memory_space<vmem_shared>>) target(%dma_start3A_837 : memref<128x128xf32, #tpu.memory_space<vmem>>) offsets(%dma_start3A_838 : memref<128xi32, #tpu.memory_space<vmem>>) semaphore(%arg14 : memref<!tpu.dma_semaphore, #tpu.memory_space<semaphore_mem>>)
      } else {
      }
      %mul3A_337 = arith.constant 128 : i32
      %mul3A_338 = arith.muli %add3A_319, %mul3A_337 : i32
      %add3A_339 = arith.addi %mul3A_32, %mul3A_338 : i32
      %run_scoped3A = arith.constant 0 : i32
      "tpu.region"() ({
        %run_scoped3A_829 = tpu.sem_alloc : memref<!tpu.dma_semaphore, #tpu.memory_space<semaphore_mem>>
        %dma_start3A_830 = arith.constant 0 : i32
        %dma_start3A_831 = arith.constant 0 : i32
        %dma_start3A_832 = tpu.memref_slice %arg13[%run_scoped3A, %dma_start3A_830, %dma_start3A_831] : memref<4x128x128xf32, #tpu.memory_space<vmem>> -> memref<1x128x128xf32, #tpu.memory_space<vmem>>
        %dma_start3A_833 = tpu.memref_squeeze %dma_start3A_832 : memref<1x128x128xf32, #tpu.memory_space<vmem>> -> memref<128x128xf32, #tpu.memory_space<vmem>>
        %dma_start3A_834 = arith.constant 0 : i32
        %dma_start3A_835 = tpu.memref_slice %arg7[%select_n3A, %add3A_339, %dma_start3A_834] : memref<4x8192x768xf32, #tpu.memory_space<hbm>> -> memref<1x128x128xf32, #tpu.memory_space<hbm>>
        %dma_start3A_836 = tpu.memref_squeeze %dma_start3A_835 : memref<1x128x128xf32, #tpu.memory_space<hbm>> -> memref<128x128xf32, #tpu.memory_space<hbm>>
        %dma_start3A_837 = arith.constant 0 : i32
        %dma_start3A_838 = tpu.memref_slice %arg7[%select_n3A, %add3A_339, %dma_start3A_837] : memref<4x8192x768xf32, #tpu.memory_space<hbm>> -> memref<1x128x128xf32, #tpu.memory_space<hbm>>
        %dma_start3A_839 = tpu.memref_squeeze %dma_start3A_838 : memref<1x128x128xf32, #tpu.memory_space<hbm>> -> memref<128x128xf32, #tpu.memory_space<hbm>>
        %dma_start3A_840 = arith.constant 0 : i32
        %dma_start3A_841 = arith.constant 0 : i32
        %dma_start3A_842 = tpu.memref_slice %arg13[%run_scoped3A, %dma_start3A_840, %dma_start3A_841] : memref<4x128x128xf32, #tpu.memory_space<vmem>> -> memref<1x128x128xf32, #tpu.memory_space<vmem>>
        %dma_start3A_843 = tpu.memref_squeeze %dma_start3A_842 : memref<1x128x128xf32, #tpu.memory_space<vmem>> -> memref<128x128xf32, #tpu.memory_space<vmem>>
        tpu.enqueue_dma source(%dma_start3A_843 : memref<128x128xf32, #tpu.memory_space<vmem>>) target(%dma_start3A_839 : memref<128x128xf32, #tpu.memory_space<hbm>>) target_semaphore(%run_scoped3A_829 : memref<!tpu.dma_semaphore, #tpu.memory_space<semaphore_mem>>)
        %dma_wait3A_844 = arith.constant 0 : i32
        %dma_wait3A_845 = arith.constant 0 : i32
        %dma_wait3A_846 = tpu.memref_slice %arg13[%run_scoped3A, %dma_wait3A_844, %dma_wait3A_845] : memref<4x128x128xf32, #tpu.memory_space<vmem>> -> memref<1x128x128xf32, #tpu.memory_space<vmem>>
        %dma_wait3A_847 = tpu.memref_squeeze %dma_wait3A_846 : memref<1x128x128xf32, #tpu.memory_space<vmem>> -> memref<128x128xf32, #tpu.memory_space<vmem>>
        %dma_wait3A_848 = arith.constant 0 : i32
        %dma_wait3A_849 = tpu.memref_slice %arg7[%select_n3A, %add3A_339, %dma_wait3A_848] : memref<4x8192x768xf32, #tpu.memory_space<hbm>> -> memref<1x128x128xf32, #tpu.memory_space<hbm>>
        %dma_wait3A_850 = tpu.memref_squeeze %dma_wait3A_849 : memref<1x128x128xf32, #tpu.memory_space<hbm>> -> memref<128x128xf32, #tpu.memory_space<hbm>>
        %dma_wait3A_851 = arith.constant 0 : i32
        %dma_wait3A_852 = tpu.memref_slice %arg7[%select_n3A, %add3A_339, %dma_wait3A_851] : memref<4x8192x768xf32, #tpu.memory_space<hbm>> -> memref<1x128x128xf32, #tpu.memory_space<hbm>>
        %dma_wait3A_853 = tpu.memref_squeeze %dma_wait3A_852 : memref<1x128x128xf32, #tpu.memory_space<hbm>> -> memref<128x128xf32, #tpu.memory_space<hbm>>
        %dma_wait3A_854 = arith.constant 0 : i32
        %dma_wait3A_855 = arith.constant 0 : i32
        %dma_wait3A_856 = tpu.memref_slice %arg13[%run_scoped3A, %dma_wait3A_854, %dma_wait3A_855] : memref<4x128x128xf32, #tpu.memory_space<vmem>> -> memref<1x128x128xf32, #tpu.memory_space<vmem>>
        %dma_wait3A_857 = tpu.memref_squeeze %dma_wait3A_856 : memref<1x128x128xf32, #tpu.memory_space<vmem>> -> memref<128x128xf32, #tpu.memory_space<vmem>>
        tpu.wait_dma2 semaphore(%run_scoped3A_829 : memref<!tpu.dma_semaphore, #tpu.memory_space<semaphore_mem>>) src(%dma_wait3A_857 : memref<128x128xf32, #tpu.memory_space<vmem>>) dst(%dma_wait3A_853 : memref<128x128xf32, #tpu.memory_space<hbm>>)
        tpu.yield
      }) : () -> ()
      %dma_wait3A_340 = arith.constant 1 : i32
      %dma_wait3A_341 = arith.constant 0 : i32
      %dma_wait3A_342 = arith.constant 0 : i32
      %dma_wait3A_343 = tpu.memref_slice %arg13[%dma_wait3A_340, %dma_wait3A_341, %dma_wait3A_342] : memref<4x128x128xf32, #tpu.memory_space<vmem>> -> memref<1x128x128xf32, #tpu.memory_space<vmem>>
      %dma_wait3A_344 = tpu.memref_squeeze %dma_wait3A_343 : memref<1x128x128xf32, #tpu.memory_space<vmem>> -> memref<128x128xf32, #tpu.memory_space<vmem>>
      %dma_wait3A_345 = arith.constant 0 : i32
      %dma_wait3A_346 = tpu.memref_slice %arg12[%dma_wait3A_345] : memref<6144xi32, #tpu.memory_space<vmem>> -> memref<128xi32, #tpu.memory_space<vmem>>
      %dma_wait3A_347 = arith.constant 0 : i32
      %dma_wait3A_348 = arith.constant 0 : i32
      %dma_wait3A_349 = tpu.memref_slice %arg8[%dma_wait3A_347, %dma_wait3A_348] : memref<1025x128xf32, #tpu.memory_space<vmem_shared>> -> memref<1025x128xf32, #tpu.memory_space<vmem_shared>>
      tpu.wait_indirect_dma semaphore(%arg14 : memref<!tpu.dma_semaphore, #tpu.memory_space<semaphore_mem>>) src(%dma_wait3A_349 : memref<1025x128xf32, #tpu.memory_space<vmem_shared>>) dst(%dma_wait3A_344 : memref<128x128xf32, #tpu.memory_space<vmem>>)
      %add3A_350 = arith.constant 0 : i32
      %add3A_351 = arith.addi %add3A_319, %add3A_350 : i32
      %lt3A_352 = arith.constant 8 : i32
      %lt3A_353 = arith.cmpi slt, %add3A_351, %lt3A_352 : i32
      %convert_element_type3A_354 = arith.extui %lt3A_353 : i1 to i32
      %cond3A_355 = arith.constant 0 : i32
      %cond3A_356 = arith.cmpi ne, %convert_element_type3A_354, %cond3A_355 : i32
      scf.if %cond3A_356 {
        %mul3A_829 = arith.constant 128 : i32
        %mul3A_830 = arith.muli %add3A_351, %mul3A_829 : i32
        %add3A_831 = arith.constant 4096 : i32
        %add3A_832 = arith.addi %add3A_831, %mul3A_830 : i32
        %dma_start3A_833 = arith.constant 0 : i32
        %dma_start3A_834 = arith.constant 0 : i32
        %dma_start3A_835 = arith.constant 0 : i32
        %dma_start3A_836 = tpu.memref_slice %arg13[%dma_start3A_833, %dma_start3A_834, %dma_start3A_835] : memref<4x128x128xf32, #tpu.memory_space<vmem>> -> memref<1x128x128xf32, #tpu.memory_space<vmem>>
        %dma_start3A_837 = tpu.memref_squeeze %dma_start3A_836 : memref<1x128x128xf32, #tpu.memory_space<vmem>> -> memref<128x128xf32, #tpu.memory_space<vmem>>
        %dma_start3A_838 = tpu.memref_slice %arg12[%add3A_832] : memref<6144xi32, #tpu.memory_space<vmem>> -> memref<128xi32, #tpu.memory_space<vmem>>
        %dma_start3A_839 = arith.constant 0 : i32
        %dma_start3A_840 = arith.constant 0 : i32
        %dma_start3A_841 = tpu.memref_slice %arg10[%dma_start3A_839, %dma_start3A_840] : memref<1025x128xf32, #tpu.memory_space<vmem_shared>> -> memref<1025x128xf32, #tpu.memory_space<vmem_shared>>
        tpu.enqueue_indirect_dma source(%dma_start3A_841 : memref<1025x128xf32, #tpu.memory_space<vmem_shared>>) target(%dma_start3A_837 : memref<128x128xf32, #tpu.memory_space<vmem>>) offsets(%dma_start3A_838 : memref<128xi32, #tpu.memory_space<vmem>>) semaphore(%arg14 : memref<!tpu.dma_semaphore, #tpu.memory_space<semaphore_mem>>)
      } else {
      }
      %mul3A_357 = arith.constant 128 : i32
      %mul3A_358 = arith.muli %add3A_319, %mul3A_357 : i32
      %add3A_359 = arith.addi %mul3A_32, %mul3A_358 : i32
      %run_scoped3A_360 = arith.constant 1 : i32
      "tpu.region"() ({
        %run_scoped3A_829 = tpu.sem_alloc : memref<!tpu.dma_semaphore, #tpu.memory_space<semaphore_mem>>
        %dma_start3A_830 = arith.constant 0 : i32
        %dma_start3A_831 = arith.constant 0 : i32
        %dma_start3A_832 = tpu.memref_slice %arg13[%run_scoped3A_360, %dma_start3A_830, %dma_start3A_831] : memref<4x128x128xf32, #tpu.memory_space<vmem>> -> memref<1x128x128xf32, #tpu.memory_space<vmem>>
        %dma_start3A_833 = tpu.memref_squeeze %dma_start3A_832 : memref<1x128x128xf32, #tpu.memory_space<vmem>> -> memref<128x128xf32, #tpu.memory_space<vmem>>
        %dma_start3A_834 = arith.constant 128 : i32
        %dma_start3A_835 = tpu.memref_slice %arg7[%select_n3A, %add3A_359, %dma_start3A_834] : memref<4x8192x768xf32, #tpu.memory_space<hbm>> -> memref<1x128x128xf32, #tpu.memory_space<hbm>>
        %dma_start3A_836 = tpu.memref_squeeze %dma_start3A_835 : memref<1x128x128xf32, #tpu.memory_space<hbm>> -> memref<128x128xf32, #tpu.memory_space<hbm>>
        %dma_start3A_837 = arith.constant 128 : i32
        %dma_start3A_838 = tpu.memref_slice %arg7[%select_n3A, %add3A_359, %dma_start3A_837] : memref<4x8192x768xf32, #tpu.memory_space<hbm>> -> memref<1x128x128xf32, #tpu.memory_space<hbm>>
        %dma_start3A_839 = tpu.memref_squeeze %dma_start3A_838 : memref<1x128x128xf32, #tpu.memory_space<hbm>> -> memref<128x128xf32, #tpu.memory_space<hbm>>
        %dma_start3A_840 = arith.constant 0 : i32
        %dma_start3A_841 = arith.constant 0 : i32
        %dma_start3A_842 = tpu.memref_slice %arg13[%run_scoped3A_360, %dma_start3A_840, %dma_start3A_841] : memref<4x128x128xf32, #tpu.memory_space<vmem>> -> memref<1x128x128xf32, #tpu.memory_space<vmem>>
        %dma_start3A_843 = tpu.memref_squeeze %dma_start3A_842 : memref<1x128x128xf32, #tpu.memory_space<vmem>> -> memref<128x128xf32, #tpu.memory_space<vmem>>
        tpu.enqueue_dma source(%dma_start3A_843 : memref<128x128xf32, #tpu.memory_space<vmem>>) target(%dma_start3A_839 : memref<128x128xf32, #tpu.memory_space<hbm>>) target_semaphore(%run_scoped3A_829 : memref<!tpu.dma_semaphore, #tpu.memory_space<semaphore_mem>>)
        %dma_wait3A_844 = arith.constant 0 : i32
        %dma_wait3A_845 = arith.constant 0 : i32
        %dma_wait3A_846 = tpu.memref_slice %arg13[%run_scoped3A_360, %dma_wait3A_844, %dma_wait3A_845] : memref<4x128x128xf32, #tpu.memory_space<vmem>> -> memref<1x128x128xf32, #tpu.memory_space<vmem>>
        %dma_wait3A_847 = tpu.memref_squeeze %dma_wait3A_846 : memref<1x128x128xf32, #tpu.memory_space<vmem>> -> memref<128x128xf32, #tpu.memory_space<vmem>>
        %dma_wait3A_848 = arith.constant 128 : i32
        %dma_wait3A_849 = tpu.memref_slice %arg7[%select_n3A, %add3A_359, %dma_wait3A_848] : memref<4x8192x768xf32, #tpu.memory_space<hbm>> -> memref<1x128x128xf32, #tpu.memory_space<hbm>>
        %dma_wait3A_850 = tpu.memref_squeeze %dma_wait3A_849 : memref<1x128x128xf32, #tpu.memory_space<hbm>> -> memref<128x128xf32, #tpu.memory_space<hbm>>
        %dma_wait3A_851 = arith.constant 128 : i32
        %dma_wait3A_852 = tpu.memref_slice %arg7[%select_n3A, %add3A_359, %dma_wait3A_851] : memref<4x8192x768xf32, #tpu.memory_space<hbm>> -> memref<1x128x128xf32, #tpu.memory_space<hbm>>
        %dma_wait3A_853 = tpu.memref_squeeze %dma_wait3A_852 : memref<1x128x128xf32, #tpu.memory_space<hbm>> -> memref<128x128xf32, #tpu.memory_space<hbm>>
        %dma_wait3A_854 = arith.constant 0 : i32
        %dma_wait3A_855 = arith.constant 0 : i32
        %dma_wait3A_856 = tpu.memref_slice %arg13[%run_scoped3A_360, %dma_wait3A_854, %dma_wait3A_855] : memref<4x128x128xf32, #tpu.memory_space<vmem>> -> memref<1x128x128xf32, #tpu.memory_space<vmem>>
        %dma_wait3A_857 = tpu.memref_squeeze %dma_wait3A_856 : memref<1x128x128xf32, #tpu.memory_space<vmem>> -> memref<128x128xf32, #tpu.memory_space<vmem>>
        tpu.wait_dma2 semaphore(%run_scoped3A_829 : memref<!tpu.dma_semaphore, #tpu.memory_space<semaphore_mem>>) src(%dma_wait3A_857 : memref<128x128xf32, #tpu.memory_space<vmem>>) dst(%dma_wait3A_853 : memref<128x128xf32, #tpu.memory_space<hbm>>)
        tpu.yield
      }) : () -> ()
      %dma_wait3A_361 = arith.constant 2 : i32
      %dma_wait3A_362 = arith.constant 0 : i32
      %dma_wait3A_363 = arith.constant 0 : i32
      %dma_wait3A_364 = tpu.memref_slice %arg13[%dma_wait3A_361, %dma_wait3A_362, %dma_wait3A_363] : memref<4x128x128xf32, #tpu.memory_space<vmem>> -> memref<1x128x128xf32, #tpu.memory_space<vmem>>
      %dma_wait3A_365 = tpu.memref_squeeze %dma_wait3A_364 : memref<1x128x128xf32, #tpu.memory_space<vmem>> -> memref<128x128xf32, #tpu.memory_space<vmem>>
      %dma_wait3A_366 = arith.constant 0 : i32
      %dma_wait3A_367 = tpu.memref_slice %arg12[%dma_wait3A_366] : memref<6144xi32, #tpu.memory_space<vmem>> -> memref<128xi32, #tpu.memory_space<vmem>>
      %dma_wait3A_368 = arith.constant 0 : i32
      %dma_wait3A_369 = arith.constant 0 : i32
      %dma_wait3A_370 = tpu.memref_slice %arg8[%dma_wait3A_368, %dma_wait3A_369] : memref<1025x128xf32, #tpu.memory_space<vmem_shared>> -> memref<1025x128xf32, #tpu.memory_space<vmem_shared>>
      tpu.wait_indirect_dma semaphore(%arg14 : memref<!tpu.dma_semaphore, #tpu.memory_space<semaphore_mem>>) src(%dma_wait3A_370 : memref<1025x128xf32, #tpu.memory_space<vmem_shared>>) dst(%dma_wait3A_365 : memref<128x128xf32, #tpu.memory_space<vmem>>)
      %add3A_371 = arith.constant 0 : i32
      %add3A_372 = arith.addi %add3A_319, %add3A_371 : i32
      %lt3A_373 = arith.constant 8 : i32
      %lt3A_374 = arith.cmpi slt, %add3A_372, %lt3A_373 : i32
      %convert_element_type3A_375 = arith.extui %lt3A_374 : i1 to i32
      %cond3A_376 = arith.constant 0 : i32
      %cond3A_377 = arith.cmpi ne, %convert_element_type3A_375, %cond3A_376 : i32
      scf.if %cond3A_377 {
        %mul3A_829 = arith.constant 128 : i32
        %mul3A_830 = arith.muli %add3A_372, %mul3A_829 : i32
        %add3A_831 = arith.constant 5120 : i32
        %add3A_832 = arith.addi %add3A_831, %mul3A_830 : i32
        %dma_start3A_833 = arith.constant 1 : i32
        %dma_start3A_834 = arith.constant 0 : i32
        %dma_start3A_835 = arith.constant 0 : i32
        %dma_start3A_836 = tpu.memref_slice %arg13[%dma_start3A_833, %dma_start3A_834, %dma_start3A_835] : memref<4x128x128xf32, #tpu.memory_space<vmem>> -> memref<1x128x128xf32, #tpu.memory_space<vmem>>
        %dma_start3A_837 = tpu.memref_squeeze %dma_start3A_836 : memref<1x128x128xf32, #tpu.memory_space<vmem>> -> memref<128x128xf32, #tpu.memory_space<vmem>>
        %dma_start3A_838 = tpu.memref_slice %arg12[%add3A_832] : memref<6144xi32, #tpu.memory_space<vmem>> -> memref<128xi32, #tpu.memory_space<vmem>>
        %dma_start3A_839 = arith.constant 0 : i32
        %dma_start3A_840 = arith.constant 0 : i32
        %dma_start3A_841 = tpu.memref_slice %arg11[%dma_start3A_839, %dma_start3A_840] : memref<1025x128xf32, #tpu.memory_space<vmem_shared>> -> memref<1025x128xf32, #tpu.memory_space<vmem_shared>>
        tpu.enqueue_indirect_dma source(%dma_start3A_841 : memref<1025x128xf32, #tpu.memory_space<vmem_shared>>) target(%dma_start3A_837 : memref<128x128xf32, #tpu.memory_space<vmem>>) offsets(%dma_start3A_838 : memref<128xi32, #tpu.memory_space<vmem>>) semaphore(%arg14 : memref<!tpu.dma_semaphore, #tpu.memory_space<semaphore_mem>>)
      } else {
      }
      %mul3A_378 = arith.constant 128 : i32
      %mul3A_379 = arith.muli %add3A_319, %mul3A_378 : i32
      %add3A_380 = arith.addi %mul3A_32, %mul3A_379 : i32
      %run_scoped3A_381 = arith.constant 2 : i32
      "tpu.region"() ({
        %run_scoped3A_829 = tpu.sem_alloc : memref<!tpu.dma_semaphore, #tpu.memory_space<semaphore_mem>>
        %dma_start3A_830 = arith.constant 0 : i32
        %dma_start3A_831 = arith.constant 0 : i32
        %dma_start3A_832 = tpu.memref_slice %arg13[%run_scoped3A_381, %dma_start3A_830, %dma_start3A_831] : memref<4x128x128xf32, #tpu.memory_space<vmem>> -> memref<1x128x128xf32, #tpu.memory_space<vmem>>
        %dma_start3A_833 = tpu.memref_squeeze %dma_start3A_832 : memref<1x128x128xf32, #tpu.memory_space<vmem>> -> memref<128x128xf32, #tpu.memory_space<vmem>>
        %dma_start3A_834 = arith.constant 256 : i32
        %dma_start3A_835 = tpu.memref_slice %arg7[%select_n3A, %add3A_380, %dma_start3A_834] : memref<4x8192x768xf32, #tpu.memory_space<hbm>> -> memref<1x128x128xf32, #tpu.memory_space<hbm>>
        %dma_start3A_836 = tpu.memref_squeeze %dma_start3A_835 : memref<1x128x128xf32, #tpu.memory_space<hbm>> -> memref<128x128xf32, #tpu.memory_space<hbm>>
        %dma_start3A_837 = arith.constant 256 : i32
        %dma_start3A_838 = tpu.memref_slice %arg7[%select_n3A, %add3A_380, %dma_start3A_837] : memref<4x8192x768xf32, #tpu.memory_space<hbm>> -> memref<1x128x128xf32, #tpu.memory_space<hbm>>
        %dma_start3A_839 = tpu.memref_squeeze %dma_start3A_838 : memref<1x128x128xf32, #tpu.memory_space<hbm>> -> memref<128x128xf32, #tpu.memory_space<hbm>>
        %dma_start3A_840 = arith.constant 0 : i32
        %dma_start3A_841 = arith.constant 0 : i32
        %dma_start3A_842 = tpu.memref_slice %arg13[%run_scoped3A_381, %dma_start3A_840, %dma_start3A_841] : memref<4x128x128xf32, #tpu.memory_space<vmem>> -> memref<1x128x128xf32, #tpu.memory_space<vmem>>
        %dma_start3A_843 = tpu.memref_squeeze %dma_start3A_842 : memref<1x128x128xf32, #tpu.memory_space<vmem>> -> memref<128x128xf32, #tpu.memory_space<vmem>>
        tpu.enqueue_dma source(%dma_start3A_843 : memref<128x128xf32, #tpu.memory_space<vmem>>) target(%dma_start3A_839 : memref<128x128xf32, #tpu.memory_space<hbm>>) target_semaphore(%run_scoped3A_829 : memref<!tpu.dma_semaphore, #tpu.memory_space<semaphore_mem>>)
        %dma_wait3A_844 = arith.constant 0 : i32
        %dma_wait3A_845 = arith.constant 0 : i32
        %dma_wait3A_846 = tpu.memref_slice %arg13[%run_scoped3A_381, %dma_wait3A_844, %dma_wait3A_845] : memref<4x128x128xf32, #tpu.memory_space<vmem>> -> memref<1x128x128xf32, #tpu.memory_space<vmem>>
        %dma_wait3A_847 = tpu.memref_squeeze %dma_wait3A_846 : memref<1x128x128xf32, #tpu.memory_space<vmem>> -> memref<128x128xf32, #tpu.memory_space<vmem>>
        %dma_wait3A_848 = arith.constant 256 : i32
        %dma_wait3A_849 = tpu.memref_slice %arg7[%select_n3A, %add3A_380, %dma_wait3A_848] : memref<4x8192x768xf32, #tpu.memory_space<hbm>> -> memref<1x128x128xf32, #tpu.memory_space<hbm>>
        %dma_wait3A_850 = tpu.memref_squeeze %dma_wait3A_849 : memref<1x128x128xf32, #tpu.memory_space<hbm>> -> memref<128x128xf32, #tpu.memory_space<hbm>>
        %dma_wait3A_851 = arith.constant 256 : i32
        %dma_wait3A_852 = tpu.memref_slice %arg7[%select_n3A, %add3A_380, %dma_wait3A_851] : memref<4x8192x768xf32, #tpu.memory_space<hbm>> -> memref<1x128x128xf32, #tpu.memory_space<hbm>>
        %dma_wait3A_853 = tpu.memref_squeeze %dma_wait3A_852 : memref<1x128x128xf32, #tpu.memory_space<hbm>> -> memref<128x128xf32, #tpu.memory_space<hbm>>
        %dma_wait3A_854 = arith.constant 0 : i32
        %dma_wait3A_855 = arith.constant 0 : i32
        %dma_wait3A_856 = tpu.memref_slice %arg13[%run_scoped3A_381, %dma_wait3A_854, %dma_wait3A_855] : memref<4x128x128xf32, #tpu.memory_space<vmem>> -> memref<1x128x128xf32, #tpu.memory_space<vmem>>
        %dma_wait3A_857 = tpu.memref_squeeze %dma_wait3A_856 : memref<1x128x128xf32, #tpu.memory_space<vmem>> -> memref<128x128xf32, #tpu.memory_space<vmem>>
        tpu.wait_dma2 semaphore(%run_scoped3A_829 : memref<!tpu.dma_semaphore, #tpu.memory_space<semaphore_mem>>) src(%dma_wait3A_857 : memref<128x128xf32, #tpu.memory_space<vmem>>) dst(%dma_wait3A_853 : memref<128x128xf32, #tpu.memory_space<hbm>>)
        tpu.yield
      }) : () -> ()
      %dma_wait3A_382 = arith.constant 3 : i32
      %dma_wait3A_383 = arith.constant 0 : i32
      %dma_wait3A_384 = arith.constant 0 : i32
      %dma_wait3A_385 = tpu.memref_slice %arg13[%dma_wait3A_382, %dma_wait3A_383, %dma_wait3A_384] : memref<4x128x128xf32, #tpu.memory_space<vmem>> -> memref<1x128x128xf32, #tpu.memory_space<vmem>>
      %dma_wait3A_386 = tpu.memref_squeeze %dma_wait3A_385 : memref<1x128x128xf32, #tpu.memory_space<vmem>> -> memref<128x128xf32, #tpu.memory_space<vmem>>
      %dma_wait3A_387 = arith.constant 0 : i32
      %dma_wait3A_388 = tpu.memref_slice %arg12[%dma_wait3A_387] : memref<6144xi32, #tpu.memory_space<vmem>> -> memref<128xi32, #tpu.memory_space<vmem>>
      %dma_wait3A_389 = arith.constant 0 : i32
      %dma_wait3A_390 = arith.constant 0 : i32
      %dma_wait3A_391 = tpu.memref_slice %arg8[%dma_wait3A_389, %dma_wait3A_390] : memref<1025x128xf32, #tpu.memory_space<vmem_shared>> -> memref<1025x128xf32, #tpu.memory_space<vmem_shared>>
      tpu.wait_indirect_dma semaphore(%arg14 : memref<!tpu.dma_semaphore, #tpu.memory_space<semaphore_mem>>) src(%dma_wait3A_391 : memref<1025x128xf32, #tpu.memory_space<vmem_shared>>) dst(%dma_wait3A_386 : memref<128x128xf32, #tpu.memory_space<vmem>>)
      %add3A_392 = arith.constant 1 : i32
      %add3A_393 = arith.addi %add3A_319, %add3A_392 : i32
      %lt3A_394 = arith.constant 8 : i32
      %lt3A_395 = arith.cmpi slt, %add3A_393, %lt3A_394 : i32
      %convert_element_type3A_396 = arith.extui %lt3A_395 : i1 to i32
      %cond3A_397 = arith.constant 0 : i32
      %cond3A_398 = arith.cmpi ne, %convert_element_type3A_396, %cond3A_397 : i32
      scf.if %cond3A_398 {
        %mul3A_829 = arith.constant 128 : i32
        %mul3A_830 = arith.muli %add3A_393, %mul3A_829 : i32
        %add3A_831 = arith.constant 0 : i32
        %add3A_832 = arith.addi %add3A_831, %mul3A_830 : i32
        %dma_start3A_833 = arith.constant 2 : i32
        %dma_start3A_834 = arith.constant 0 : i32
        %dma_start3A_835 = arith.constant 0 : i32
        %dma_start3A_836 = tpu.memref_slice %arg13[%dma_start3A_833, %dma_start3A_834, %dma_start3A_835] : memref<4x128x128xf32, #tpu.memory_space<vmem>> -> memref<1x128x128xf32, #tpu.memory_space<vmem>>
        %dma_start3A_837 = tpu.memref_squeeze %dma_start3A_836 : memref<1x128x128xf32, #tpu.memory_space<vmem>> -> memref<128x128xf32, #tpu.memory_space<vmem>>
        %dma_start3A_838 = tpu.memref_slice %arg12[%add3A_832] : memref<6144xi32, #tpu.memory_space<vmem>> -> memref<128xi32, #tpu.memory_space<vmem>>
        %dma_start3A_839 = arith.constant 0 : i32
        %dma_start3A_840 = arith.constant 0 : i32
        %dma_start3A_841 = tpu.memref_slice %arg8[%dma_start3A_839, %dma_start3A_840] : memref<1025x128xf32, #tpu.memory_space<vmem_shared>> -> memref<1025x128xf32, #tpu.memory_space<vmem_shared>>
        tpu.enqueue_indirect_dma source(%dma_start3A_841 : memref<1025x128xf32, #tpu.memory_space<vmem_shared>>) target(%dma_start3A_837 : memref<128x128xf32, #tpu.memory_space<vmem>>) offsets(%dma_start3A_838 : memref<128xi32, #tpu.memory_space<vmem>>) semaphore(%arg14 : memref<!tpu.dma_semaphore, #tpu.memory_space<semaphore_mem>>)
      } else {
      }
      %mul3A_399 = arith.constant 128 : i32
      %mul3A_400 = arith.muli %add3A_319, %mul3A_399 : i32
      %add3A_401 = arith.addi %mul3A_32, %mul3A_400 : i32
      %run_scoped3A_402 = arith.constant 3 : i32
      "tpu.region"() ({
        %run_scoped3A_829 = tpu.sem_alloc : memref<!tpu.dma_semaphore, #tpu.memory_space<semaphore_mem>>
        %dma_start3A_830 = arith.constant 0 : i32
        %dma_start3A_831 = arith.constant 0 : i32
        %dma_start3A_832 = tpu.memref_slice %arg13[%run_scoped3A_402, %dma_start3A_830, %dma_start3A_831] : memref<4x128x128xf32, #tpu.memory_space<vmem>> -> memref<1x128x128xf32, #tpu.memory_space<vmem>>
        %dma_start3A_833 = tpu.memref_squeeze %dma_start3A_832 : memref<1x128x128xf32, #tpu.memory_space<vmem>> -> memref<128x128xf32, #tpu.memory_space<vmem>>
        %dma_start3A_834 = arith.constant 384 : i32
        %dma_start3A_835 = tpu.memref_slice %arg7[%select_n3A, %add3A_401, %dma_start3A_834] : memref<4x8192x768xf32, #tpu.memory_space<hbm>> -> memref<1x128x128xf32, #tpu.memory_space<hbm>>
        %dma_start3A_836 = tpu.memref_squeeze %dma_start3A_835 : memref<1x128x128xf32, #tpu.memory_space<hbm>> -> memref<128x128xf32, #tpu.memory_space<hbm>>
        %dma_start3A_837 = arith.constant 384 : i32
        %dma_start3A_838 = tpu.memref_slice %arg7[%select_n3A, %add3A_401, %dma_start3A_837] : memref<4x8192x768xf32, #tpu.memory_space<hbm>> -> memref<1x128x128xf32, #tpu.memory_space<hbm>>
        %dma_start3A_839 = tpu.memref_squeeze %dma_start3A_838 : memref<1x128x128xf32, #tpu.memory_space<hbm>> -> memref<128x128xf32, #tpu.memory_space<hbm>>
        %dma_start3A_840 = arith.constant 0 : i32
        %dma_start3A_841 = arith.constant 0 : i32
        %dma_start3A_842 = tpu.memref_slice %arg13[%run_scoped3A_402, %dma_start3A_840, %dma_start3A_841] : memref<4x128x128xf32, #tpu.memory_space<vmem>> -> memref<1x128x128xf32, #tpu.memory_space<vmem>>
        %dma_start3A_843 = tpu.memref_squeeze %dma_start3A_842 : memref<1x128x128xf32, #tpu.memory_space<vmem>> -> memref<128x128xf32, #tpu.memory_space<vmem>>
        tpu.enqueue_dma source(%dma_start3A_843 : memref<128x128xf32, #tpu.memory_space<vmem>>) target(%dma_start3A_839 : memref<128x128xf32, #tpu.memory_space<hbm>>) target_semaphore(%run_scoped3A_829 : memref<!tpu.dma_semaphore, #tpu.memory_space<semaphore_mem>>)
        %dma_wait3A_844 = arith.constant 0 : i32
        %dma_wait3A_845 = arith.constant 0 : i32
        %dma_wait3A_846 = tpu.memref_slice %arg13[%run_scoped3A_402, %dma_wait3A_844, %dma_wait3A_845] : memref<4x128x128xf32, #tpu.memory_space<vmem>> -> memref<1x128x128xf32, #tpu.memory_space<vmem>>
        %dma_wait3A_847 = tpu.memref_squeeze %dma_wait3A_846 : memref<1x128x128xf32, #tpu.memory_space<vmem>> -> memref<128x128xf32, #tpu.memory_space<vmem>>
        %dma_wait3A_848 = arith.constant 384 : i32
        %dma_wait3A_849 = tpu.memref_slice %arg7[%select_n3A, %add3A_401, %dma_wait3A_848] : memref<4x8192x768xf32, #tpu.memory_space<hbm>> -> memref<1x128x128xf32, #tpu.memory_space<hbm>>
        %dma_wait3A_850 = tpu.memref_squeeze %dma_wait3A_849 : memref<1x128x128xf32, #tpu.memory_space<hbm>> -> memref<128x128xf32, #tpu.memory_space<hbm>>
        %dma_wait3A_851 = arith.constant 384 : i32
        %dma_wait3A_852 = tpu.memref_slice %arg7[%select_n3A, %add3A_401, %dma_wait3A_851] : memref<4x8192x768xf32, #tpu.memory_space<hbm>> -> memref<1x128x128xf32, #tpu.memory_space<hbm>>
        %dma_wait3A_853 = tpu.memref_squeeze %dma_wait3A_852 : memref<1x128x128xf32, #tpu.memory_space<hbm>> -> memref<128x128xf32, #tpu.memory_space<hbm>>
        %dma_wait3A_854 = arith.constant 0 : i32
        %dma_wait3A_855 = arith.constant 0 : i32
        %dma_wait3A_856 = tpu.memref_slice %arg13[%run_scoped3A_402, %dma_wait3A_854, %dma_wait3A_855] : memref<4x128x128xf32, #tpu.memory_space<vmem>> -> memref<1x128x128xf32, #tpu.memory_space<vmem>>
        %dma_wait3A_857 = tpu.memref_squeeze %dma_wait3A_856 : memref<1x128x128xf32, #tpu.memory_space<vmem>> -> memref<128x128xf32, #tpu.memory_space<vmem>>
        tpu.wait_dma2 semaphore(%run_scoped3A_829 : memref<!tpu.dma_semaphore, #tpu.memory_space<semaphore_mem>>) src(%dma_wait3A_857 : memref<128x128xf32, #tpu.memory_space<vmem>>) dst(%dma_wait3A_853 : memref<128x128xf32, #tpu.memory_space<hbm>>)
        tpu.yield
      }) : () -> ()
      %dma_wait3A_403 = arith.constant 0 : i32
      %dma_wait3A_404 = arith.constant 0 : i32
      %dma_wait3A_405 = arith.constant 0 : i32
      %dma_wait3A_406 = tpu.memref_slice %arg13[%dma_wait3A_403, %dma_wait3A_404, %dma_wait3A_405] : memref<4x128x128xf32, #tpu.memory_space<vmem>> -> memref<1x128x128xf32, #tpu.memory_space<vmem>>
      %dma_wait3A_407 = tpu.memref_squeeze %dma_wait3A_406 : memref<1x128x128xf32, #tpu.memory_space<vmem>> -> memref<128x128xf32, #tpu.memory_space<vmem>>
      %dma_wait3A_408 = arith.constant 0 : i32
      %dma_wait3A_409 = tpu.memref_slice %arg12[%dma_wait3A_408] : memref<6144xi32, #tpu.memory_space<vmem>> -> memref<128xi32, #tpu.memory_space<vmem>>
      %dma_wait3A_410 = arith.constant 0 : i32
      %dma_wait3A_411 = arith.constant 0 : i32
      %dma_wait3A_412 = tpu.memref_slice %arg8[%dma_wait3A_410, %dma_wait3A_411] : memref<1025x128xf32, #tpu.memory_space<vmem_shared>> -> memref<1025x128xf32, #tpu.memory_space<vmem_shared>>
      tpu.wait_indirect_dma semaphore(%arg14 : memref<!tpu.dma_semaphore, #tpu.memory_space<semaphore_mem>>) src(%dma_wait3A_412 : memref<1025x128xf32, #tpu.memory_space<vmem_shared>>) dst(%dma_wait3A_407 : memref<128x128xf32, #tpu.memory_space<vmem>>)
      %add3A_413 = arith.constant 1 : i32
      %add3A_414 = arith.addi %add3A_319, %add3A_413 : i32
      %lt3A_415 = arith.constant 8 : i32
      %lt3A_416 = arith.cmpi slt, %add3A_414, %lt3A_415 : i32
      %convert_element_type3A_417 = arith.extui %lt3A_416 : i1 to i32
      %cond3A_418 = arith.constant 0 : i32
      %cond3A_419 = arith.cmpi ne, %convert_element_type3A_417, %cond3A_418 : i32
      scf.if %cond3A_419 {
        %mul3A_829 = arith.constant 128 : i32
        %mul3A_830 = arith.muli %add3A_414, %mul3A_829 : i32
        %add3A_831 = arith.constant 1024 : i32
        %add3A_832 = arith.addi %add3A_831, %mul3A_830 : i32
        %dma_start3A_833 = arith.constant 3 : i32
        %dma_start3A_834 = arith.constant 0 : i32
        %dma_start3A_835 = arith.constant 0 : i32
        %dma_start3A_836 = tpu.memref_slice %arg13[%dma_start3A_833, %dma_start3A_834, %dma_start3A_835] : memref<4x128x128xf32, #tpu.memory_space<vmem>> -> memref<1x128x128xf32, #tpu.memory_space<vmem>>
        %dma_start3A_837 = tpu.memref_squeeze %dma_start3A_836 : memref<1x128x128xf32, #tpu.memory_space<vmem>> -> memref<128x128xf32, #tpu.memory_space<vmem>>
        %dma_start3A_838 = tpu.memref_slice %arg12[%add3A_832] : memref<6144xi32, #tpu.memory_space<vmem>> -> memref<128xi32, #tpu.memory_space<vmem>>
        %dma_start3A_839 = arith.constant 0 : i32
        %dma_start3A_840 = arith.constant 0 : i32
        %dma_start3A_841 = tpu.memref_slice %arg9[%dma_start3A_839, %dma_start3A_840] : memref<1025x128xf32, #tpu.memory_space<vmem_shared>> -> memref<1025x128xf32, #tpu.memory_space<vmem_shared>>
        tpu.enqueue_indirect_dma source(%dma_start3A_841 : memref<1025x128xf32, #tpu.memory_space<vmem_shared>>) target(%dma_start3A_837 : memref<128x128xf32, #tpu.memory_space<vmem>>) offsets(%dma_start3A_838 : memref<128xi32, #tpu.memory_space<vmem>>) semaphore(%arg14 : memref<!tpu.dma_semaphore, #tpu.memory_space<semaphore_mem>>)
      } else {
      }
      %mul3A_420 = arith.constant 128 : i32
      %mul3A_421 = arith.muli %add3A_319, %mul3A_420 : i32
      %add3A_422 = arith.addi %mul3A_32, %mul3A_421 : i32
      %run_scoped3A_423 = arith.constant 0 : i32
      "tpu.region"() ({
        %run_scoped3A_829 = tpu.sem_alloc : memref<!tpu.dma_semaphore, #tpu.memory_space<semaphore_mem>>
        %dma_start3A_830 = arith.constant 0 : i32
        %dma_start3A_831 = arith.constant 0 : i32
        %dma_start3A_832 = tpu.memref_slice %arg13[%run_scoped3A_423, %dma_start3A_830, %dma_start3A_831] : memref<4x128x128xf32, #tpu.memory_space<vmem>> -> memref<1x128x128xf32, #tpu.memory_space<vmem>>
        %dma_start3A_833 = tpu.memref_squeeze %dma_start3A_832 : memref<1x128x128xf32, #tpu.memory_space<vmem>> -> memref<128x128xf32, #tpu.memory_space<vmem>>
        %dma_start3A_834 = arith.constant 512 : i32
        %dma_start3A_835 = tpu.memref_slice %arg7[%select_n3A, %add3A_422, %dma_start3A_834] : memref<4x8192x768xf32, #tpu.memory_space<hbm>> -> memref<1x128x128xf32, #tpu.memory_space<hbm>>
        %dma_start3A_836 = tpu.memref_squeeze %dma_start3A_835 : memref<1x128x128xf32, #tpu.memory_space<hbm>> -> memref<128x128xf32, #tpu.memory_space<hbm>>
        %dma_start3A_837 = arith.constant 512 : i32
        %dma_start3A_838 = tpu.memref_slice %arg7[%select_n3A, %add3A_422, %dma_start3A_837] : memref<4x8192x768xf32, #tpu.memory_space<hbm>> -> memref<1x128x128xf32, #tpu.memory_space<hbm>>
        %dma_start3A_839 = tpu.memref_squeeze %dma_start3A_838 : memref<1x128x128xf32, #tpu.memory_space<hbm>> -> memref<128x128xf32, #tpu.memory_space<hbm>>
        %dma_start3A_840 = arith.constant 0 : i32
        %dma_start3A_841 = arith.constant 0 : i32
        %dma_start3A_842 = tpu.memref_slice %arg13[%run_scoped3A_423, %dma_start3A_840, %dma_start3A_841] : memref<4x128x128xf32, #tpu.memory_space<vmem>> -> memref<1x128x128xf32, #tpu.memory_space<vmem>>
        %dma_start3A_843 = tpu.memref_squeeze %dma_start3A_842 : memref<1x128x128xf32, #tpu.memory_space<vmem>> -> memref<128x128xf32, #tpu.memory_space<vmem>>
        tpu.enqueue_dma source(%dma_start3A_843 : memref<128x128xf32, #tpu.memory_space<vmem>>) target(%dma_start3A_839 : memref<128x128xf32, #tpu.memory_space<hbm>>) target_semaphore(%run_scoped3A_829 : memref<!tpu.dma_semaphore, #tpu.memory_space<semaphore_mem>>)
        %dma_wait3A_844 = arith.constant 0 : i32
        %dma_wait3A_845 = arith.constant 0 : i32
        %dma_wait3A_846 = tpu.memref_slice %arg13[%run_scoped3A_423, %dma_wait3A_844, %dma_wait3A_845] : memref<4x128x128xf32, #tpu.memory_space<vmem>> -> memref<1x128x128xf32, #tpu.memory_space<vmem>>
        %dma_wait3A_847 = tpu.memref_squeeze %dma_wait3A_846 : memref<1x128x128xf32, #tpu.memory_space<vmem>> -> memref<128x128xf32, #tpu.memory_space<vmem>>
        %dma_wait3A_848 = arith.constant 512 : i32
        %dma_wait3A_849 = tpu.memref_slice %arg7[%select_n3A, %add3A_422, %dma_wait3A_848] : memref<4x8192x768xf32, #tpu.memory_space<hbm>> -> memref<1x128x128xf32, #tpu.memory_space<hbm>>
        %dma_wait3A_850 = tpu.memref_squeeze %dma_wait3A_849 : memref<1x128x128xf32, #tpu.memory_space<hbm>> -> memref<128x128xf32, #tpu.memory_space<hbm>>
        %dma_wait3A_851 = arith.constant 512 : i32
        %dma_wait3A_852 = tpu.memref_slice %arg7[%select_n3A, %add3A_422, %dma_wait3A_851] : memref<4x8192x768xf32, #tpu.memory_space<hbm>> -> memref<1x128x128xf32, #tpu.memory_space<hbm>>
        %dma_wait3A_853 = tpu.memref_squeeze %dma_wait3A_852 : memref<1x128x128xf32, #tpu.memory_space<hbm>> -> memref<128x128xf32, #tpu.memory_space<hbm>>
        %dma_wait3A_854 = arith.constant 0 : i32
        %dma_wait3A_855 = arith.constant 0 : i32
        %dma_wait3A_856 = tpu.memref_slice %arg13[%run_scoped3A_423, %dma_wait3A_854, %dma_wait3A_855] : memref<4x128x128xf32, #tpu.memory_space<vmem>> -> memref<1x128x128xf32, #tpu.memory_space<vmem>>
        %dma_wait3A_857 = tpu.memref_squeeze %dma_wait3A_856 : memref<1x128x128xf32, #tpu.memory_space<vmem>> -> memref<128x128xf32, #tpu.memory_space<vmem>>
        tpu.wait_dma2 semaphore(%run_scoped3A_829 : memref<!tpu.dma_semaphore, #tpu.memory_space<semaphore_mem>>) src(%dma_wait3A_857 : memref<128x128xf32, #tpu.memory_space<vmem>>) dst(%dma_wait3A_853 : memref<128x128xf32, #tpu.memory_space<hbm>>)
        tpu.yield
      }) : () -> ()
      %dma_wait3A_424 = arith.constant 1 : i32
      %dma_wait3A_425 = arith.constant 0 : i32
      %dma_wait3A_426 = arith.constant 0 : i32
      %dma_wait3A_427 = tpu.memref_slice %arg13[%dma_wait3A_424, %dma_wait3A_425, %dma_wait3A_426] : memref<4x128x128xf32, #tpu.memory_space<vmem>> -> memref<1x128x128xf32, #tpu.memory_space<vmem>>
      %dma_wait3A_428 = tpu.memref_squeeze %dma_wait3A_427 : memref<1x128x128xf32, #tpu.memory_space<vmem>> -> memref<128x128xf32, #tpu.memory_space<vmem>>
      %dma_wait3A_429 = arith.constant 0 : i32
      %dma_wait3A_430 = tpu.memref_slice %arg12[%dma_wait3A_429] : memref<6144xi32, #tpu.memory_space<vmem>> -> memref<128xi32, #tpu.memory_space<vmem>>
      %dma_wait3A_431 = arith.constant 0 : i32
      %dma_wait3A_432 = arith.constant 0 : i32
      %dma_wait3A_433 = tpu.memref_slice %arg8[%dma_wait3A_431, %dma_wait3A_432] : memref<1025x128xf32, #tpu.memory_space<vmem_shared>> -> memref<1025x128xf32, #tpu.memory_space<vmem_shared>>
      tpu.wait_indirect_dma semaphore(%arg14 : memref<!tpu.dma_semaphore, #tpu.memory_space<semaphore_mem>>) src(%dma_wait3A_433 : memref<1025x128xf32, #tpu.memory_space<vmem_shared>>) dst(%dma_wait3A_428 : memref<128x128xf32, #tpu.memory_space<vmem>>)
      %add3A_434 = arith.constant 1 : i32
      %add3A_435 = arith.addi %add3A_319, %add3A_434 : i32
      %lt3A_436 = arith.constant 8 : i32
      %lt3A_437 = arith.cmpi slt, %add3A_435, %lt3A_436 : i32
      %convert_element_type3A_438 = arith.extui %lt3A_437 : i1 to i32
      %cond3A_439 = arith.constant 0 : i32
      %cond3A_440 = arith.cmpi ne, %convert_element_type3A_438, %cond3A_439 : i32
      scf.if %cond3A_440 {
        %mul3A_829 = arith.constant 128 : i32
        %mul3A_830 = arith.muli %add3A_435, %mul3A_829 : i32
        %add3A_831 = arith.constant 2048 : i32
        %add3A_832 = arith.addi %add3A_831, %mul3A_830 : i32
        %dma_start3A_833 = arith.constant 0 : i32
        %dma_start3A_834 = arith.constant 0 : i32
        %dma_start3A_835 = arith.constant 0 : i32
        %dma_start3A_836 = tpu.memref_slice %arg13[%dma_start3A_833, %dma_start3A_834, %dma_start3A_835] : memref<4x128x128xf32, #tpu.memory_space<vmem>> -> memref<1x128x128xf32, #tpu.memory_space<vmem>>
        %dma_start3A_837 = tpu.memref_squeeze %dma_start3A_836 : memref<1x128x128xf32, #tpu.memory_space<vmem>> -> memref<128x128xf32, #tpu.memory_space<vmem>>
        %dma_start3A_838 = tpu.memref_slice %arg12[%add3A_832] : memref<6144xi32, #tpu.memory_space<vmem>> -> memref<128xi32, #tpu.memory_space<vmem>>
        %dma_start3A_839 = arith.constant 0 : i32
        %dma_start3A_840 = arith.constant 0 : i32
        %dma_start3A_841 = tpu.memref_slice %arg8[%dma_start3A_839, %dma_start3A_840] : memref<1025x128xf32, #tpu.memory_space<vmem_shared>> -> memref<1025x128xf32, #tpu.memory_space<vmem_shared>>
        tpu.enqueue_indirect_dma source(%dma_start3A_841 : memref<1025x128xf32, #tpu.memory_space<vmem_shared>>) target(%dma_start3A_837 : memref<128x128xf32, #tpu.memory_space<vmem>>) offsets(%dma_start3A_838 : memref<128xi32, #tpu.memory_space<vmem>>) semaphore(%arg14 : memref<!tpu.dma_semaphore, #tpu.memory_space<semaphore_mem>>)
      } else {
      }
      %mul3A_441 = arith.constant 128 : i32
      %mul3A_442 = arith.muli %add3A_319, %mul3A_441 : i32
      %add3A_443 = arith.addi %mul3A_32, %mul3A_442 : i32
      %run_scoped3A_444 = arith.constant 1 : i32
      "tpu.region"() ({
        %run_scoped3A_829 = tpu.sem_alloc : memref<!tpu.dma_semaphore, #tpu.memory_space<semaphore_mem>>
        %dma_start3A_830 = arith.constant 0 : i32
        %dma_start3A_831 = arith.constant 0 : i32
        %dma_start3A_832 = tpu.memref_slice %arg13[%run_scoped3A_444, %dma_start3A_830, %dma_start3A_831] : memref<4x128x128xf32, #tpu.memory_space<vmem>> -> memref<1x128x128xf32, #tpu.memory_space<vmem>>
        %dma_start3A_833 = tpu.memref_squeeze %dma_start3A_832 : memref<1x128x128xf32, #tpu.memory_space<vmem>> -> memref<128x128xf32, #tpu.memory_space<vmem>>
        %dma_start3A_834 = arith.constant 640 : i32
        %dma_start3A_835 = tpu.memref_slice %arg7[%select_n3A, %add3A_443, %dma_start3A_834] : memref<4x8192x768xf32, #tpu.memory_space<hbm>> -> memref<1x128x128xf32, #tpu.memory_space<hbm>>
        %dma_start3A_836 = tpu.memref_squeeze %dma_start3A_835 : memref<1x128x128xf32, #tpu.memory_space<hbm>> -> memref<128x128xf32, #tpu.memory_space<hbm>>
        %dma_start3A_837 = arith.constant 640 : i32
        %dma_start3A_838 = tpu.memref_slice %arg7[%select_n3A, %add3A_443, %dma_start3A_837] : memref<4x8192x768xf32, #tpu.memory_space<hbm>> -> memref<1x128x128xf32, #tpu.memory_space<hbm>>
        %dma_start3A_839 = tpu.memref_squeeze %dma_start3A_838 : memref<1x128x128xf32, #tpu.memory_space<hbm>> -> memref<128x128xf32, #tpu.memory_space<hbm>>
        %dma_start3A_840 = arith.constant 0 : i32
        %dma_start3A_841 = arith.constant 0 : i32
        %dma_start3A_842 = tpu.memref_slice %arg13[%run_scoped3A_444, %dma_start3A_840, %dma_start3A_841] : memref<4x128x128xf32, #tpu.memory_space<vmem>> -> memref<1x128x128xf32, #tpu.memory_space<vmem>>
        %dma_start3A_843 = tpu.memref_squeeze %dma_start3A_842 : memref<1x128x128xf32, #tpu.memory_space<vmem>> -> memref<128x128xf32, #tpu.memory_space<vmem>>
        tpu.enqueue_dma source(%dma_start3A_843 : memref<128x128xf32, #tpu.memory_space<vmem>>) target(%dma_start3A_839 : memref<128x128xf32, #tpu.memory_space<hbm>>) target_semaphore(%run_scoped3A_829 : memref<!tpu.dma_semaphore, #tpu.memory_space<semaphore_mem>>)
        %dma_wait3A_844 = arith.constant 0 : i32
        %dma_wait3A_845 = arith.constant 0 : i32
        %dma_wait3A_846 = tpu.memref_slice %arg13[%run_scoped3A_444, %dma_wait3A_844, %dma_wait3A_845] : memref<4x128x128xf32, #tpu.memory_space<vmem>> -> memref<1x128x128xf32, #tpu.memory_space<vmem>>
        %dma_wait3A_847 = tpu.memref_squeeze %dma_wait3A_846 : memref<1x128x128xf32, #tpu.memory_space<vmem>> -> memref<128x128xf32, #tpu.memory_space<vmem>>
        %dma_wait3A_848 = arith.constant 640 : i32
        %dma_wait3A_849 = tpu.memref_slice %arg7[%select_n3A, %add3A_443, %dma_wait3A_848] : memref<4x8192x768xf32, #tpu.memory_space<hbm>> -> memref<1x128x128xf32, #tpu.memory_space<hbm>>
        %dma_wait3A_850 = tpu.memref_squeeze %dma_wait3A_849 : memref<1x128x128xf32, #tpu.memory_space<hbm>> -> memref<128x128xf32, #tpu.memory_space<hbm>>
        %dma_wait3A_851 = arith.constant 640 : i32
        %dma_wait3A_852 = tpu.memref_slice %arg7[%select_n3A, %add3A_443, %dma_wait3A_851] : memref<4x8192x768xf32, #tpu.memory_space<hbm>> -> memref<1x128x128xf32, #tpu.memory_space<hbm>>
        %dma_wait3A_853 = tpu.memref_squeeze %dma_wait3A_852 : memref<1x128x128xf32, #tpu.memory_space<hbm>> -> memref<128x128xf32, #tpu.memory_space<hbm>>
        %dma_wait3A_854 = arith.constant 0 : i32
        %dma_wait3A_855 = arith.constant 0 : i32
        %dma_wait3A_856 = tpu.memref_slice %arg13[%run_scoped3A_444, %dma_wait3A_854, %dma_wait3A_855] : memref<4x128x128xf32, #tpu.memory_space<vmem>> -> memref<1x128x128xf32, #tpu.memory_space<vmem>>
        %dma_wait3A_857 = tpu.memref_squeeze %dma_wait3A_856 : memref<1x128x128xf32, #tpu.memory_space<vmem>> -> memref<128x128xf32, #tpu.memory_space<vmem>>
        tpu.wait_dma2 semaphore(%run_scoped3A_829 : memref<!tpu.dma_semaphore, #tpu.memory_space<semaphore_mem>>) src(%dma_wait3A_857 : memref<128x128xf32, #tpu.memory_space<vmem>>) dst(%dma_wait3A_853 : memref<128x128xf32, #tpu.memory_space<hbm>>)
        tpu.yield
      }) : () -> ()
      %add3A_445 = arith.constant 1 : i32
      %add3A_446 = arith.addi %mul3A_317, %add3A_445 : i32
      %dma_wait3A_447 = arith.constant 2 : i32
      %dma_wait3A_448 = arith.constant 0 : i32
      %dma_wait3A_449 = arith.constant 0 : i32
      %dma_wait3A_450 = tpu.memref_slice %arg13[%dma_wait3A_447, %dma_wait3A_448, %dma_wait3A_449] : memref<4x128x128xf32, #tpu.memory_space<vmem>> -> memref<1x128x128xf32, #tpu.memory_space<vmem>>
      %dma_wait3A_451 = tpu.memref_squeeze %dma_wait3A_450 : memref<1x128x128xf32, #tpu.memory_space<vmem>> -> memref<128x128xf32, #tpu.memory_space<vmem>>
      %dma_wait3A_452 = arith.constant 0 : i32
      %dma_wait3A_453 = tpu.memref_slice %arg12[%dma_wait3A_452] : memref<6144xi32, #tpu.memory_space<vmem>> -> memref<128xi32, #tpu.memory_space<vmem>>
      %dma_wait3A_454 = arith.constant 0 : i32
      %dma_wait3A_455 = arith.constant 0 : i32
      %dma_wait3A_456 = tpu.memref_slice %arg8[%dma_wait3A_454, %dma_wait3A_455] : memref<1025x128xf32, #tpu.memory_space<vmem_shared>> -> memref<1025x128xf32, #tpu.memory_space<vmem_shared>>
      tpu.wait_indirect_dma semaphore(%arg14 : memref<!tpu.dma_semaphore, #tpu.memory_space<semaphore_mem>>) src(%dma_wait3A_456 : memref<1025x128xf32, #tpu.memory_space<vmem_shared>>) dst(%dma_wait3A_451 : memref<128x128xf32, #tpu.memory_space<vmem>>)
      %add3A_457 = arith.constant 0 : i32
      %add3A_458 = arith.addi %add3A_446, %add3A_457 : i32
      %lt3A_459 = arith.constant 8 : i32
      %lt3A_460 = arith.cmpi slt, %add3A_458, %lt3A_459 : i32
      %convert_element_type3A_461 = arith.extui %lt3A_460 : i1 to i32
      %cond3A_462 = arith.constant 0 : i32
      %cond3A_463 = arith.cmpi ne, %convert_element_type3A_461, %cond3A_462 : i32
      scf.if %cond3A_463 {
        %mul3A_829 = arith.constant 128 : i32
        %mul3A_830 = arith.muli %add3A_458, %mul3A_829 : i32
        %add3A_831 = arith.constant 3072 : i32
        %add3A_832 = arith.addi %add3A_831, %mul3A_830 : i32
        %dma_start3A_833 = arith.constant 1 : i32
        %dma_start3A_834 = arith.constant 0 : i32
        %dma_start3A_835 = arith.constant 0 : i32
        %dma_start3A_836 = tpu.memref_slice %arg13[%dma_start3A_833, %dma_start3A_834, %dma_start3A_835] : memref<4x128x128xf32, #tpu.memory_space<vmem>> -> memref<1x128x128xf32, #tpu.memory_space<vmem>>
        %dma_start3A_837 = tpu.memref_squeeze %dma_start3A_836 : memref<1x128x128xf32, #tpu.memory_space<vmem>> -> memref<128x128xf32, #tpu.memory_space<vmem>>
        %dma_start3A_838 = tpu.memref_slice %arg12[%add3A_832] : memref<6144xi32, #tpu.memory_space<vmem>> -> memref<128xi32, #tpu.memory_space<vmem>>
        %dma_start3A_839 = arith.constant 0 : i32
        %dma_start3A_840 = arith.constant 0 : i32
        %dma_start3A_841 = tpu.memref_slice %arg9[%dma_start3A_839, %dma_start3A_840] : memref<1025x128xf32, #tpu.memory_space<vmem_shared>> -> memref<1025x128xf32, #tpu.memory_space<vmem_shared>>
        tpu.enqueue_indirect_dma source(%dma_start3A_841 : memref<1025x128xf32, #tpu.memory_space<vmem_shared>>) target(%dma_start3A_837 : memref<128x128xf32, #tpu.memory_space<vmem>>) offsets(%dma_start3A_838 : memref<128xi32, #tpu.memory_space<vmem>>) semaphore(%arg14 : memref<!tpu.dma_semaphore, #tpu.memory_space<semaphore_mem>>)
      } else {
      }
      %mul3A_464 = arith.constant 128 : i32
      %mul3A_465 = arith.muli %add3A_446, %mul3A_464 : i32
      %add3A_466 = arith.addi %mul3A_32, %mul3A_465 : i32
      %run_scoped3A_467 = arith.constant 2 : i32
      "tpu.region"() ({
        %run_scoped3A_829 = tpu.sem_alloc : memref<!tpu.dma_semaphore, #tpu.memory_space<semaphore_mem>>
        %dma_start3A_830 = arith.constant 0 : i32
        %dma_start3A_831 = arith.constant 0 : i32
        %dma_start3A_832 = tpu.memref_slice %arg13[%run_scoped3A_467, %dma_start3A_830, %dma_start3A_831] : memref<4x128x128xf32, #tpu.memory_space<vmem>> -> memref<1x128x128xf32, #tpu.memory_space<vmem>>
        %dma_start3A_833 = tpu.memref_squeeze %dma_start3A_832 : memref<1x128x128xf32, #tpu.memory_space<vmem>> -> memref<128x128xf32, #tpu.memory_space<vmem>>
        %dma_start3A_834 = arith.constant 0 : i32
        %dma_start3A_835 = tpu.memref_slice %arg7[%select_n3A, %add3A_466, %dma_start3A_834] : memref<4x8192x768xf32, #tpu.memory_space<hbm>> -> memref<1x128x128xf32, #tpu.memory_space<hbm>>
        %dma_start3A_836 = tpu.memref_squeeze %dma_start3A_835 : memref<1x128x128xf32, #tpu.memory_space<hbm>> -> memref<128x128xf32, #tpu.memory_space<hbm>>
        %dma_start3A_837 = arith.constant 0 : i32
        %dma_start3A_838 = tpu.memref_slice %arg7[%select_n3A, %add3A_466, %dma_start3A_837] : memref<4x8192x768xf32, #tpu.memory_space<hbm>> -> memref<1x128x128xf32, #tpu.memory_space<hbm>>
        %dma_start3A_839 = tpu.memref_squeeze %dma_start3A_838 : memref<1x128x128xf32, #tpu.memory_space<hbm>> -> memref<128x128xf32, #tpu.memory_space<hbm>>
        %dma_start3A_840 = arith.constant 0 : i32
        %dma_start3A_841 = arith.constant 0 : i32
        %dma_start3A_842 = tpu.memref_slice %arg13[%run_scoped3A_467, %dma_start3A_840, %dma_start3A_841] : memref<4x128x128xf32, #tpu.memory_space<vmem>> -> memref<1x128x128xf32, #tpu.memory_space<vmem>>
        %dma_start3A_843 = tpu.memref_squeeze %dma_start3A_842 : memref<1x128x128xf32, #tpu.memory_space<vmem>> -> memref<128x128xf32, #tpu.memory_space<vmem>>
        tpu.enqueue_dma source(%dma_start3A_843 : memref<128x128xf32, #tpu.memory_space<vmem>>) target(%dma_start3A_839 : memref<128x128xf32, #tpu.memory_space<hbm>>) target_semaphore(%run_scoped3A_829 : memref<!tpu.dma_semaphore, #tpu.memory_space<semaphore_mem>>)
        %dma_wait3A_844 = arith.constant 0 : i32
        %dma_wait3A_845 = arith.constant 0 : i32
        %dma_wait3A_846 = tpu.memref_slice %arg13[%run_scoped3A_467, %dma_wait3A_844, %dma_wait3A_845] : memref<4x128x128xf32, #tpu.memory_space<vmem>> -> memref<1x128x128xf32, #tpu.memory_space<vmem>>
        %dma_wait3A_847 = tpu.memref_squeeze %dma_wait3A_846 : memref<1x128x128xf32, #tpu.memory_space<vmem>> -> memref<128x128xf32, #tpu.memory_space<vmem>>
        %dma_wait3A_848 = arith.constant 0 : i32
        %dma_wait3A_849 = tpu.memref_slice %arg7[%select_n3A, %add3A_466, %dma_wait3A_848] : memref<4x8192x768xf32, #tpu.memory_space<hbm>> -> memref<1x128x128xf32, #tpu.memory_space<hbm>>
        %dma_wait3A_850 = tpu.memref_squeeze %dma_wait3A_849 : memref<1x128x128xf32, #tpu.memory_space<hbm>> -> memref<128x128xf32, #tpu.memory_space<hbm>>
        %dma_wait3A_851 = arith.constant 0 : i32
        %dma_wait3A_852 = tpu.memref_slice %arg7[%select_n3A, %add3A_466, %dma_wait3A_851] : memref<4x8192x768xf32, #tpu.memory_space<hbm>> -> memref<1x128x128xf32, #tpu.memory_space<hbm>>
        %dma_wait3A_853 = tpu.memref_squeeze %dma_wait3A_852 : memref<1x128x128xf32, #tpu.memory_space<hbm>> -> memref<128x128xf32, #tpu.memory_space<hbm>>
        %dma_wait3A_854 = arith.constant 0 : i32
        %dma_wait3A_855 = arith.constant 0 : i32
        %dma_wait3A_856 = tpu.memref_slice %arg13[%run_scoped3A_467, %dma_wait3A_854, %dma_wait3A_855] : memref<4x128x128xf32, #tpu.memory_space<vmem>> -> memref<1x128x128xf32, #tpu.memory_space<vmem>>
        %dma_wait3A_857 = tpu.memref_squeeze %dma_wait3A_856 : memref<1x128x128xf32, #tpu.memory_space<vmem>> -> memref<128x128xf32, #tpu.memory_space<vmem>>
        tpu.wait_dma2 semaphore(%run_scoped3A_829 : memref<!tpu.dma_semaphore, #tpu.memory_space<semaphore_mem>>) src(%dma_wait3A_857 : memref<128x128xf32, #tpu.memory_space<vmem>>) dst(%dma_wait3A_853 : memref<128x128xf32, #tpu.memory_space<hbm>>)
        tpu.yield
      }) : () -> ()
      %dma_wait3A_468 = arith.constant 3 : i32
      %dma_wait3A_469 = arith.constant 0 : i32
      %dma_wait3A_470 = arith.constant 0 : i32
      %dma_wait3A_471 = tpu.memref_slice %arg13[%dma_wait3A_468, %dma_wait3A_469, %dma_wait3A_470] : memref<4x128x128xf32, #tpu.memory_space<vmem>> -> memref<1x128x128xf32, #tpu.memory_space<vmem>>
      %dma_wait3A_472 = tpu.memref_squeeze %dma_wait3A_471 : memref<1x128x128xf32, #tpu.memory_space<vmem>> -> memref<128x128xf32, #tpu.memory_space<vmem>>
      %dma_wait3A_473 = arith.constant 0 : i32
      %dma_wait3A_474 = tpu.memref_slice %arg12[%dma_wait3A_473] : memref<6144xi32, #tpu.memory_space<vmem>> -> memref<128xi32, #tpu.memory_space<vmem>>
      %dma_wait3A_475 = arith.constant 0 : i32
      %dma_wait3A_476 = arith.constant 0 : i32
      %dma_wait3A_477 = tpu.memref_slice %arg8[%dma_wait3A_475, %dma_wait3A_476] : memref<1025x128xf32, #tpu.memory_space<vmem_shared>> -> memref<1025x128xf32, #tpu.memory_space<vmem_shared>>
      tpu.wait_indirect_dma semaphore(%arg14 : memref<!tpu.dma_semaphore, #tpu.memory_space<semaphore_mem>>) src(%dma_wait3A_477 : memref<1025x128xf32, #tpu.memory_space<vmem_shared>>) dst(%dma_wait3A_472 : memref<128x128xf32, #tpu.memory_space<vmem>>)
      %add3A_478 = arith.constant 0 : i32
      %add3A_479 = arith.addi %add3A_446, %add3A_478 : i32
      %lt3A_480 = arith.constant 8 : i32
      %lt3A_481 = arith.cmpi slt, %add3A_479, %lt3A_480 : i32
      %convert_element_type3A_482 = arith.extui %lt3A_481 : i1 to i32
      %cond3A_483 = arith.constant 0 : i32
      %cond3A_484 = arith.cmpi ne, %convert_element_type3A_482, %cond3A_483 : i32
      scf.if %cond3A_484 {
        %mul3A_829 = arith.constant 128 : i32
        %mul3A_830 = arith.muli %add3A_479, %mul3A_829 : i32
        %add3A_831 = arith.constant 4096 : i32
        %add3A_832 = arith.addi %add3A_831, %mul3A_830 : i32
        %dma_start3A_833 = arith.constant 2 : i32
        %dma_start3A_834 = arith.constant 0 : i32
        %dma_start3A_835 = arith.constant 0 : i32
        %dma_start3A_836 = tpu.memref_slice %arg13[%dma_start3A_833, %dma_start3A_834, %dma_start3A_835] : memref<4x128x128xf32, #tpu.memory_space<vmem>> -> memref<1x128x128xf32, #tpu.memory_space<vmem>>
        %dma_start3A_837 = tpu.memref_squeeze %dma_start3A_836 : memref<1x128x128xf32, #tpu.memory_space<vmem>> -> memref<128x128xf32, #tpu.memory_space<vmem>>
        %dma_start3A_838 = tpu.memref_slice %arg12[%add3A_832] : memref<6144xi32, #tpu.memory_space<vmem>> -> memref<128xi32, #tpu.memory_space<vmem>>
        %dma_start3A_839 = arith.constant 0 : i32
        %dma_start3A_840 = arith.constant 0 : i32
        %dma_start3A_841 = tpu.memref_slice %arg10[%dma_start3A_839, %dma_start3A_840] : memref<1025x128xf32, #tpu.memory_space<vmem_shared>> -> memref<1025x128xf32, #tpu.memory_space<vmem_shared>>
        tpu.enqueue_indirect_dma source(%dma_start3A_841 : memref<1025x128xf32, #tpu.memory_space<vmem_shared>>) target(%dma_start3A_837 : memref<128x128xf32, #tpu.memory_space<vmem>>) offsets(%dma_start3A_838 : memref<128xi32, #tpu.memory_space<vmem>>) semaphore(%arg14 : memref<!tpu.dma_semaphore, #tpu.memory_space<semaphore_mem>>)
      } else {
      }
      %mul3A_485 = arith.constant 128 : i32
      %mul3A_486 = arith.muli %add3A_446, %mul3A_485 : i32
      %add3A_487 = arith.addi %mul3A_32, %mul3A_486 : i32
      %run_scoped3A_488 = arith.constant 3 : i32
      "tpu.region"() ({
        %run_scoped3A_829 = tpu.sem_alloc : memref<!tpu.dma_semaphore, #tpu.memory_space<semaphore_mem>>
        %dma_start3A_830 = arith.constant 0 : i32
        %dma_start3A_831 = arith.constant 0 : i32
        %dma_start3A_832 = tpu.memref_slice %arg13[%run_scoped3A_488, %dma_start3A_830, %dma_start3A_831] : memref<4x128x128xf32, #tpu.memory_space<vmem>> -> memref<1x128x128xf32, #tpu.memory_space<vmem>>
        %dma_start3A_833 = tpu.memref_squeeze %dma_start3A_832 : memref<1x128x128xf32, #tpu.memory_space<vmem>> -> memref<128x128xf32, #tpu.memory_space<vmem>>
        %dma_start3A_834 = arith.constant 128 : i32
        %dma_start3A_835 = tpu.memref_slice %arg7[%select_n3A, %add3A_487, %dma_start3A_834] : memref<4x8192x768xf32, #tpu.memory_space<hbm>> -> memref<1x128x128xf32, #tpu.memory_space<hbm>>
        %dma_start3A_836 = tpu.memref_squeeze %dma_start3A_835 : memref<1x128x128xf32, #tpu.memory_space<hbm>> -> memref<128x128xf32, #tpu.memory_space<hbm>>
        %dma_start3A_837 = arith.constant 128 : i32
        %dma_start3A_838 = tpu.memref_slice %arg7[%select_n3A, %add3A_487, %dma_start3A_837] : memref<4x8192x768xf32, #tpu.memory_space<hbm>> -> memref<1x128x128xf32, #tpu.memory_space<hbm>>
        %dma_start3A_839 = tpu.memref_squeeze %dma_start3A_838 : memref<1x128x128xf32, #tpu.memory_space<hbm>> -> memref<128x128xf32, #tpu.memory_space<hbm>>
        %dma_start3A_840 = arith.constant 0 : i32
        %dma_start3A_841 = arith.constant 0 : i32
        %dma_start3A_842 = tpu.memref_slice %arg13[%run_scoped3A_488, %dma_start3A_840, %dma_start3A_841] : memref<4x128x128xf32, #tpu.memory_space<vmem>> -> memref<1x128x128xf32, #tpu.memory_space<vmem>>
        %dma_start3A_843 = tpu.memref_squeeze %dma_start3A_842 : memref<1x128x128xf32, #tpu.memory_space<vmem>> -> memref<128x128xf32, #tpu.memory_space<vmem>>
        tpu.enqueue_dma source(%dma_start3A_843 : memref<128x128xf32, #tpu.memory_space<vmem>>) target(%dma_start3A_839 : memref<128x128xf32, #tpu.memory_space<hbm>>) target_semaphore(%run_scoped3A_829 : memref<!tpu.dma_semaphore, #tpu.memory_space<semaphore_mem>>)
        %dma_wait3A_844 = arith.constant 0 : i32
        %dma_wait3A_845 = arith.constant 0 : i32
        %dma_wait3A_846 = tpu.memref_slice %arg13[%run_scoped3A_488, %dma_wait3A_844, %dma_wait3A_845] : memref<4x128x128xf32, #tpu.memory_space<vmem>> -> memref<1x128x128xf32, #tpu.memory_space<vmem>>
        %dma_wait3A_847 = tpu.memref_squeeze %dma_wait3A_846 : memref<1x128x128xf32, #tpu.memory_space<vmem>> -> memref<128x128xf32, #tpu.memory_space<vmem>>
        %dma_wait3A_848 = arith.constant 128 : i32
        %dma_wait3A_849 = tpu.memref_slice %arg7[%select_n3A, %add3A_487, %dma_wait3A_848] : memref<4x8192x768xf32, #tpu.memory_space<hbm>> -> memref<1x128x128xf32, #tpu.memory_space<hbm>>
        %dma_wait3A_850 = tpu.memref_squeeze %dma_wait3A_849 : memref<1x128x128xf32, #tpu.memory_space<hbm>> -> memref<128x128xf32, #tpu.memory_space<hbm>>
        %dma_wait3A_851 = arith.constant 128 : i32
        %dma_wait3A_852 = tpu.memref_slice %arg7[%select_n3A, %add3A_487, %dma_wait3A_851] : memref<4x8192x768xf32, #tpu.memory_space<hbm>> -> memref<1x128x128xf32, #tpu.memory_space<hbm>>
        %dma_wait3A_853 = tpu.memref_squeeze %dma_wait3A_852 : memref<1x128x128xf32, #tpu.memory_space<hbm>> -> memref<128x128xf32, #tpu.memory_space<hbm>>
        %dma_wait3A_854 = arith.constant 0 : i32
        %dma_wait3A_855 = arith.constant 0 : i32
        %dma_wait3A_856 = tpu.memref_slice %arg13[%run_scoped3A_488, %dma_wait3A_854, %dma_wait3A_855] : memref<4x128x128xf32, #tpu.memory_space<vmem>> -> memref<1x128x128xf32, #tpu.memory_space<vmem>>
        %dma_wait3A_857 = tpu.memref_squeeze %dma_wait3A_856 : memref<1x128x128xf32, #tpu.memory_space<vmem>> -> memref<128x128xf32, #tpu.memory_space<vmem>>
        tpu.wait_dma2 semaphore(%run_scoped3A_829 : memref<!tpu.dma_semaphore, #tpu.memory_space<semaphore_mem>>) src(%dma_wait3A_857 : memref<128x128xf32, #tpu.memory_space<vmem>>) dst(%dma_wait3A_853 : memref<128x128xf32, #tpu.memory_space<hbm>>)
        tpu.yield
      }) : () -> ()
      %dma_wait3A_489 = arith.constant 0 : i32
      %dma_wait3A_490 = arith.constant 0 : i32
      %dma_wait3A_491 = arith.constant 0 : i32
      %dma_wait3A_492 = tpu.memref_slice %arg13[%dma_wait3A_489, %dma_wait3A_490, %dma_wait3A_491] : memref<4x128x128xf32, #tpu.memory_space<vmem>> -> memref<1x128x128xf32, #tpu.memory_space<vmem>>
      %dma_wait3A_493 = tpu.memref_squeeze %dma_wait3A_492 : memref<1x128x128xf32, #tpu.memory_space<vmem>> -> memref<128x128xf32, #tpu.memory_space<vmem>>
      %dma_wait3A_494 = arith.constant 0 : i32
      %dma_wait3A_495 = tpu.memref_slice %arg12[%dma_wait3A_494] : memref<6144xi32, #tpu.memory_space<vmem>> -> memref<128xi32, #tpu.memory_space<vmem>>
      %dma_wait3A_496 = arith.constant 0 : i32
      %dma_wait3A_497 = arith.constant 0 : i32
      %dma_wait3A_498 = tpu.memref_slice %arg8[%dma_wait3A_496, %dma_wait3A_497] : memref<1025x128xf32, #tpu.memory_space<vmem_shared>> -> memref<1025x128xf32, #tpu.memory_space<vmem_shared>>
      tpu.wait_indirect_dma semaphore(%arg14 : memref<!tpu.dma_semaphore, #tpu.memory_space<semaphore_mem>>) src(%dma_wait3A_498 : memref<1025x128xf32, #tpu.memory_space<vmem_shared>>) dst(%dma_wait3A_493 : memref<128x128xf32, #tpu.memory_space<vmem>>)
      %add3A_499 = arith.constant 0 : i32
      %add3A_500 = arith.addi %add3A_446, %add3A_499 : i32
      %lt3A_501 = arith.constant 8 : i32
      %lt3A_502 = arith.cmpi slt, %add3A_500, %lt3A_501 : i32
      %convert_element_type3A_503 = arith.extui %lt3A_502 : i1 to i32
      %cond3A_504 = arith.constant 0 : i32
      %cond3A_505 = arith.cmpi ne, %convert_element_type3A_503, %cond3A_504 : i32
      scf.if %cond3A_505 {
        %mul3A_829 = arith.constant 128 : i32
        %mul3A_830 = arith.muli %add3A_500, %mul3A_829 : i32
        %add3A_831 = arith.constant 5120 : i32
        %add3A_832 = arith.addi %add3A_831, %mul3A_830 : i32
        %dma_start3A_833 = arith.constant 3 : i32
        %dma_start3A_834 = arith.constant 0 : i32
        %dma_start3A_835 = arith.constant 0 : i32
        %dma_start3A_836 = tpu.memref_slice %arg13[%dma_start3A_833, %dma_start3A_834, %dma_start3A_835] : memref<4x128x128xf32, #tpu.memory_space<vmem>> -> memref<1x128x128xf32, #tpu.memory_space<vmem>>
        %dma_start3A_837 = tpu.memref_squeeze %dma_start3A_836 : memref<1x128x128xf32, #tpu.memory_space<vmem>> -> memref<128x128xf32, #tpu.memory_space<vmem>>
        %dma_start3A_838 = tpu.memref_slice %arg12[%add3A_832] : memref<6144xi32, #tpu.memory_space<vmem>> -> memref<128xi32, #tpu.memory_space<vmem>>
        %dma_start3A_839 = arith.constant 0 : i32
        %dma_start3A_840 = arith.constant 0 : i32
        %dma_start3A_841 = tpu.memref_slice %arg11[%dma_start3A_839, %dma_start3A_840] : memref<1025x128xf32, #tpu.memory_space<vmem_shared>> -> memref<1025x128xf32, #tpu.memory_space<vmem_shared>>
        tpu.enqueue_indirect_dma source(%dma_start3A_841 : memref<1025x128xf32, #tpu.memory_space<vmem_shared>>) target(%dma_start3A_837 : memref<128x128xf32, #tpu.memory_space<vmem>>) offsets(%dma_start3A_838 : memref<128xi32, #tpu.memory_space<vmem>>) semaphore(%arg14 : memref<!tpu.dma_semaphore, #tpu.memory_space<semaphore_mem>>)
      } else {
      }
      %mul3A_506 = arith.constant 128 : i32
      %mul3A_507 = arith.muli %add3A_446, %mul3A_506 : i32
      %add3A_508 = arith.addi %mul3A_32, %mul3A_507 : i32
      %run_scoped3A_509 = arith.constant 0 : i32
      "tpu.region"() ({
        %run_scoped3A_829 = tpu.sem_alloc : memref<!tpu.dma_semaphore, #tpu.memory_space<semaphore_mem>>
        %dma_start3A_830 = arith.constant 0 : i32
        %dma_start3A_831 = arith.constant 0 : i32
        %dma_start3A_832 = tpu.memref_slice %arg13[%run_scoped3A_509, %dma_start3A_830, %dma_start3A_831] : memref<4x128x128xf32, #tpu.memory_space<vmem>> -> memref<1x128x128xf32, #tpu.memory_space<vmem>>
        %dma_start3A_833 = tpu.memref_squeeze %dma_start3A_832 : memref<1x128x128xf32, #tpu.memory_space<vmem>> -> memref<128x128xf32, #tpu.memory_space<vmem>>
        %dma_start3A_834 = arith.constant 256 : i32
        %dma_start3A_835 = tpu.memref_slice %arg7[%select_n3A, %add3A_508, %dma_start3A_834] : memref<4x8192x768xf32, #tpu.memory_space<hbm>> -> memref<1x128x128xf32, #tpu.memory_space<hbm>>
        %dma_start3A_836 = tpu.memref_squeeze %dma_start3A_835 : memref<1x128x128xf32, #tpu.memory_space<hbm>> -> memref<128x128xf32, #tpu.memory_space<hbm>>
        %dma_start3A_837 = arith.constant 256 : i32
        %dma_start3A_838 = tpu.memref_slice %arg7[%select_n3A, %add3A_508, %dma_start3A_837] : memref<4x8192x768xf32, #tpu.memory_space<hbm>> -> memref<1x128x128xf32, #tpu.memory_space<hbm>>
        %dma_start3A_839 = tpu.memref_squeeze %dma_start3A_838 : memref<1x128x128xf32, #tpu.memory_space<hbm>> -> memref<128x128xf32, #tpu.memory_space<hbm>>
        %dma_start3A_840 = arith.constant 0 : i32
        %dma_start3A_841 = arith.constant 0 : i32
        %dma_start3A_842 = tpu.memref_slice %arg13[%run_scoped3A_509, %dma_start3A_840, %dma_start3A_841] : memref<4x128x128xf32, #tpu.memory_space<vmem>> -> memref<1x128x128xf32, #tpu.memory_space<vmem>>
        %dma_start3A_843 = tpu.memref_squeeze %dma_start3A_842 : memref<1x128x128xf32, #tpu.memory_space<vmem>> -> memref<128x128xf32, #tpu.memory_space<vmem>>
        tpu.enqueue_dma source(%dma_start3A_843 : memref<128x128xf32, #tpu.memory_space<vmem>>) target(%dma_start3A_839 : memref<128x128xf32, #tpu.memory_space<hbm>>) target_semaphore(%run_scoped3A_829 : memref<!tpu.dma_semaphore, #tpu.memory_space<semaphore_mem>>)
        %dma_wait3A_844 = arith.constant 0 : i32
        %dma_wait3A_845 = arith.constant 0 : i32
        %dma_wait3A_846 = tpu.memref_slice %arg13[%run_scoped3A_509, %dma_wait3A_844, %dma_wait3A_845] : memref<4x128x128xf32, #tpu.memory_space<vmem>> -> memref<1x128x128xf32, #tpu.memory_space<vmem>>
        %dma_wait3A_847 = tpu.memref_squeeze %dma_wait3A_846 : memref<1x128x128xf32, #tpu.memory_space<vmem>> -> memref<128x128xf32, #tpu.memory_space<vmem>>
        %dma_wait3A_848 = arith.constant 256 : i32
        %dma_wait3A_849 = tpu.memref_slice %arg7[%select_n3A, %add3A_508, %dma_wait3A_848] : memref<4x8192x768xf32, #tpu.memory_space<hbm>> -> memref<1x128x128xf32, #tpu.memory_space<hbm>>
        %dma_wait3A_850 = tpu.memref_squeeze %dma_wait3A_849 : memref<1x128x128xf32, #tpu.memory_space<hbm>> -> memref<128x128xf32, #tpu.memory_space<hbm>>
        %dma_wait3A_851 = arith.constant 256 : i32
        %dma_wait3A_852 = tpu.memref_slice %arg7[%select_n3A, %add3A_508, %dma_wait3A_851] : memref<4x8192x768xf32, #tpu.memory_space<hbm>> -> memref<1x128x128xf32, #tpu.memory_space<hbm>>
        %dma_wait3A_853 = tpu.memref_squeeze %dma_wait3A_852 : memref<1x128x128xf32, #tpu.memory_space<hbm>> -> memref<128x128xf32, #tpu.memory_space<hbm>>
        %dma_wait3A_854 = arith.constant 0 : i32
        %dma_wait3A_855 = arith.constant 0 : i32
        %dma_wait3A_856 = tpu.memref_slice %arg13[%run_scoped3A_509, %dma_wait3A_854, %dma_wait3A_855] : memref<4x128x128xf32, #tpu.memory_space<vmem>> -> memref<1x128x128xf32, #tpu.memory_space<vmem>>
        %dma_wait3A_857 = tpu.memref_squeeze %dma_wait3A_856 : memref<1x128x128xf32, #tpu.memory_space<vmem>> -> memref<128x128xf32, #tpu.memory_space<vmem>>
        tpu.wait_dma2 semaphore(%run_scoped3A_829 : memref<!tpu.dma_semaphore, #tpu.memory_space<semaphore_mem>>) src(%dma_wait3A_857 : memref<128x128xf32, #tpu.memory_space<vmem>>) dst(%dma_wait3A_853 : memref<128x128xf32, #tpu.memory_space<hbm>>)
        tpu.yield
      }) : () -> ()
      %dma_wait3A_510 = arith.constant 1 : i32
      %dma_wait3A_511 = arith.constant 0 : i32
      %dma_wait3A_512 = arith.constant 0 : i32
      %dma_wait3A_513 = tpu.memref_slice %arg13[%dma_wait3A_510, %dma_wait3A_511, %dma_wait3A_512] : memref<4x128x128xf32, #tpu.memory_space<vmem>> -> memref<1x128x128xf32, #tpu.memory_space<vmem>>
      %dma_wait3A_514 = tpu.memref_squeeze %dma_wait3A_513 : memref<1x128x128xf32, #tpu.memory_space<vmem>> -> memref<128x128xf32, #tpu.memory_space<vmem>>
      %dma_wait3A_515 = arith.constant 0 : i32
      %dma_wait3A_516 = tpu.memref_slice %arg12[%dma_wait3A_515] : memref<6144xi32, #tpu.memory_space<vmem>> -> memref<128xi32, #tpu.memory_space<vmem>>
      %dma_wait3A_517 = arith.constant 0 : i32
      %dma_wait3A_518 = arith.constant 0 : i32
      %dma_wait3A_519 = tpu.memref_slice %arg8[%dma_wait3A_517, %dma_wait3A_518] : memref<1025x128xf32, #tpu.memory_space<vmem_shared>> -> memref<1025x128xf32, #tpu.memory_space<vmem_shared>>
      tpu.wait_indirect_dma semaphore(%arg14 : memref<!tpu.dma_semaphore, #tpu.memory_space<semaphore_mem>>) src(%dma_wait3A_519 : memref<1025x128xf32, #tpu.memory_space<vmem_shared>>) dst(%dma_wait3A_514 : memref<128x128xf32, #tpu.memory_space<vmem>>)
      %add3A_520 = arith.constant 1 : i32
      %add3A_521 = arith.addi %add3A_446, %add3A_520 : i32
      %lt3A_522 = arith.constant 8 : i32
      %lt3A_523 = arith.cmpi slt, %add3A_521, %lt3A_522 : i32
      %convert_element_type3A_524 = arith.extui %lt3A_523 : i1 to i32
      %cond3A_525 = arith.constant 0 : i32
      %cond3A_526 = arith.cmpi ne, %convert_element_type3A_524, %cond3A_525 : i32
      scf.if %cond3A_526 {
        %mul3A_829 = arith.constant 128 : i32
        %mul3A_830 = arith.muli %add3A_521, %mul3A_829 : i32
        %add3A_831 = arith.constant 0 : i32
        %add3A_832 = arith.addi %add3A_831, %mul3A_830 : i32
        %dma_start3A_833 = arith.constant 0 : i32
        %dma_start3A_834 = arith.constant 0 : i32
        %dma_start3A_835 = arith.constant 0 : i32
        %dma_start3A_836 = tpu.memref_slice %arg13[%dma_start3A_833, %dma_start3A_834, %dma_start3A_835] : memref<4x128x128xf32, #tpu.memory_space<vmem>> -> memref<1x128x128xf32, #tpu.memory_space<vmem>>
        %dma_start3A_837 = tpu.memref_squeeze %dma_start3A_836 : memref<1x128x128xf32, #tpu.memory_space<vmem>> -> memref<128x128xf32, #tpu.memory_space<vmem>>
        %dma_start3A_838 = tpu.memref_slice %arg12[%add3A_832] : memref<6144xi32, #tpu.memory_space<vmem>> -> memref<128xi32, #tpu.memory_space<vmem>>
        %dma_start3A_839 = arith.constant 0 : i32
        %dma_start3A_840 = arith.constant 0 : i32
        %dma_start3A_841 = tpu.memref_slice %arg8[%dma_start3A_839, %dma_start3A_840] : memref<1025x128xf32, #tpu.memory_space<vmem_shared>> -> memref<1025x128xf32, #tpu.memory_space<vmem_shared>>
        tpu.enqueue_indirect_dma source(%dma_start3A_841 : memref<1025x128xf32, #tpu.memory_space<vmem_shared>>) target(%dma_start3A_837 : memref<128x128xf32, #tpu.memory_space<vmem>>) offsets(%dma_start3A_838 : memref<128xi32, #tpu.memory_space<vmem>>) semaphore(%arg14 : memref<!tpu.dma_semaphore, #tpu.memory_space<semaphore_mem>>)
      } else {
      }
      %mul3A_527 = arith.constant 128 : i32
      %mul3A_528 = arith.muli %add3A_446, %mul3A_527 : i32
      %add3A_529 = arith.addi %mul3A_32, %mul3A_528 : i32
      %run_scoped3A_530 = arith.constant 1 : i32
      "tpu.region"() ({
        %run_scoped3A_829 = tpu.sem_alloc : memref<!tpu.dma_semaphore, #tpu.memory_space<semaphore_mem>>
        %dma_start3A_830 = arith.constant 0 : i32
        %dma_start3A_831 = arith.constant 0 : i32
        %dma_start3A_832 = tpu.memref_slice %arg13[%run_scoped3A_530, %dma_start3A_830, %dma_start3A_831] : memref<4x128x128xf32, #tpu.memory_space<vmem>> -> memref<1x128x128xf32, #tpu.memory_space<vmem>>
        %dma_start3A_833 = tpu.memref_squeeze %dma_start3A_832 : memref<1x128x128xf32, #tpu.memory_space<vmem>> -> memref<128x128xf32, #tpu.memory_space<vmem>>
        %dma_start3A_834 = arith.constant 384 : i32
        %dma_start3A_835 = tpu.memref_slice %arg7[%select_n3A, %add3A_529, %dma_start3A_834] : memref<4x8192x768xf32, #tpu.memory_space<hbm>> -> memref<1x128x128xf32, #tpu.memory_space<hbm>>
        %dma_start3A_836 = tpu.memref_squeeze %dma_start3A_835 : memref<1x128x128xf32, #tpu.memory_space<hbm>> -> memref<128x128xf32, #tpu.memory_space<hbm>>
        %dma_start3A_837 = arith.constant 384 : i32
        %dma_start3A_838 = tpu.memref_slice %arg7[%select_n3A, %add3A_529, %dma_start3A_837] : memref<4x8192x768xf32, #tpu.memory_space<hbm>> -> memref<1x128x128xf32, #tpu.memory_space<hbm>>
        %dma_start3A_839 = tpu.memref_squeeze %dma_start3A_838 : memref<1x128x128xf32, #tpu.memory_space<hbm>> -> memref<128x128xf32, #tpu.memory_space<hbm>>
        %dma_start3A_840 = arith.constant 0 : i32
        %dma_start3A_841 = arith.constant 0 : i32
        %dma_start3A_842 = tpu.memref_slice %arg13[%run_scoped3A_530, %dma_start3A_840, %dma_start3A_841] : memref<4x128x128xf32, #tpu.memory_space<vmem>> -> memref<1x128x128xf32, #tpu.memory_space<vmem>>
        %dma_start3A_843 = tpu.memref_squeeze %dma_start3A_842 : memref<1x128x128xf32, #tpu.memory_space<vmem>> -> memref<128x128xf32, #tpu.memory_space<vmem>>
        tpu.enqueue_dma source(%dma_start3A_843 : memref<128x128xf32, #tpu.memory_space<vmem>>) target(%dma_start3A_839 : memref<128x128xf32, #tpu.memory_space<hbm>>) target_semaphore(%run_scoped3A_829 : memref<!tpu.dma_semaphore, #tpu.memory_space<semaphore_mem>>)
        %dma_wait3A_844 = arith.constant 0 : i32
        %dma_wait3A_845 = arith.constant 0 : i32
        %dma_wait3A_846 = tpu.memref_slice %arg13[%run_scoped3A_530, %dma_wait3A_844, %dma_wait3A_845] : memref<4x128x128xf32, #tpu.memory_space<vmem>> -> memref<1x128x128xf32, #tpu.memory_space<vmem>>
        %dma_wait3A_847 = tpu.memref_squeeze %dma_wait3A_846 : memref<1x128x128xf32, #tpu.memory_space<vmem>> -> memref<128x128xf32, #tpu.memory_space<vmem>>
        %dma_wait3A_848 = arith.constant 384 : i32
        %dma_wait3A_849 = tpu.memref_slice %arg7[%select_n3A, %add3A_529, %dma_wait3A_848] : memref<4x8192x768xf32, #tpu.memory_space<hbm>> -> memref<1x128x128xf32, #tpu.memory_space<hbm>>
        %dma_wait3A_850 = tpu.memref_squeeze %dma_wait3A_849 : memref<1x128x128xf32, #tpu.memory_space<hbm>> -> memref<128x128xf32, #tpu.memory_space<hbm>>
        %dma_wait3A_851 = arith.constant 384 : i32
        %dma_wait3A_852 = tpu.memref_slice %arg7[%select_n3A, %add3A_529, %dma_wait3A_851] : memref<4x8192x768xf32, #tpu.memory_space<hbm>> -> memref<1x128x128xf32, #tpu.memory_space<hbm>>
        %dma_wait3A_853 = tpu.memref_squeeze %dma_wait3A_852 : memref<1x128x128xf32, #tpu.memory_space<hbm>> -> memref<128x128xf32, #tpu.memory_space<hbm>>
        %dma_wait3A_854 = arith.constant 0 : i32
        %dma_wait3A_855 = arith.constant 0 : i32
        %dma_wait3A_856 = tpu.memref_slice %arg13[%run_scoped3A_530, %dma_wait3A_854, %dma_wait3A_855] : memref<4x128x128xf32, #tpu.memory_space<vmem>> -> memref<1x128x128xf32, #tpu.memory_space<vmem>>
        %dma_wait3A_857 = tpu.memref_squeeze %dma_wait3A_856 : memref<1x128x128xf32, #tpu.memory_space<vmem>> -> memref<128x128xf32, #tpu.memory_space<vmem>>
        tpu.wait_dma2 semaphore(%run_scoped3A_829 : memref<!tpu.dma_semaphore, #tpu.memory_space<semaphore_mem>>) src(%dma_wait3A_857 : memref<128x128xf32, #tpu.memory_space<vmem>>) dst(%dma_wait3A_853 : memref<128x128xf32, #tpu.memory_space<hbm>>)
        tpu.yield
      }) : () -> ()
      %dma_wait3A_531 = arith.constant 2 : i32
      %dma_wait3A_532 = arith.constant 0 : i32
      %dma_wait3A_533 = arith.constant 0 : i32
      %dma_wait3A_534 = tpu.memref_slice %arg13[%dma_wait3A_531, %dma_wait3A_532, %dma_wait3A_533] : memref<4x128x128xf32, #tpu.memory_space<vmem>> -> memref<1x128x128xf32, #tpu.memory_space<vmem>>
      %dma_wait3A_535 = tpu.memref_squeeze %dma_wait3A_534 : memref<1x128x128xf32, #tpu.memory_space<vmem>> -> memref<128x128xf32, #tpu.memory_space<vmem>>
      %dma_wait3A_536 = arith.constant 0 : i32
      %dma_wait3A_537 = tpu.memref_slice %arg12[%dma_wait3A_536] : memref<6144xi32, #tpu.memory_space<vmem>> -> memref<128xi32, #tpu.memory_space<vmem>>
      %dma_wait3A_538 = arith.constant 0 : i32
      %dma_wait3A_539 = arith.constant 0 : i32
      %dma_wait3A_540 = tpu.memref_slice %arg8[%dma_wait3A_538, %dma_wait3A_539] : memref<1025x128xf32, #tpu.memory_space<vmem_shared>> -> memref<1025x128xf32, #tpu.memory_space<vmem_shared>>
      tpu.wait_indirect_dma semaphore(%arg14 : memref<!tpu.dma_semaphore, #tpu.memory_space<semaphore_mem>>) src(%dma_wait3A_540 : memref<1025x128xf32, #tpu.memory_space<vmem_shared>>) dst(%dma_wait3A_535 : memref<128x128xf32, #tpu.memory_space<vmem>>)
      %add3A_541 = arith.constant 1 : i32
      %add3A_542 = arith.addi %add3A_446, %add3A_541 : i32
      %lt3A_543 = arith.constant 8 : i32
      %lt3A_544 = arith.cmpi slt, %add3A_542, %lt3A_543 : i32
      %convert_element_type3A_545 = arith.extui %lt3A_544 : i1 to i32
      %cond3A_546 = arith.constant 0 : i32
      %cond3A_547 = arith.cmpi ne, %convert_element_type3A_545, %cond3A_546 : i32
      scf.if %cond3A_547 {
        %mul3A_829 = arith.constant 128 : i32
        %mul3A_830 = arith.muli %add3A_542, %mul3A_829 : i32
        %add3A_831 = arith.constant 1024 : i32
        %add3A_832 = arith.addi %add3A_831, %mul3A_830 : i32
        %dma_start3A_833 = arith.constant 1 : i32
        %dma_start3A_834 = arith.constant 0 : i32
        %dma_start3A_835 = arith.constant 0 : i32
        %dma_start3A_836 = tpu.memref_slice %arg13[%dma_start3A_833, %dma_start3A_834, %dma_start3A_835] : memref<4x128x128xf32, #tpu.memory_space<vmem>> -> memref<1x128x128xf32, #tpu.memory_space<vmem>>
        %dma_start3A_837 = tpu.memref_squeeze %dma_start3A_836 : memref<1x128x128xf32, #tpu.memory_space<vmem>> -> memref<128x128xf32, #tpu.memory_space<vmem>>
        %dma_start3A_838 = tpu.memref_slice %arg12[%add3A_832] : memref<6144xi32, #tpu.memory_space<vmem>> -> memref<128xi32, #tpu.memory_space<vmem>>
        %dma_start3A_839 = arith.constant 0 : i32
        %dma_start3A_840 = arith.constant 0 : i32
        %dma_start3A_841 = tpu.memref_slice %arg9[%dma_start3A_839, %dma_start3A_840] : memref<1025x128xf32, #tpu.memory_space<vmem_shared>> -> memref<1025x128xf32, #tpu.memory_space<vmem_shared>>
        tpu.enqueue_indirect_dma source(%dma_start3A_841 : memref<1025x128xf32, #tpu.memory_space<vmem_shared>>) target(%dma_start3A_837 : memref<128x128xf32, #tpu.memory_space<vmem>>) offsets(%dma_start3A_838 : memref<128xi32, #tpu.memory_space<vmem>>) semaphore(%arg14 : memref<!tpu.dma_semaphore, #tpu.memory_space<semaphore_mem>>)
      } else {
      }
      %mul3A_548 = arith.constant 128 : i32
      %mul3A_549 = arith.muli %add3A_446, %mul3A_548 : i32
      %add3A_550 = arith.addi %mul3A_32, %mul3A_549 : i32
      %run_scoped3A_551 = arith.constant 2 : i32
      "tpu.region"() ({
        %run_scoped3A_829 = tpu.sem_alloc : memref<!tpu.dma_semaphore, #tpu.memory_space<semaphore_mem>>
        %dma_start3A_830 = arith.constant 0 : i32
        %dma_start3A_831 = arith.constant 0 : i32
        %dma_start3A_832 = tpu.memref_slice %arg13[%run_scoped3A_551, %dma_start3A_830, %dma_start3A_831] : memref<4x128x128xf32, #tpu.memory_space<vmem>> -> memref<1x128x128xf32, #tpu.memory_space<vmem>>
        %dma_start3A_833 = tpu.memref_squeeze %dma_start3A_832 : memref<1x128x128xf32, #tpu.memory_space<vmem>> -> memref<128x128xf32, #tpu.memory_space<vmem>>
        %dma_start3A_834 = arith.constant 512 : i32
        %dma_start3A_835 = tpu.memref_slice %arg7[%select_n3A, %add3A_550, %dma_start3A_834] : memref<4x8192x768xf32, #tpu.memory_space<hbm>> -> memref<1x128x128xf32, #tpu.memory_space<hbm>>
        %dma_start3A_836 = tpu.memref_squeeze %dma_start3A_835 : memref<1x128x128xf32, #tpu.memory_space<hbm>> -> memref<128x128xf32, #tpu.memory_space<hbm>>
        %dma_start3A_837 = arith.constant 512 : i32
        %dma_start3A_838 = tpu.memref_slice %arg7[%select_n3A, %add3A_550, %dma_start3A_837] : memref<4x8192x768xf32, #tpu.memory_space<hbm>> -> memref<1x128x128xf32, #tpu.memory_space<hbm>>
        %dma_start3A_839 = tpu.memref_squeeze %dma_start3A_838 : memref<1x128x128xf32, #tpu.memory_space<hbm>> -> memref<128x128xf32, #tpu.memory_space<hbm>>
        %dma_start3A_840 = arith.constant 0 : i32
        %dma_start3A_841 = arith.constant 0 : i32
        %dma_start3A_842 = tpu.memref_slice %arg13[%run_scoped3A_551, %dma_start3A_840, %dma_start3A_841] : memref<4x128x128xf32, #tpu.memory_space<vmem>> -> memref<1x128x128xf32, #tpu.memory_space<vmem>>
        %dma_start3A_843 = tpu.memref_squeeze %dma_start3A_842 : memref<1x128x128xf32, #tpu.memory_space<vmem>> -> memref<128x128xf32, #tpu.memory_space<vmem>>
        tpu.enqueue_dma source(%dma_start3A_843 : memref<128x128xf32, #tpu.memory_space<vmem>>) target(%dma_start3A_839 : memref<128x128xf32, #tpu.memory_space<hbm>>) target_semaphore(%run_scoped3A_829 : memref<!tpu.dma_semaphore, #tpu.memory_space<semaphore_mem>>)
        %dma_wait3A_844 = arith.constant 0 : i32
        %dma_wait3A_845 = arith.constant 0 : i32
        %dma_wait3A_846 = tpu.memref_slice %arg13[%run_scoped3A_551, %dma_wait3A_844, %dma_wait3A_845] : memref<4x128x128xf32, #tpu.memory_space<vmem>> -> memref<1x128x128xf32, #tpu.memory_space<vmem>>
        %dma_wait3A_847 = tpu.memref_squeeze %dma_wait3A_846 : memref<1x128x128xf32, #tpu.memory_space<vmem>> -> memref<128x128xf32, #tpu.memory_space<vmem>>
        %dma_wait3A_848 = arith.constant 512 : i32
        %dma_wait3A_849 = tpu.memref_slice %arg7[%select_n3A, %add3A_550, %dma_wait3A_848] : memref<4x8192x768xf32, #tpu.memory_space<hbm>> -> memref<1x128x128xf32, #tpu.memory_space<hbm>>
        %dma_wait3A_850 = tpu.memref_squeeze %dma_wait3A_849 : memref<1x128x128xf32, #tpu.memory_space<hbm>> -> memref<128x128xf32, #tpu.memory_space<hbm>>
        %dma_wait3A_851 = arith.constant 512 : i32
        %dma_wait3A_852 = tpu.memref_slice %arg7[%select_n3A, %add3A_550, %dma_wait3A_851] : memref<4x8192x768xf32, #tpu.memory_space<hbm>> -> memref<1x128x128xf32, #tpu.memory_space<hbm>>
        %dma_wait3A_853 = tpu.memref_squeeze %dma_wait3A_852 : memref<1x128x128xf32, #tpu.memory_space<hbm>> -> memref<128x128xf32, #tpu.memory_space<hbm>>
        %dma_wait3A_854 = arith.constant 0 : i32
        %dma_wait3A_855 = arith.constant 0 : i32
        %dma_wait3A_856 = tpu.memref_slice %arg13[%run_scoped3A_551, %dma_wait3A_854, %dma_wait3A_855] : memref<4x128x128xf32, #tpu.memory_space<vmem>> -> memref<1x128x128xf32, #tpu.memory_space<vmem>>
        %dma_wait3A_857 = tpu.memref_squeeze %dma_wait3A_856 : memref<1x128x128xf32, #tpu.memory_space<vmem>> -> memref<128x128xf32, #tpu.memory_space<vmem>>
        tpu.wait_dma2 semaphore(%run_scoped3A_829 : memref<!tpu.dma_semaphore, #tpu.memory_space<semaphore_mem>>) src(%dma_wait3A_857 : memref<128x128xf32, #tpu.memory_space<vmem>>) dst(%dma_wait3A_853 : memref<128x128xf32, #tpu.memory_space<hbm>>)
        tpu.yield
      }) : () -> ()
      %dma_wait3A_552 = arith.constant 3 : i32
      %dma_wait3A_553 = arith.constant 0 : i32
      %dma_wait3A_554 = arith.constant 0 : i32
      %dma_wait3A_555 = tpu.memref_slice %arg13[%dma_wait3A_552, %dma_wait3A_553, %dma_wait3A_554] : memref<4x128x128xf32, #tpu.memory_space<vmem>> -> memref<1x128x128xf32, #tpu.memory_space<vmem>>
      %dma_wait3A_556 = tpu.memref_squeeze %dma_wait3A_555 : memref<1x128x128xf32, #tpu.memory_space<vmem>> -> memref<128x128xf32, #tpu.memory_space<vmem>>
      %dma_wait3A_557 = arith.constant 0 : i32
      %dma_wait3A_558 = tpu.memref_slice %arg12[%dma_wait3A_557] : memref<6144xi32, #tpu.memory_space<vmem>> -> memref<128xi32, #tpu.memory_space<vmem>>
      %dma_wait3A_559 = arith.constant 0 : i32
      %dma_wait3A_560 = arith.constant 0 : i32
      %dma_wait3A_561 = tpu.memref_slice %arg8[%dma_wait3A_559, %dma_wait3A_560] : memref<1025x128xf32, #tpu.memory_space<vmem_shared>> -> memref<1025x128xf32, #tpu.memory_space<vmem_shared>>
      tpu.wait_indirect_dma semaphore(%arg14 : memref<!tpu.dma_semaphore, #tpu.memory_space<semaphore_mem>>) src(%dma_wait3A_561 : memref<1025x128xf32, #tpu.memory_space<vmem_shared>>) dst(%dma_wait3A_556 : memref<128x128xf32, #tpu.memory_space<vmem>>)
      %add3A_562 = arith.constant 1 : i32
      %add3A_563 = arith.addi %add3A_446, %add3A_562 : i32
      %lt3A_564 = arith.constant 8 : i32
      %lt3A_565 = arith.cmpi slt, %add3A_563, %lt3A_564 : i32
      %convert_element_type3A_566 = arith.extui %lt3A_565 : i1 to i32
      %cond3A_567 = arith.constant 0 : i32
      %cond3A_568 = arith.cmpi ne, %convert_element_type3A_566, %cond3A_567 : i32
      scf.if %cond3A_568 {
        %mul3A_829 = arith.constant 128 : i32
        %mul3A_830 = arith.muli %add3A_563, %mul3A_829 : i32
        %add3A_831 = arith.constant 2048 : i32
        %add3A_832 = arith.addi %add3A_831, %mul3A_830 : i32
        %dma_start3A_833 = arith.constant 2 : i32
        %dma_start3A_834 = arith.constant 0 : i32
        %dma_start3A_835 = arith.constant 0 : i32
        %dma_start3A_836 = tpu.memref_slice %arg13[%dma_start3A_833, %dma_start3A_834, %dma_start3A_835] : memref<4x128x128xf32, #tpu.memory_space<vmem>> -> memref<1x128x128xf32, #tpu.memory_space<vmem>>
        %dma_start3A_837 = tpu.memref_squeeze %dma_start3A_836 : memref<1x128x128xf32, #tpu.memory_space<vmem>> -> memref<128x128xf32, #tpu.memory_space<vmem>>
        %dma_start3A_838 = tpu.memref_slice %arg12[%add3A_832] : memref<6144xi32, #tpu.memory_space<vmem>> -> memref<128xi32, #tpu.memory_space<vmem>>
        %dma_start3A_839 = arith.constant 0 : i32
        %dma_start3A_840 = arith.constant 0 : i32
        %dma_start3A_841 = tpu.memref_slice %arg8[%dma_start3A_839, %dma_start3A_840] : memref<1025x128xf32, #tpu.memory_space<vmem_shared>> -> memref<1025x128xf32, #tpu.memory_space<vmem_shared>>
        tpu.enqueue_indirect_dma source(%dma_start3A_841 : memref<1025x128xf32, #tpu.memory_space<vmem_shared>>) target(%dma_start3A_837 : memref<128x128xf32, #tpu.memory_space<vmem>>) offsets(%dma_start3A_838 : memref<128xi32, #tpu.memory_space<vmem>>) semaphore(%arg14 : memref<!tpu.dma_semaphore, #tpu.memory_space<semaphore_mem>>)
      } else {
      }
      %mul3A_569 = arith.constant 128 : i32
      %mul3A_570 = arith.muli %add3A_446, %mul3A_569 : i32
      %add3A_571 = arith.addi %mul3A_32, %mul3A_570 : i32
      %run_scoped3A_572 = arith.constant 3 : i32
      "tpu.region"() ({
        %run_scoped3A_829 = tpu.sem_alloc : memref<!tpu.dma_semaphore, #tpu.memory_space<semaphore_mem>>
        %dma_start3A_830 = arith.constant 0 : i32
        %dma_start3A_831 = arith.constant 0 : i32
        %dma_start3A_832 = tpu.memref_slice %arg13[%run_scoped3A_572, %dma_start3A_830, %dma_start3A_831] : memref<4x128x128xf32, #tpu.memory_space<vmem>> -> memref<1x128x128xf32, #tpu.memory_space<vmem>>
        %dma_start3A_833 = tpu.memref_squeeze %dma_start3A_832 : memref<1x128x128xf32, #tpu.memory_space<vmem>> -> memref<128x128xf32, #tpu.memory_space<vmem>>
        %dma_start3A_834 = arith.constant 640 : i32
        %dma_start3A_835 = tpu.memref_slice %arg7[%select_n3A, %add3A_571, %dma_start3A_834] : memref<4x8192x768xf32, #tpu.memory_space<hbm>> -> memref<1x128x128xf32, #tpu.memory_space<hbm>>
        %dma_start3A_836 = tpu.memref_squeeze %dma_start3A_835 : memref<1x128x128xf32, #tpu.memory_space<hbm>> -> memref<128x128xf32, #tpu.memory_space<hbm>>
        %dma_start3A_837 = arith.constant 640 : i32
        %dma_start3A_838 = tpu.memref_slice %arg7[%select_n3A, %add3A_571, %dma_start3A_837] : memref<4x8192x768xf32, #tpu.memory_space<hbm>> -> memref<1x128x128xf32, #tpu.memory_space<hbm>>
        %dma_start3A_839 = tpu.memref_squeeze %dma_start3A_838 : memref<1x128x128xf32, #tpu.memory_space<hbm>> -> memref<128x128xf32, #tpu.memory_space<hbm>>
        %dma_start3A_840 = arith.constant 0 : i32
        %dma_start3A_841 = arith.constant 0 : i32
        %dma_start3A_842 = tpu.memref_slice %arg13[%run_scoped3A_572, %dma_start3A_840, %dma_start3A_841] : memref<4x128x128xf32, #tpu.memory_space<vmem>> -> memref<1x128x128xf32, #tpu.memory_space<vmem>>
        %dma_start3A_843 = tpu.memref_squeeze %dma_start3A_842 : memref<1x128x128xf32, #tpu.memory_space<vmem>> -> memref<128x128xf32, #tpu.memory_space<vmem>>
        tpu.enqueue_dma source(%dma_start3A_843 : memref<128x128xf32, #tpu.memory_space<vmem>>) target(%dma_start3A_839 : memref<128x128xf32, #tpu.memory_space<hbm>>) target_semaphore(%run_scoped3A_829 : memref<!tpu.dma_semaphore, #tpu.memory_space<semaphore_mem>>)
        %dma_wait3A_844 = arith.constant 0 : i32
        %dma_wait3A_845 = arith.constant 0 : i32
        %dma_wait3A_846 = tpu.memref_slice %arg13[%run_scoped3A_572, %dma_wait3A_844, %dma_wait3A_845] : memref<4x128x128xf32, #tpu.memory_space<vmem>> -> memref<1x128x128xf32, #tpu.memory_space<vmem>>
        %dma_wait3A_847 = tpu.memref_squeeze %dma_wait3A_846 : memref<1x128x128xf32, #tpu.memory_space<vmem>> -> memref<128x128xf32, #tpu.memory_space<vmem>>
        %dma_wait3A_848 = arith.constant 640 : i32
        %dma_wait3A_849 = tpu.memref_slice %arg7[%select_n3A, %add3A_571, %dma_wait3A_848] : memref<4x8192x768xf32, #tpu.memory_space<hbm>> -> memref<1x128x128xf32, #tpu.memory_space<hbm>>
        %dma_wait3A_850 = tpu.memref_squeeze %dma_wait3A_849 : memref<1x128x128xf32, #tpu.memory_space<hbm>> -> memref<128x128xf32, #tpu.memory_space<hbm>>
        %dma_wait3A_851 = arith.constant 640 : i32
        %dma_wait3A_852 = tpu.memref_slice %arg7[%select_n3A, %add3A_571, %dma_wait3A_851] : memref<4x8192x768xf32, #tpu.memory_space<hbm>> -> memref<1x128x128xf32, #tpu.memory_space<hbm>>
        %dma_wait3A_853 = tpu.memref_squeeze %dma_wait3A_852 : memref<1x128x128xf32, #tpu.memory_space<hbm>> -> memref<128x128xf32, #tpu.memory_space<hbm>>
        %dma_wait3A_854 = arith.constant 0 : i32
        %dma_wait3A_855 = arith.constant 0 : i32
        %dma_wait3A_856 = tpu.memref_slice %arg13[%run_scoped3A_572, %dma_wait3A_854, %dma_wait3A_855] : memref<4x128x128xf32, #tpu.memory_space<vmem>> -> memref<1x128x128xf32, #tpu.memory_space<vmem>>
        %dma_wait3A_857 = tpu.memref_squeeze %dma_wait3A_856 : memref<1x128x128xf32, #tpu.memory_space<vmem>> -> memref<128x128xf32, #tpu.memory_space<vmem>>
        tpu.wait_dma2 semaphore(%run_scoped3A_829 : memref<!tpu.dma_semaphore, #tpu.memory_space<semaphore_mem>>) src(%dma_wait3A_857 : memref<128x128xf32, #tpu.memory_space<vmem>>) dst(%dma_wait3A_853 : memref<128x128xf32, #tpu.memory_space<hbm>>)
        tpu.yield
      }) : () -> ()
      %add3A_573 = arith.constant 2 : i32
      %add3A_574 = arith.addi %mul3A_317, %add3A_573 : i32
      %dma_wait3A_575 = arith.constant 0 : i32
      %dma_wait3A_576 = arith.constant 0 : i32
      %dma_wait3A_577 = arith.constant 0 : i32
      %dma_wait3A_578 = tpu.memref_slice %arg13[%dma_wait3A_575, %dma_wait3A_576, %dma_wait3A_577] : memref<4x128x128xf32, #tpu.memory_space<vmem>> -> memref<1x128x128xf32, #tpu.memory_space<vmem>>
      %dma_wait3A_579 = tpu.memref_squeeze %dma_wait3A_578 : memref<1x128x128xf32, #tpu.memory_space<vmem>> -> memref<128x128xf32, #tpu.memory_space<vmem>>
      %dma_wait3A_580 = arith.constant 0 : i32
      %dma_wait3A_581 = tpu.memref_slice %arg12[%dma_wait3A_580] : memref<6144xi32, #tpu.memory_space<vmem>> -> memref<128xi32, #tpu.memory_space<vmem>>
      %dma_wait3A_582 = arith.constant 0 : i32
      %dma_wait3A_583 = arith.constant 0 : i32
      %dma_wait3A_584 = tpu.memref_slice %arg8[%dma_wait3A_582, %dma_wait3A_583] : memref<1025x128xf32, #tpu.memory_space<vmem_shared>> -> memref<1025x128xf32, #tpu.memory_space<vmem_shared>>
      tpu.wait_indirect_dma semaphore(%arg14 : memref<!tpu.dma_semaphore, #tpu.memory_space<semaphore_mem>>) src(%dma_wait3A_584 : memref<1025x128xf32, #tpu.memory_space<vmem_shared>>) dst(%dma_wait3A_579 : memref<128x128xf32, #tpu.memory_space<vmem>>)
      %add3A_585 = arith.constant 0 : i32
      %add3A_586 = arith.addi %add3A_574, %add3A_585 : i32
      %lt3A_587 = arith.constant 8 : i32
      %lt3A_588 = arith.cmpi slt, %add3A_586, %lt3A_587 : i32
      %convert_element_type3A_589 = arith.extui %lt3A_588 : i1 to i32
      %cond3A_590 = arith.constant 0 : i32
      %cond3A_591 = arith.cmpi ne, %convert_element_type3A_589, %cond3A_590 : i32
      scf.if %cond3A_591 {
        %mul3A_829 = arith.constant 128 : i32
        %mul3A_830 = arith.muli %add3A_586, %mul3A_829 : i32
        %add3A_831 = arith.constant 3072 : i32
        %add3A_832 = arith.addi %add3A_831, %mul3A_830 : i32
        %dma_start3A_833 = arith.constant 3 : i32
        %dma_start3A_834 = arith.constant 0 : i32
        %dma_start3A_835 = arith.constant 0 : i32
        %dma_start3A_836 = tpu.memref_slice %arg13[%dma_start3A_833, %dma_start3A_834, %dma_start3A_835] : memref<4x128x128xf32, #tpu.memory_space<vmem>> -> memref<1x128x128xf32, #tpu.memory_space<vmem>>
        %dma_start3A_837 = tpu.memref_squeeze %dma_start3A_836 : memref<1x128x128xf32, #tpu.memory_space<vmem>> -> memref<128x128xf32, #tpu.memory_space<vmem>>
        %dma_start3A_838 = tpu.memref_slice %arg12[%add3A_832] : memref<6144xi32, #tpu.memory_space<vmem>> -> memref<128xi32, #tpu.memory_space<vmem>>
        %dma_start3A_839 = arith.constant 0 : i32
        %dma_start3A_840 = arith.constant 0 : i32
        %dma_start3A_841 = tpu.memref_slice %arg9[%dma_start3A_839, %dma_start3A_840] : memref<1025x128xf32, #tpu.memory_space<vmem_shared>> -> memref<1025x128xf32, #tpu.memory_space<vmem_shared>>
        tpu.enqueue_indirect_dma source(%dma_start3A_841 : memref<1025x128xf32, #tpu.memory_space<vmem_shared>>) target(%dma_start3A_837 : memref<128x128xf32, #tpu.memory_space<vmem>>) offsets(%dma_start3A_838 : memref<128xi32, #tpu.memory_space<vmem>>) semaphore(%arg14 : memref<!tpu.dma_semaphore, #tpu.memory_space<semaphore_mem>>)
      } else {
      }
      %mul3A_592 = arith.constant 128 : i32
      %mul3A_593 = arith.muli %add3A_574, %mul3A_592 : i32
      %add3A_594 = arith.addi %mul3A_32, %mul3A_593 : i32
      %run_scoped3A_595 = arith.constant 0 : i32
      "tpu.region"() ({
        %run_scoped3A_829 = tpu.sem_alloc : memref<!tpu.dma_semaphore, #tpu.memory_space<semaphore_mem>>
        %dma_start3A_830 = arith.constant 0 : i32
        %dma_start3A_831 = arith.constant 0 : i32
        %dma_start3A_832 = tpu.memref_slice %arg13[%run_scoped3A_595, %dma_start3A_830, %dma_start3A_831] : memref<4x128x128xf32, #tpu.memory_space<vmem>> -> memref<1x128x128xf32, #tpu.memory_space<vmem>>
        %dma_start3A_833 = tpu.memref_squeeze %dma_start3A_832 : memref<1x128x128xf32, #tpu.memory_space<vmem>> -> memref<128x128xf32, #tpu.memory_space<vmem>>
        %dma_start3A_834 = arith.constant 0 : i32
        %dma_start3A_835 = tpu.memref_slice %arg7[%select_n3A, %add3A_594, %dma_start3A_834] : memref<4x8192x768xf32, #tpu.memory_space<hbm>> -> memref<1x128x128xf32, #tpu.memory_space<hbm>>
        %dma_start3A_836 = tpu.memref_squeeze %dma_start3A_835 : memref<1x128x128xf32, #tpu.memory_space<hbm>> -> memref<128x128xf32, #tpu.memory_space<hbm>>
        %dma_start3A_837 = arith.constant 0 : i32
        %dma_start3A_838 = tpu.memref_slice %arg7[%select_n3A, %add3A_594, %dma_start3A_837] : memref<4x8192x768xf32, #tpu.memory_space<hbm>> -> memref<1x128x128xf32, #tpu.memory_space<hbm>>
        %dma_start3A_839 = tpu.memref_squeeze %dma_start3A_838 : memref<1x128x128xf32, #tpu.memory_space<hbm>> -> memref<128x128xf32, #tpu.memory_space<hbm>>
        %dma_start3A_840 = arith.constant 0 : i32
        %dma_start3A_841 = arith.constant 0 : i32
        %dma_start3A_842 = tpu.memref_slice %arg13[%run_scoped3A_595, %dma_start3A_840, %dma_start3A_841] : memref<4x128x128xf32, #tpu.memory_space<vmem>> -> memref<1x128x128xf32, #tpu.memory_space<vmem>>
        %dma_start3A_843 = tpu.memref_squeeze %dma_start3A_842 : memref<1x128x128xf32, #tpu.memory_space<vmem>> -> memref<128x128xf32, #tpu.memory_space<vmem>>
        tpu.enqueue_dma source(%dma_start3A_843 : memref<128x128xf32, #tpu.memory_space<vmem>>) target(%dma_start3A_839 : memref<128x128xf32, #tpu.memory_space<hbm>>) target_semaphore(%run_scoped3A_829 : memref<!tpu.dma_semaphore, #tpu.memory_space<semaphore_mem>>)
        %dma_wait3A_844 = arith.constant 0 : i32
        %dma_wait3A_845 = arith.constant 0 : i32
        %dma_wait3A_846 = tpu.memref_slice %arg13[%run_scoped3A_595, %dma_wait3A_844, %dma_wait3A_845] : memref<4x128x128xf32, #tpu.memory_space<vmem>> -> memref<1x128x128xf32, #tpu.memory_space<vmem>>
        %dma_wait3A_847 = tpu.memref_squeeze %dma_wait3A_846 : memref<1x128x128xf32, #tpu.memory_space<vmem>> -> memref<128x128xf32, #tpu.memory_space<vmem>>
        %dma_wait3A_848 = arith.constant 0 : i32
        %dma_wait3A_849 = tpu.memref_slice %arg7[%select_n3A, %add3A_594, %dma_wait3A_848] : memref<4x8192x768xf32, #tpu.memory_space<hbm>> -> memref<1x128x128xf32, #tpu.memory_space<hbm>>
        %dma_wait3A_850 = tpu.memref_squeeze %dma_wait3A_849 : memref<1x128x128xf32, #tpu.memory_space<hbm>> -> memref<128x128xf32, #tpu.memory_space<hbm>>
        %dma_wait3A_851 = arith.constant 0 : i32
        %dma_wait3A_852 = tpu.memref_slice %arg7[%select_n3A, %add3A_594, %dma_wait3A_851] : memref<4x8192x768xf32, #tpu.memory_space<hbm>> -> memref<1x128x128xf32, #tpu.memory_space<hbm>>
        %dma_wait3A_853 = tpu.memref_squeeze %dma_wait3A_852 : memref<1x128x128xf32, #tpu.memory_space<hbm>> -> memref<128x128xf32, #tpu.memory_space<hbm>>
        %dma_wait3A_854 = arith.constant 0 : i32
        %dma_wait3A_855 = arith.constant 0 : i32
        %dma_wait3A_856 = tpu.memref_slice %arg13[%run_scoped3A_595, %dma_wait3A_854, %dma_wait3A_855] : memref<4x128x128xf32, #tpu.memory_space<vmem>> -> memref<1x128x128xf32, #tpu.memory_space<vmem>>
        %dma_wait3A_857 = tpu.memref_squeeze %dma_wait3A_856 : memref<1x128x128xf32, #tpu.memory_space<vmem>> -> memref<128x128xf32, #tpu.memory_space<vmem>>
        tpu.wait_dma2 semaphore(%run_scoped3A_829 : memref<!tpu.dma_semaphore, #tpu.memory_space<semaphore_mem>>) src(%dma_wait3A_857 : memref<128x128xf32, #tpu.memory_space<vmem>>) dst(%dma_wait3A_853 : memref<128x128xf32, #tpu.memory_space<hbm>>)
        tpu.yield
      }) : () -> ()
      %dma_wait3A_596 = arith.constant 1 : i32
      %dma_wait3A_597 = arith.constant 0 : i32
      %dma_wait3A_598 = arith.constant 0 : i32
      %dma_wait3A_599 = tpu.memref_slice %arg13[%dma_wait3A_596, %dma_wait3A_597, %dma_wait3A_598] : memref<4x128x128xf32, #tpu.memory_space<vmem>> -> memref<1x128x128xf32, #tpu.memory_space<vmem>>
      %dma_wait3A_600 = tpu.memref_squeeze %dma_wait3A_599 : memref<1x128x128xf32, #tpu.memory_space<vmem>> -> memref<128x128xf32, #tpu.memory_space<vmem>>
      %dma_wait3A_601 = arith.constant 0 : i32
      %dma_wait3A_602 = tpu.memref_slice %arg12[%dma_wait3A_601] : memref<6144xi32, #tpu.memory_space<vmem>> -> memref<128xi32, #tpu.memory_space<vmem>>
      %dma_wait3A_603 = arith.constant 0 : i32
      %dma_wait3A_604 = arith.constant 0 : i32
      %dma_wait3A_605 = tpu.memref_slice %arg8[%dma_wait3A_603, %dma_wait3A_604] : memref<1025x128xf32, #tpu.memory_space<vmem_shared>> -> memref<1025x128xf32, #tpu.memory_space<vmem_shared>>
      tpu.wait_indirect_dma semaphore(%arg14 : memref<!tpu.dma_semaphore, #tpu.memory_space<semaphore_mem>>) src(%dma_wait3A_605 : memref<1025x128xf32, #tpu.memory_space<vmem_shared>>) dst(%dma_wait3A_600 : memref<128x128xf32, #tpu.memory_space<vmem>>)
      %add3A_606 = arith.constant 0 : i32
      %add3A_607 = arith.addi %add3A_574, %add3A_606 : i32
      %lt3A_608 = arith.constant 8 : i32
      %lt3A_609 = arith.cmpi slt, %add3A_607, %lt3A_608 : i32
      %convert_element_type3A_610 = arith.extui %lt3A_609 : i1 to i32
      %cond3A_611 = arith.constant 0 : i32
      %cond3A_612 = arith.cmpi ne, %convert_element_type3A_610, %cond3A_611 : i32
      scf.if %cond3A_612 {
        %mul3A_829 = arith.constant 128 : i32
        %mul3A_830 = arith.muli %add3A_607, %mul3A_829 : i32
        %add3A_831 = arith.constant 4096 : i32
        %add3A_832 = arith.addi %add3A_831, %mul3A_830 : i32
        %dma_start3A_833 = arith.constant 0 : i32
        %dma_start3A_834 = arith.constant 0 : i32
        %dma_start3A_835 = arith.constant 0 : i32
        %dma_start3A_836 = tpu.memref_slice %arg13[%dma_start3A_833, %dma_start3A_834, %dma_start3A_835] : memref<4x128x128xf32, #tpu.memory_space<vmem>> -> memref<1x128x128xf32, #tpu.memory_space<vmem>>
        %dma_start3A_837 = tpu.memref_squeeze %dma_start3A_836 : memref<1x128x128xf32, #tpu.memory_space<vmem>> -> memref<128x128xf32, #tpu.memory_space<vmem>>
        %dma_start3A_838 = tpu.memref_slice %arg12[%add3A_832] : memref<6144xi32, #tpu.memory_space<vmem>> -> memref<128xi32, #tpu.memory_space<vmem>>
        %dma_start3A_839 = arith.constant 0 : i32
        %dma_start3A_840 = arith.constant 0 : i32
        %dma_start3A_841 = tpu.memref_slice %arg10[%dma_start3A_839, %dma_start3A_840] : memref<1025x128xf32, #tpu.memory_space<vmem_shared>> -> memref<1025x128xf32, #tpu.memory_space<vmem_shared>>
        tpu.enqueue_indirect_dma source(%dma_start3A_841 : memref<1025x128xf32, #tpu.memory_space<vmem_shared>>) target(%dma_start3A_837 : memref<128x128xf32, #tpu.memory_space<vmem>>) offsets(%dma_start3A_838 : memref<128xi32, #tpu.memory_space<vmem>>) semaphore(%arg14 : memref<!tpu.dma_semaphore, #tpu.memory_space<semaphore_mem>>)
      } else {
      }
      %mul3A_613 = arith.constant 128 : i32
      %mul3A_614 = arith.muli %add3A_574, %mul3A_613 : i32
      %add3A_615 = arith.addi %mul3A_32, %mul3A_614 : i32
      %run_scoped3A_616 = arith.constant 1 : i32
      "tpu.region"() ({
        %run_scoped3A_829 = tpu.sem_alloc : memref<!tpu.dma_semaphore, #tpu.memory_space<semaphore_mem>>
        %dma_start3A_830 = arith.constant 0 : i32
        %dma_start3A_831 = arith.constant 0 : i32
        %dma_start3A_832 = tpu.memref_slice %arg13[%run_scoped3A_616, %dma_start3A_830, %dma_start3A_831] : memref<4x128x128xf32, #tpu.memory_space<vmem>> -> memref<1x128x128xf32, #tpu.memory_space<vmem>>
        %dma_start3A_833 = tpu.memref_squeeze %dma_start3A_832 : memref<1x128x128xf32, #tpu.memory_space<vmem>> -> memref<128x128xf32, #tpu.memory_space<vmem>>
        %dma_start3A_834 = arith.constant 128 : i32
        %dma_start3A_835 = tpu.memref_slice %arg7[%select_n3A, %add3A_615, %dma_start3A_834] : memref<4x8192x768xf32, #tpu.memory_space<hbm>> -> memref<1x128x128xf32, #tpu.memory_space<hbm>>
        %dma_start3A_836 = tpu.memref_squeeze %dma_start3A_835 : memref<1x128x128xf32, #tpu.memory_space<hbm>> -> memref<128x128xf32, #tpu.memory_space<hbm>>
        %dma_start3A_837 = arith.constant 128 : i32
        %dma_start3A_838 = tpu.memref_slice %arg7[%select_n3A, %add3A_615, %dma_start3A_837] : memref<4x8192x768xf32, #tpu.memory_space<hbm>> -> memref<1x128x128xf32, #tpu.memory_space<hbm>>
        %dma_start3A_839 = tpu.memref_squeeze %dma_start3A_838 : memref<1x128x128xf32, #tpu.memory_space<hbm>> -> memref<128x128xf32, #tpu.memory_space<hbm>>
        %dma_start3A_840 = arith.constant 0 : i32
        %dma_start3A_841 = arith.constant 0 : i32
        %dma_start3A_842 = tpu.memref_slice %arg13[%run_scoped3A_616, %dma_start3A_840, %dma_start3A_841] : memref<4x128x128xf32, #tpu.memory_space<vmem>> -> memref<1x128x128xf32, #tpu.memory_space<vmem>>
        %dma_start3A_843 = tpu.memref_squeeze %dma_start3A_842 : memref<1x128x128xf32, #tpu.memory_space<vmem>> -> memref<128x128xf32, #tpu.memory_space<vmem>>
        tpu.enqueue_dma source(%dma_start3A_843 : memref<128x128xf32, #tpu.memory_space<vmem>>) target(%dma_start3A_839 : memref<128x128xf32, #tpu.memory_space<hbm>>) target_semaphore(%run_scoped3A_829 : memref<!tpu.dma_semaphore, #tpu.memory_space<semaphore_mem>>)
        %dma_wait3A_844 = arith.constant 0 : i32
        %dma_wait3A_845 = arith.constant 0 : i32
        %dma_wait3A_846 = tpu.memref_slice %arg13[%run_scoped3A_616, %dma_wait3A_844, %dma_wait3A_845] : memref<4x128x128xf32, #tpu.memory_space<vmem>> -> memref<1x128x128xf32, #tpu.memory_space<vmem>>
        %dma_wait3A_847 = tpu.memref_squeeze %dma_wait3A_846 : memref<1x128x128xf32, #tpu.memory_space<vmem>> -> memref<128x128xf32, #tpu.memory_space<vmem>>
        %dma_wait3A_848 = arith.constant 128 : i32
        %dma_wait3A_849 = tpu.memref_slice %arg7[%select_n3A, %add3A_615, %dma_wait3A_848] : memref<4x8192x768xf32, #tpu.memory_space<hbm>> -> memref<1x128x128xf32, #tpu.memory_space<hbm>>
        %dma_wait3A_850 = tpu.memref_squeeze %dma_wait3A_849 : memref<1x128x128xf32, #tpu.memory_space<hbm>> -> memref<128x128xf32, #tpu.memory_space<hbm>>
        %dma_wait3A_851 = arith.constant 128 : i32
        %dma_wait3A_852 = tpu.memref_slice %arg7[%select_n3A, %add3A_615, %dma_wait3A_851] : memref<4x8192x768xf32, #tpu.memory_space<hbm>> -> memref<1x128x128xf32, #tpu.memory_space<hbm>>
        %dma_wait3A_853 = tpu.memref_squeeze %dma_wait3A_852 : memref<1x128x128xf32, #tpu.memory_space<hbm>> -> memref<128x128xf32, #tpu.memory_space<hbm>>
        %dma_wait3A_854 = arith.constant 0 : i32
        %dma_wait3A_855 = arith.constant 0 : i32
        %dma_wait3A_856 = tpu.memref_slice %arg13[%run_scoped3A_616, %dma_wait3A_854, %dma_wait3A_855] : memref<4x128x128xf32, #tpu.memory_space<vmem>> -> memref<1x128x128xf32, #tpu.memory_space<vmem>>
        %dma_wait3A_857 = tpu.memref_squeeze %dma_wait3A_856 : memref<1x128x128xf32, #tpu.memory_space<vmem>> -> memref<128x128xf32, #tpu.memory_space<vmem>>
        tpu.wait_dma2 semaphore(%run_scoped3A_829 : memref<!tpu.dma_semaphore, #tpu.memory_space<semaphore_mem>>) src(%dma_wait3A_857 : memref<128x128xf32, #tpu.memory_space<vmem>>) dst(%dma_wait3A_853 : memref<128x128xf32, #tpu.memory_space<hbm>>)
        tpu.yield
      }) : () -> ()
      %dma_wait3A_617 = arith.constant 2 : i32
      %dma_wait3A_618 = arith.constant 0 : i32
      %dma_wait3A_619 = arith.constant 0 : i32
      %dma_wait3A_620 = tpu.memref_slice %arg13[%dma_wait3A_617, %dma_wait3A_618, %dma_wait3A_619] : memref<4x128x128xf32, #tpu.memory_space<vmem>> -> memref<1x128x128xf32, #tpu.memory_space<vmem>>
      %dma_wait3A_621 = tpu.memref_squeeze %dma_wait3A_620 : memref<1x128x128xf32, #tpu.memory_space<vmem>> -> memref<128x128xf32, #tpu.memory_space<vmem>>
      %dma_wait3A_622 = arith.constant 0 : i32
      %dma_wait3A_623 = tpu.memref_slice %arg12[%dma_wait3A_622] : memref<6144xi32, #tpu.memory_space<vmem>> -> memref<128xi32, #tpu.memory_space<vmem>>
      %dma_wait3A_624 = arith.constant 0 : i32
      %dma_wait3A_625 = arith.constant 0 : i32
      %dma_wait3A_626 = tpu.memref_slice %arg8[%dma_wait3A_624, %dma_wait3A_625] : memref<1025x128xf32, #tpu.memory_space<vmem_shared>> -> memref<1025x128xf32, #tpu.memory_space<vmem_shared>>
      tpu.wait_indirect_dma semaphore(%arg14 : memref<!tpu.dma_semaphore, #tpu.memory_space<semaphore_mem>>) src(%dma_wait3A_626 : memref<1025x128xf32, #tpu.memory_space<vmem_shared>>) dst(%dma_wait3A_621 : memref<128x128xf32, #tpu.memory_space<vmem>>)
      %add3A_627 = arith.constant 0 : i32
      %add3A_628 = arith.addi %add3A_574, %add3A_627 : i32
      %lt3A_629 = arith.constant 8 : i32
      %lt3A_630 = arith.cmpi slt, %add3A_628, %lt3A_629 : i32
      %convert_element_type3A_631 = arith.extui %lt3A_630 : i1 to i32
      %cond3A_632 = arith.constant 0 : i32
      %cond3A_633 = arith.cmpi ne, %convert_element_type3A_631, %cond3A_632 : i32
      scf.if %cond3A_633 {
        %mul3A_829 = arith.constant 128 : i32
        %mul3A_830 = arith.muli %add3A_628, %mul3A_829 : i32
        %add3A_831 = arith.constant 5120 : i32
        %add3A_832 = arith.addi %add3A_831, %mul3A_830 : i32
        %dma_start3A_833 = arith.constant 1 : i32
        %dma_start3A_834 = arith.constant 0 : i32
        %dma_start3A_835 = arith.constant 0 : i32
        %dma_start3A_836 = tpu.memref_slice %arg13[%dma_start3A_833, %dma_start3A_834, %dma_start3A_835] : memref<4x128x128xf32, #tpu.memory_space<vmem>> -> memref<1x128x128xf32, #tpu.memory_space<vmem>>
        %dma_start3A_837 = tpu.memref_squeeze %dma_start3A_836 : memref<1x128x128xf32, #tpu.memory_space<vmem>> -> memref<128x128xf32, #tpu.memory_space<vmem>>
        %dma_start3A_838 = tpu.memref_slice %arg12[%add3A_832] : memref<6144xi32, #tpu.memory_space<vmem>> -> memref<128xi32, #tpu.memory_space<vmem>>
        %dma_start3A_839 = arith.constant 0 : i32
        %dma_start3A_840 = arith.constant 0 : i32
        %dma_start3A_841 = tpu.memref_slice %arg11[%dma_start3A_839, %dma_start3A_840] : memref<1025x128xf32, #tpu.memory_space<vmem_shared>> -> memref<1025x128xf32, #tpu.memory_space<vmem_shared>>
        tpu.enqueue_indirect_dma source(%dma_start3A_841 : memref<1025x128xf32, #tpu.memory_space<vmem_shared>>) target(%dma_start3A_837 : memref<128x128xf32, #tpu.memory_space<vmem>>) offsets(%dma_start3A_838 : memref<128xi32, #tpu.memory_space<vmem>>) semaphore(%arg14 : memref<!tpu.dma_semaphore, #tpu.memory_space<semaphore_mem>>)
      } else {
      }
      %mul3A_634 = arith.constant 128 : i32
      %mul3A_635 = arith.muli %add3A_574, %mul3A_634 : i32
      %add3A_636 = arith.addi %mul3A_32, %mul3A_635 : i32
      %run_scoped3A_637 = arith.constant 2 : i32
      "tpu.region"() ({
        %run_scoped3A_829 = tpu.sem_alloc : memref<!tpu.dma_semaphore, #tpu.memory_space<semaphore_mem>>
        %dma_start3A_830 = arith.constant 0 : i32
        %dma_start3A_831 = arith.constant 0 : i32
        %dma_start3A_832 = tpu.memref_slice %arg13[%run_scoped3A_637, %dma_start3A_830, %dma_start3A_831] : memref<4x128x128xf32, #tpu.memory_space<vmem>> -> memref<1x128x128xf32, #tpu.memory_space<vmem>>
        %dma_start3A_833 = tpu.memref_squeeze %dma_start3A_832 : memref<1x128x128xf32, #tpu.memory_space<vmem>> -> memref<128x128xf32, #tpu.memory_space<vmem>>
        %dma_start3A_834 = arith.constant 256 : i32
        %dma_start3A_835 = tpu.memref_slice %arg7[%select_n3A, %add3A_636, %dma_start3A_834] : memref<4x8192x768xf32, #tpu.memory_space<hbm>> -> memref<1x128x128xf32, #tpu.memory_space<hbm>>
        %dma_start3A_836 = tpu.memref_squeeze %dma_start3A_835 : memref<1x128x128xf32, #tpu.memory_space<hbm>> -> memref<128x128xf32, #tpu.memory_space<hbm>>
        %dma_start3A_837 = arith.constant 256 : i32
        %dma_start3A_838 = tpu.memref_slice %arg7[%select_n3A, %add3A_636, %dma_start3A_837] : memref<4x8192x768xf32, #tpu.memory_space<hbm>> -> memref<1x128x128xf32, #tpu.memory_space<hbm>>
        %dma_start3A_839 = tpu.memref_squeeze %dma_start3A_838 : memref<1x128x128xf32, #tpu.memory_space<hbm>> -> memref<128x128xf32, #tpu.memory_space<hbm>>
        %dma_start3A_840 = arith.constant 0 : i32
        %dma_start3A_841 = arith.constant 0 : i32
        %dma_start3A_842 = tpu.memref_slice %arg13[%run_scoped3A_637, %dma_start3A_840, %dma_start3A_841] : memref<4x128x128xf32, #tpu.memory_space<vmem>> -> memref<1x128x128xf32, #tpu.memory_space<vmem>>
        %dma_start3A_843 = tpu.memref_squeeze %dma_start3A_842 : memref<1x128x128xf32, #tpu.memory_space<vmem>> -> memref<128x128xf32, #tpu.memory_space<vmem>>
        tpu.enqueue_dma source(%dma_start3A_843 : memref<128x128xf32, #tpu.memory_space<vmem>>) target(%dma_start3A_839 : memref<128x128xf32, #tpu.memory_space<hbm>>) target_semaphore(%run_scoped3A_829 : memref<!tpu.dma_semaphore, #tpu.memory_space<semaphore_mem>>)
        %dma_wait3A_844 = arith.constant 0 : i32
        %dma_wait3A_845 = arith.constant 0 : i32
        %dma_wait3A_846 = tpu.memref_slice %arg13[%run_scoped3A_637, %dma_wait3A_844, %dma_wait3A_845] : memref<4x128x128xf32, #tpu.memory_space<vmem>> -> memref<1x128x128xf32, #tpu.memory_space<vmem>>
        %dma_wait3A_847 = tpu.memref_squeeze %dma_wait3A_846 : memref<1x128x128xf32, #tpu.memory_space<vmem>> -> memref<128x128xf32, #tpu.memory_space<vmem>>
        %dma_wait3A_848 = arith.constant 256 : i32
        %dma_wait3A_849 = tpu.memref_slice %arg7[%select_n3A, %add3A_636, %dma_wait3A_848] : memref<4x8192x768xf32, #tpu.memory_space<hbm>> -> memref<1x128x128xf32, #tpu.memory_space<hbm>>
        %dma_wait3A_850 = tpu.memref_squeeze %dma_wait3A_849 : memref<1x128x128xf32, #tpu.memory_space<hbm>> -> memref<128x128xf32, #tpu.memory_space<hbm>>
        %dma_wait3A_851 = arith.constant 256 : i32
        %dma_wait3A_852 = tpu.memref_slice %arg7[%select_n3A, %add3A_636, %dma_wait3A_851] : memref<4x8192x768xf32, #tpu.memory_space<hbm>> -> memref<1x128x128xf32, #tpu.memory_space<hbm>>
        %dma_wait3A_853 = tpu.memref_squeeze %dma_wait3A_852 : memref<1x128x128xf32, #tpu.memory_space<hbm>> -> memref<128x128xf32, #tpu.memory_space<hbm>>
        %dma_wait3A_854 = arith.constant 0 : i32
        %dma_wait3A_855 = arith.constant 0 : i32
        %dma_wait3A_856 = tpu.memref_slice %arg13[%run_scoped3A_637, %dma_wait3A_854, %dma_wait3A_855] : memref<4x128x128xf32, #tpu.memory_space<vmem>> -> memref<1x128x128xf32, #tpu.memory_space<vmem>>
        %dma_wait3A_857 = tpu.memref_squeeze %dma_wait3A_856 : memref<1x128x128xf32, #tpu.memory_space<vmem>> -> memref<128x128xf32, #tpu.memory_space<vmem>>
        tpu.wait_dma2 semaphore(%run_scoped3A_829 : memref<!tpu.dma_semaphore, #tpu.memory_space<semaphore_mem>>) src(%dma_wait3A_857 : memref<128x128xf32, #tpu.memory_space<vmem>>) dst(%dma_wait3A_853 : memref<128x128xf32, #tpu.memory_space<hbm>>)
        tpu.yield
      }) : () -> ()
      %dma_wait3A_638 = arith.constant 3 : i32
      %dma_wait3A_639 = arith.constant 0 : i32
      %dma_wait3A_640 = arith.constant 0 : i32
      %dma_wait3A_641 = tpu.memref_slice %arg13[%dma_wait3A_638, %dma_wait3A_639, %dma_wait3A_640] : memref<4x128x128xf32, #tpu.memory_space<vmem>> -> memref<1x128x128xf32, #tpu.memory_space<vmem>>
      %dma_wait3A_642 = tpu.memref_squeeze %dma_wait3A_641 : memref<1x128x128xf32, #tpu.memory_space<vmem>> -> memref<128x128xf32, #tpu.memory_space<vmem>>
      %dma_wait3A_643 = arith.constant 0 : i32
      %dma_wait3A_644 = tpu.memref_slice %arg12[%dma_wait3A_643] : memref<6144xi32, #tpu.memory_space<vmem>> -> memref<128xi32, #tpu.memory_space<vmem>>
      %dma_wait3A_645 = arith.constant 0 : i32
      %dma_wait3A_646 = arith.constant 0 : i32
      %dma_wait3A_647 = tpu.memref_slice %arg8[%dma_wait3A_645, %dma_wait3A_646] : memref<1025x128xf32, #tpu.memory_space<vmem_shared>> -> memref<1025x128xf32, #tpu.memory_space<vmem_shared>>
      tpu.wait_indirect_dma semaphore(%arg14 : memref<!tpu.dma_semaphore, #tpu.memory_space<semaphore_mem>>) src(%dma_wait3A_647 : memref<1025x128xf32, #tpu.memory_space<vmem_shared>>) dst(%dma_wait3A_642 : memref<128x128xf32, #tpu.memory_space<vmem>>)
      %add3A_648 = arith.constant 1 : i32
      %add3A_649 = arith.addi %add3A_574, %add3A_648 : i32
      %lt3A_650 = arith.constant 8 : i32
      %lt3A_651 = arith.cmpi slt, %add3A_649, %lt3A_650 : i32
      %convert_element_type3A_652 = arith.extui %lt3A_651 : i1 to i32
      %cond3A_653 = arith.constant 0 : i32
      %cond3A_654 = arith.cmpi ne, %convert_element_type3A_652, %cond3A_653 : i32
      scf.if %cond3A_654 {
        %mul3A_829 = arith.constant 128 : i32
        %mul3A_830 = arith.muli %add3A_649, %mul3A_829 : i32
        %add3A_831 = arith.constant 0 : i32
        %add3A_832 = arith.addi %add3A_831, %mul3A_830 : i32
        %dma_start3A_833 = arith.constant 2 : i32
        %dma_start3A_834 = arith.constant 0 : i32
        %dma_start3A_835 = arith.constant 0 : i32
        %dma_start3A_836 = tpu.memref_slice %arg13[%dma_start3A_833, %dma_start3A_834, %dma_start3A_835] : memref<4x128x128xf32, #tpu.memory_space<vmem>> -> memref<1x128x128xf32, #tpu.memory_space<vmem>>
        %dma_start3A_837 = tpu.memref_squeeze %dma_start3A_836 : memref<1x128x128xf32, #tpu.memory_space<vmem>> -> memref<128x128xf32, #tpu.memory_space<vmem>>
        %dma_start3A_838 = tpu.memref_slice %arg12[%add3A_832] : memref<6144xi32, #tpu.memory_space<vmem>> -> memref<128xi32, #tpu.memory_space<vmem>>
        %dma_start3A_839 = arith.constant 0 : i32
        %dma_start3A_840 = arith.constant 0 : i32
        %dma_start3A_841 = tpu.memref_slice %arg8[%dma_start3A_839, %dma_start3A_840] : memref<1025x128xf32, #tpu.memory_space<vmem_shared>> -> memref<1025x128xf32, #tpu.memory_space<vmem_shared>>
        tpu.enqueue_indirect_dma source(%dma_start3A_841 : memref<1025x128xf32, #tpu.memory_space<vmem_shared>>) target(%dma_start3A_837 : memref<128x128xf32, #tpu.memory_space<vmem>>) offsets(%dma_start3A_838 : memref<128xi32, #tpu.memory_space<vmem>>) semaphore(%arg14 : memref<!tpu.dma_semaphore, #tpu.memory_space<semaphore_mem>>)
      } else {
      }
      %mul3A_655 = arith.constant 128 : i32
      %mul3A_656 = arith.muli %add3A_574, %mul3A_655 : i32
      %add3A_657 = arith.addi %mul3A_32, %mul3A_656 : i32
      %run_scoped3A_658 = arith.constant 3 : i32
      "tpu.region"() ({
        %run_scoped3A_829 = tpu.sem_alloc : memref<!tpu.dma_semaphore, #tpu.memory_space<semaphore_mem>>
        %dma_start3A_830 = arith.constant 0 : i32
        %dma_start3A_831 = arith.constant 0 : i32
        %dma_start3A_832 = tpu.memref_slice %arg13[%run_scoped3A_658, %dma_start3A_830, %dma_start3A_831] : memref<4x128x128xf32, #tpu.memory_space<vmem>> -> memref<1x128x128xf32, #tpu.memory_space<vmem>>
        %dma_start3A_833 = tpu.memref_squeeze %dma_start3A_832 : memref<1x128x128xf32, #tpu.memory_space<vmem>> -> memref<128x128xf32, #tpu.memory_space<vmem>>
        %dma_start3A_834 = arith.constant 384 : i32
        %dma_start3A_835 = tpu.memref_slice %arg7[%select_n3A, %add3A_657, %dma_start3A_834] : memref<4x8192x768xf32, #tpu.memory_space<hbm>> -> memref<1x128x128xf32, #tpu.memory_space<hbm>>
        %dma_start3A_836 = tpu.memref_squeeze %dma_start3A_835 : memref<1x128x128xf32, #tpu.memory_space<hbm>> -> memref<128x128xf32, #tpu.memory_space<hbm>>
        %dma_start3A_837 = arith.constant 384 : i32
        %dma_start3A_838 = tpu.memref_slice %arg7[%select_n3A, %add3A_657, %dma_start3A_837] : memref<4x8192x768xf32, #tpu.memory_space<hbm>> -> memref<1x128x128xf32, #tpu.memory_space<hbm>>
        %dma_start3A_839 = tpu.memref_squeeze %dma_start3A_838 : memref<1x128x128xf32, #tpu.memory_space<hbm>> -> memref<128x128xf32, #tpu.memory_space<hbm>>
        %dma_start3A_840 = arith.constant 0 : i32
        %dma_start3A_841 = arith.constant 0 : i32
        %dma_start3A_842 = tpu.memref_slice %arg13[%run_scoped3A_658, %dma_start3A_840, %dma_start3A_841] : memref<4x128x128xf32, #tpu.memory_space<vmem>> -> memref<1x128x128xf32, #tpu.memory_space<vmem>>
        %dma_start3A_843 = tpu.memref_squeeze %dma_start3A_842 : memref<1x128x128xf32, #tpu.memory_space<vmem>> -> memref<128x128xf32, #tpu.memory_space<vmem>>
        tpu.enqueue_dma source(%dma_start3A_843 : memref<128x128xf32, #tpu.memory_space<vmem>>) target(%dma_start3A_839 : memref<128x128xf32, #tpu.memory_space<hbm>>) target_semaphore(%run_scoped3A_829 : memref<!tpu.dma_semaphore, #tpu.memory_space<semaphore_mem>>)
        %dma_wait3A_844 = arith.constant 0 : i32
        %dma_wait3A_845 = arith.constant 0 : i32
        %dma_wait3A_846 = tpu.memref_slice %arg13[%run_scoped3A_658, %dma_wait3A_844, %dma_wait3A_845] : memref<4x128x128xf32, #tpu.memory_space<vmem>> -> memref<1x128x128xf32, #tpu.memory_space<vmem>>
        %dma_wait3A_847 = tpu.memref_squeeze %dma_wait3A_846 : memref<1x128x128xf32, #tpu.memory_space<vmem>> -> memref<128x128xf32, #tpu.memory_space<vmem>>
        %dma_wait3A_848 = arith.constant 384 : i32
        %dma_wait3A_849 = tpu.memref_slice %arg7[%select_n3A, %add3A_657, %dma_wait3A_848] : memref<4x8192x768xf32, #tpu.memory_space<hbm>> -> memref<1x128x128xf32, #tpu.memory_space<hbm>>
        %dma_wait3A_850 = tpu.memref_squeeze %dma_wait3A_849 : memref<1x128x128xf32, #tpu.memory_space<hbm>> -> memref<128x128xf32, #tpu.memory_space<hbm>>
        %dma_wait3A_851 = arith.constant 384 : i32
        %dma_wait3A_852 = tpu.memref_slice %arg7[%select_n3A, %add3A_657, %dma_wait3A_851] : memref<4x8192x768xf32, #tpu.memory_space<hbm>> -> memref<1x128x128xf32, #tpu.memory_space<hbm>>
        %dma_wait3A_853 = tpu.memref_squeeze %dma_wait3A_852 : memref<1x128x128xf32, #tpu.memory_space<hbm>> -> memref<128x128xf32, #tpu.memory_space<hbm>>
        %dma_wait3A_854 = arith.constant 0 : i32
        %dma_wait3A_855 = arith.constant 0 : i32
        %dma_wait3A_856 = tpu.memref_slice %arg13[%run_scoped3A_658, %dma_wait3A_854, %dma_wait3A_855] : memref<4x128x128xf32, #tpu.memory_space<vmem>> -> memref<1x128x128xf32, #tpu.memory_space<vmem>>
        %dma_wait3A_857 = tpu.memref_squeeze %dma_wait3A_856 : memref<1x128x128xf32, #tpu.memory_space<vmem>> -> memref<128x128xf32, #tpu.memory_space<vmem>>
        tpu.wait_dma2 semaphore(%run_scoped3A_829 : memref<!tpu.dma_semaphore, #tpu.memory_space<semaphore_mem>>) src(%dma_wait3A_857 : memref<128x128xf32, #tpu.memory_space<vmem>>) dst(%dma_wait3A_853 : memref<128x128xf32, #tpu.memory_space<hbm>>)
        tpu.yield
      }) : () -> ()
      %dma_wait3A_659 = arith.constant 0 : i32
      %dma_wait3A_660 = arith.constant 0 : i32
      %dma_wait3A_661 = arith.constant 0 : i32
      %dma_wait3A_662 = tpu.memref_slice %arg13[%dma_wait3A_659, %dma_wait3A_660, %dma_wait3A_661] : memref<4x128x128xf32, #tpu.memory_space<vmem>> -> memref<1x128x128xf32, #tpu.memory_space<vmem>>
      %dma_wait3A_663 = tpu.memref_squeeze %dma_wait3A_662 : memref<1x128x128xf32, #tpu.memory_space<vmem>> -> memref<128x128xf32, #tpu.memory_space<vmem>>
      %dma_wait3A_664 = arith.constant 0 : i32
      %dma_wait3A_665 = tpu.memref_slice %arg12[%dma_wait3A_664] : memref<6144xi32, #tpu.memory_space<vmem>> -> memref<128xi32, #tpu.memory_space<vmem>>
      %dma_wait3A_666 = arith.constant 0 : i32
      %dma_wait3A_667 = arith.constant 0 : i32
      %dma_wait3A_668 = tpu.memref_slice %arg8[%dma_wait3A_666, %dma_wait3A_667] : memref<1025x128xf32, #tpu.memory_space<vmem_shared>> -> memref<1025x128xf32, #tpu.memory_space<vmem_shared>>
      tpu.wait_indirect_dma semaphore(%arg14 : memref<!tpu.dma_semaphore, #tpu.memory_space<semaphore_mem>>) src(%dma_wait3A_668 : memref<1025x128xf32, #tpu.memory_space<vmem_shared>>) dst(%dma_wait3A_663 : memref<128x128xf32, #tpu.memory_space<vmem>>)
      %add3A_669 = arith.constant 1 : i32
      %add3A_670 = arith.addi %add3A_574, %add3A_669 : i32
      %lt3A_671 = arith.constant 8 : i32
      %lt3A_672 = arith.cmpi slt, %add3A_670, %lt3A_671 : i32
      %convert_element_type3A_673 = arith.extui %lt3A_672 : i1 to i32
      %cond3A_674 = arith.constant 0 : i32
      %cond3A_675 = arith.cmpi ne, %convert_element_type3A_673, %cond3A_674 : i32
      scf.if %cond3A_675 {
        %mul3A_829 = arith.constant 128 : i32
        %mul3A_830 = arith.muli %add3A_670, %mul3A_829 : i32
        %add3A_831 = arith.constant 1024 : i32
        %add3A_832 = arith.addi %add3A_831, %mul3A_830 : i32
        %dma_start3A_833 = arith.constant 3 : i32
        %dma_start3A_834 = arith.constant 0 : i32
        %dma_start3A_835 = arith.constant 0 : i32
        %dma_start3A_836 = tpu.memref_slice %arg13[%dma_start3A_833, %dma_start3A_834, %dma_start3A_835] : memref<4x128x128xf32, #tpu.memory_space<vmem>> -> memref<1x128x128xf32, #tpu.memory_space<vmem>>
        %dma_start3A_837 = tpu.memref_squeeze %dma_start3A_836 : memref<1x128x128xf32, #tpu.memory_space<vmem>> -> memref<128x128xf32, #tpu.memory_space<vmem>>
        %dma_start3A_838 = tpu.memref_slice %arg12[%add3A_832] : memref<6144xi32, #tpu.memory_space<vmem>> -> memref<128xi32, #tpu.memory_space<vmem>>
        %dma_start3A_839 = arith.constant 0 : i32
        %dma_start3A_840 = arith.constant 0 : i32
        %dma_start3A_841 = tpu.memref_slice %arg9[%dma_start3A_839, %dma_start3A_840] : memref<1025x128xf32, #tpu.memory_space<vmem_shared>> -> memref<1025x128xf32, #tpu.memory_space<vmem_shared>>
        tpu.enqueue_indirect_dma source(%dma_start3A_841 : memref<1025x128xf32, #tpu.memory_space<vmem_shared>>) target(%dma_start3A_837 : memref<128x128xf32, #tpu.memory_space<vmem>>) offsets(%dma_start3A_838 : memref<128xi32, #tpu.memory_space<vmem>>) semaphore(%arg14 : memref<!tpu.dma_semaphore, #tpu.memory_space<semaphore_mem>>)
      } else {
      }
      %mul3A_676 = arith.constant 128 : i32
      %mul3A_677 = arith.muli %add3A_574, %mul3A_676 : i32
      %add3A_678 = arith.addi %mul3A_32, %mul3A_677 : i32
      %run_scoped3A_679 = arith.constant 0 : i32
      "tpu.region"() ({
        %run_scoped3A_829 = tpu.sem_alloc : memref<!tpu.dma_semaphore, #tpu.memory_space<semaphore_mem>>
        %dma_start3A_830 = arith.constant 0 : i32
        %dma_start3A_831 = arith.constant 0 : i32
        %dma_start3A_832 = tpu.memref_slice %arg13[%run_scoped3A_679, %dma_start3A_830, %dma_start3A_831] : memref<4x128x128xf32, #tpu.memory_space<vmem>> -> memref<1x128x128xf32, #tpu.memory_space<vmem>>
        %dma_start3A_833 = tpu.memref_squeeze %dma_start3A_832 : memref<1x128x128xf32, #tpu.memory_space<vmem>> -> memref<128x128xf32, #tpu.memory_space<vmem>>
        %dma_start3A_834 = arith.constant 512 : i32
        %dma_start3A_835 = tpu.memref_slice %arg7[%select_n3A, %add3A_678, %dma_start3A_834] : memref<4x8192x768xf32, #tpu.memory_space<hbm>> -> memref<1x128x128xf32, #tpu.memory_space<hbm>>
        %dma_start3A_836 = tpu.memref_squeeze %dma_start3A_835 : memref<1x128x128xf32, #tpu.memory_space<hbm>> -> memref<128x128xf32, #tpu.memory_space<hbm>>
        %dma_start3A_837 = arith.constant 512 : i32
        %dma_start3A_838 = tpu.memref_slice %arg7[%select_n3A, %add3A_678, %dma_start3A_837] : memref<4x8192x768xf32, #tpu.memory_space<hbm>> -> memref<1x128x128xf32, #tpu.memory_space<hbm>>
        %dma_start3A_839 = tpu.memref_squeeze %dma_start3A_838 : memref<1x128x128xf32, #tpu.memory_space<hbm>> -> memref<128x128xf32, #tpu.memory_space<hbm>>
        %dma_start3A_840 = arith.constant 0 : i32
        %dma_start3A_841 = arith.constant 0 : i32
        %dma_start3A_842 = tpu.memref_slice %arg13[%run_scoped3A_679, %dma_start3A_840, %dma_start3A_841] : memref<4x128x128xf32, #tpu.memory_space<vmem>> -> memref<1x128x128xf32, #tpu.memory_space<vmem>>
        %dma_start3A_843 = tpu.memref_squeeze %dma_start3A_842 : memref<1x128x128xf32, #tpu.memory_space<vmem>> -> memref<128x128xf32, #tpu.memory_space<vmem>>
        tpu.enqueue_dma source(%dma_start3A_843 : memref<128x128xf32, #tpu.memory_space<vmem>>) target(%dma_start3A_839 : memref<128x128xf32, #tpu.memory_space<hbm>>) target_semaphore(%run_scoped3A_829 : memref<!tpu.dma_semaphore, #tpu.memory_space<semaphore_mem>>)
        %dma_wait3A_844 = arith.constant 0 : i32
        %dma_wait3A_845 = arith.constant 0 : i32
        %dma_wait3A_846 = tpu.memref_slice %arg13[%run_scoped3A_679, %dma_wait3A_844, %dma_wait3A_845] : memref<4x128x128xf32, #tpu.memory_space<vmem>> -> memref<1x128x128xf32, #tpu.memory_space<vmem>>
        %dma_wait3A_847 = tpu.memref_squeeze %dma_wait3A_846 : memref<1x128x128xf32, #tpu.memory_space<vmem>> -> memref<128x128xf32, #tpu.memory_space<vmem>>
        %dma_wait3A_848 = arith.constant 512 : i32
        %dma_wait3A_849 = tpu.memref_slice %arg7[%select_n3A, %add3A_678, %dma_wait3A_848] : memref<4x8192x768xf32, #tpu.memory_space<hbm>> -> memref<1x128x128xf32, #tpu.memory_space<hbm>>
        %dma_wait3A_850 = tpu.memref_squeeze %dma_wait3A_849 : memref<1x128x128xf32, #tpu.memory_space<hbm>> -> memref<128x128xf32, #tpu.memory_space<hbm>>
        %dma_wait3A_851 = arith.constant 512 : i32
        %dma_wait3A_852 = tpu.memref_slice %arg7[%select_n3A, %add3A_678, %dma_wait3A_851] : memref<4x8192x768xf32, #tpu.memory_space<hbm>> -> memref<1x128x128xf32, #tpu.memory_space<hbm>>
        %dma_wait3A_853 = tpu.memref_squeeze %dma_wait3A_852 : memref<1x128x128xf32, #tpu.memory_space<hbm>> -> memref<128x128xf32, #tpu.memory_space<hbm>>
        %dma_wait3A_854 = arith.constant 0 : i32
        %dma_wait3A_855 = arith.constant 0 : i32
        %dma_wait3A_856 = tpu.memref_slice %arg13[%run_scoped3A_679, %dma_wait3A_854, %dma_wait3A_855] : memref<4x128x128xf32, #tpu.memory_space<vmem>> -> memref<1x128x128xf32, #tpu.memory_space<vmem>>
        %dma_wait3A_857 = tpu.memref_squeeze %dma_wait3A_856 : memref<1x128x128xf32, #tpu.memory_space<vmem>> -> memref<128x128xf32, #tpu.memory_space<vmem>>
        tpu.wait_dma2 semaphore(%run_scoped3A_829 : memref<!tpu.dma_semaphore, #tpu.memory_space<semaphore_mem>>) src(%dma_wait3A_857 : memref<128x128xf32, #tpu.memory_space<vmem>>) dst(%dma_wait3A_853 : memref<128x128xf32, #tpu.memory_space<hbm>>)
        tpu.yield
      }) : () -> ()
      %dma_wait3A_680 = arith.constant 1 : i32
      %dma_wait3A_681 = arith.constant 0 : i32
      %dma_wait3A_682 = arith.constant 0 : i32
      %dma_wait3A_683 = tpu.memref_slice %arg13[%dma_wait3A_680, %dma_wait3A_681, %dma_wait3A_682] : memref<4x128x128xf32, #tpu.memory_space<vmem>> -> memref<1x128x128xf32, #tpu.memory_space<vmem>>
      %dma_wait3A_684 = tpu.memref_squeeze %dma_wait3A_683 : memref<1x128x128xf32, #tpu.memory_space<vmem>> -> memref<128x128xf32, #tpu.memory_space<vmem>>
      %dma_wait3A_685 = arith.constant 0 : i32
      %dma_wait3A_686 = tpu.memref_slice %arg12[%dma_wait3A_685] : memref<6144xi32, #tpu.memory_space<vmem>> -> memref<128xi32, #tpu.memory_space<vmem>>
      %dma_wait3A_687 = arith.constant 0 : i32
      %dma_wait3A_688 = arith.constant 0 : i32
      %dma_wait3A_689 = tpu.memref_slice %arg8[%dma_wait3A_687, %dma_wait3A_688] : memref<1025x128xf32, #tpu.memory_space<vmem_shared>> -> memref<1025x128xf32, #tpu.memory_space<vmem_shared>>
      tpu.wait_indirect_dma semaphore(%arg14 : memref<!tpu.dma_semaphore, #tpu.memory_space<semaphore_mem>>) src(%dma_wait3A_689 : memref<1025x128xf32, #tpu.memory_space<vmem_shared>>) dst(%dma_wait3A_684 : memref<128x128xf32, #tpu.memory_space<vmem>>)
      %add3A_690 = arith.constant 1 : i32
      %add3A_691 = arith.addi %add3A_574, %add3A_690 : i32
      %lt3A_692 = arith.constant 8 : i32
      %lt3A_693 = arith.cmpi slt, %add3A_691, %lt3A_692 : i32
      %convert_element_type3A_694 = arith.extui %lt3A_693 : i1 to i32
      %cond3A_695 = arith.constant 0 : i32
      %cond3A_696 = arith.cmpi ne, %convert_element_type3A_694, %cond3A_695 : i32
      scf.if %cond3A_696 {
        %mul3A_829 = arith.constant 128 : i32
        %mul3A_830 = arith.muli %add3A_691, %mul3A_829 : i32
        %add3A_831 = arith.constant 2048 : i32
        %add3A_832 = arith.addi %add3A_831, %mul3A_830 : i32
        %dma_start3A_833 = arith.constant 0 : i32
        %dma_start3A_834 = arith.constant 0 : i32
        %dma_start3A_835 = arith.constant 0 : i32
        %dma_start3A_836 = tpu.memref_slice %arg13[%dma_start3A_833, %dma_start3A_834, %dma_start3A_835] : memref<4x128x128xf32, #tpu.memory_space<vmem>> -> memref<1x128x128xf32, #tpu.memory_space<vmem>>
        %dma_start3A_837 = tpu.memref_squeeze %dma_start3A_836 : memref<1x128x128xf32, #tpu.memory_space<vmem>> -> memref<128x128xf32, #tpu.memory_space<vmem>>
        %dma_start3A_838 = tpu.memref_slice %arg12[%add3A_832] : memref<6144xi32, #tpu.memory_space<vmem>> -> memref<128xi32, #tpu.memory_space<vmem>>
        %dma_start3A_839 = arith.constant 0 : i32
        %dma_start3A_840 = arith.constant 0 : i32
        %dma_start3A_841 = tpu.memref_slice %arg8[%dma_start3A_839, %dma_start3A_840] : memref<1025x128xf32, #tpu.memory_space<vmem_shared>> -> memref<1025x128xf32, #tpu.memory_space<vmem_shared>>
        tpu.enqueue_indirect_dma source(%dma_start3A_841 : memref<1025x128xf32, #tpu.memory_space<vmem_shared>>) target(%dma_start3A_837 : memref<128x128xf32, #tpu.memory_space<vmem>>) offsets(%dma_start3A_838 : memref<128xi32, #tpu.memory_space<vmem>>) semaphore(%arg14 : memref<!tpu.dma_semaphore, #tpu.memory_space<semaphore_mem>>)
      } else {
      }
      %mul3A_697 = arith.constant 128 : i32
      %mul3A_698 = arith.muli %add3A_574, %mul3A_697 : i32
      %add3A_699 = arith.addi %mul3A_32, %mul3A_698 : i32
      %run_scoped3A_700 = arith.constant 1 : i32
      "tpu.region"() ({
        %run_scoped3A_829 = tpu.sem_alloc : memref<!tpu.dma_semaphore, #tpu.memory_space<semaphore_mem>>
        %dma_start3A_830 = arith.constant 0 : i32
        %dma_start3A_831 = arith.constant 0 : i32
        %dma_start3A_832 = tpu.memref_slice %arg13[%run_scoped3A_700, %dma_start3A_830, %dma_start3A_831] : memref<4x128x128xf32, #tpu.memory_space<vmem>> -> memref<1x128x128xf32, #tpu.memory_space<vmem>>
        %dma_start3A_833 = tpu.memref_squeeze %dma_start3A_832 : memref<1x128x128xf32, #tpu.memory_space<vmem>> -> memref<128x128xf32, #tpu.memory_space<vmem>>
        %dma_start3A_834 = arith.constant 640 : i32
        %dma_start3A_835 = tpu.memref_slice %arg7[%select_n3A, %add3A_699, %dma_start3A_834] : memref<4x8192x768xf32, #tpu.memory_space<hbm>> -> memref<1x128x128xf32, #tpu.memory_space<hbm>>
        %dma_start3A_836 = tpu.memref_squeeze %dma_start3A_835 : memref<1x128x128xf32, #tpu.memory_space<hbm>> -> memref<128x128xf32, #tpu.memory_space<hbm>>
        %dma_start3A_837 = arith.constant 640 : i32
        %dma_start3A_838 = tpu.memref_slice %arg7[%select_n3A, %add3A_699, %dma_start3A_837] : memref<4x8192x768xf32, #tpu.memory_space<hbm>> -> memref<1x128x128xf32, #tpu.memory_space<hbm>>
        %dma_start3A_839 = tpu.memref_squeeze %dma_start3A_838 : memref<1x128x128xf32, #tpu.memory_space<hbm>> -> memref<128x128xf32, #tpu.memory_space<hbm>>
        %dma_start3A_840 = arith.constant 0 : i32
        %dma_start3A_841 = arith.constant 0 : i32
        %dma_start3A_842 = tpu.memref_slice %arg13[%run_scoped3A_700, %dma_start3A_840, %dma_start3A_841] : memref<4x128x128xf32, #tpu.memory_space<vmem>> -> memref<1x128x128xf32, #tpu.memory_space<vmem>>
        %dma_start3A_843 = tpu.memref_squeeze %dma_start3A_842 : memref<1x128x128xf32, #tpu.memory_space<vmem>> -> memref<128x128xf32, #tpu.memory_space<vmem>>
        tpu.enqueue_dma source(%dma_start3A_843 : memref<128x128xf32, #tpu.memory_space<vmem>>) target(%dma_start3A_839 : memref<128x128xf32, #tpu.memory_space<hbm>>) target_semaphore(%run_scoped3A_829 : memref<!tpu.dma_semaphore, #tpu.memory_space<semaphore_mem>>)
        %dma_wait3A_844 = arith.constant 0 : i32
        %dma_wait3A_845 = arith.constant 0 : i32
        %dma_wait3A_846 = tpu.memref_slice %arg13[%run_scoped3A_700, %dma_wait3A_844, %dma_wait3A_845] : memref<4x128x128xf32, #tpu.memory_space<vmem>> -> memref<1x128x128xf32, #tpu.memory_space<vmem>>
        %dma_wait3A_847 = tpu.memref_squeeze %dma_wait3A_846 : memref<1x128x128xf32, #tpu.memory_space<vmem>> -> memref<128x128xf32, #tpu.memory_space<vmem>>
        %dma_wait3A_848 = arith.constant 640 : i32
        %dma_wait3A_849 = tpu.memref_slice %arg7[%select_n3A, %add3A_699, %dma_wait3A_848] : memref<4x8192x768xf32, #tpu.memory_space<hbm>> -> memref<1x128x128xf32, #tpu.memory_space<hbm>>
        %dma_wait3A_850 = tpu.memref_squeeze %dma_wait3A_849 : memref<1x128x128xf32, #tpu.memory_space<hbm>> -> memref<128x128xf32, #tpu.memory_space<hbm>>
        %dma_wait3A_851 = arith.constant 640 : i32
        %dma_wait3A_852 = tpu.memref_slice %arg7[%select_n3A, %add3A_699, %dma_wait3A_851] : memref<4x8192x768xf32, #tpu.memory_space<hbm>> -> memref<1x128x128xf32, #tpu.memory_space<hbm>>
        %dma_wait3A_853 = tpu.memref_squeeze %dma_wait3A_852 : memref<1x128x128xf32, #tpu.memory_space<hbm>> -> memref<128x128xf32, #tpu.memory_space<hbm>>
        %dma_wait3A_854 = arith.constant 0 : i32
        %dma_wait3A_855 = arith.constant 0 : i32
        %dma_wait3A_856 = tpu.memref_slice %arg13[%run_scoped3A_700, %dma_wait3A_854, %dma_wait3A_855] : memref<4x128x128xf32, #tpu.memory_space<vmem>> -> memref<1x128x128xf32, #tpu.memory_space<vmem>>
        %dma_wait3A_857 = tpu.memref_squeeze %dma_wait3A_856 : memref<1x128x128xf32, #tpu.memory_space<vmem>> -> memref<128x128xf32, #tpu.memory_space<vmem>>
        tpu.wait_dma2 semaphore(%run_scoped3A_829 : memref<!tpu.dma_semaphore, #tpu.memory_space<semaphore_mem>>) src(%dma_wait3A_857 : memref<128x128xf32, #tpu.memory_space<vmem>>) dst(%dma_wait3A_853 : memref<128x128xf32, #tpu.memory_space<hbm>>)
        tpu.yield
      }) : () -> ()
      %add3A_701 = arith.constant 3 : i32
      %add3A_702 = arith.addi %mul3A_317, %add3A_701 : i32
      %dma_wait3A_703 = arith.constant 2 : i32
      %dma_wait3A_704 = arith.constant 0 : i32
      %dma_wait3A_705 = arith.constant 0 : i32
      %dma_wait3A_706 = tpu.memref_slice %arg13[%dma_wait3A_703, %dma_wait3A_704, %dma_wait3A_705] : memref<4x128x128xf32, #tpu.memory_space<vmem>> -> memref<1x128x128xf32, #tpu.memory_space<vmem>>
      %dma_wait3A_707 = tpu.memref_squeeze %dma_wait3A_706 : memref<1x128x128xf32, #tpu.memory_space<vmem>> -> memref<128x128xf32, #tpu.memory_space<vmem>>
      %dma_wait3A_708 = arith.constant 0 : i32
      %dma_wait3A_709 = tpu.memref_slice %arg12[%dma_wait3A_708] : memref<6144xi32, #tpu.memory_space<vmem>> -> memref<128xi32, #tpu.memory_space<vmem>>
      %dma_wait3A_710 = arith.constant 0 : i32
      %dma_wait3A_711 = arith.constant 0 : i32
      %dma_wait3A_712 = tpu.memref_slice %arg8[%dma_wait3A_710, %dma_wait3A_711] : memref<1025x128xf32, #tpu.memory_space<vmem_shared>> -> memref<1025x128xf32, #tpu.memory_space<vmem_shared>>
      tpu.wait_indirect_dma semaphore(%arg14 : memref<!tpu.dma_semaphore, #tpu.memory_space<semaphore_mem>>) src(%dma_wait3A_712 : memref<1025x128xf32, #tpu.memory_space<vmem_shared>>) dst(%dma_wait3A_707 : memref<128x128xf32, #tpu.memory_space<vmem>>)
      %add3A_713 = arith.constant 0 : i32
      %add3A_714 = arith.addi %add3A_702, %add3A_713 : i32
      %lt3A_715 = arith.constant 8 : i32
      %lt3A_716 = arith.cmpi slt, %add3A_714, %lt3A_715 : i32
      %convert_element_type3A_717 = arith.extui %lt3A_716 : i1 to i32
      %cond3A_718 = arith.constant 0 : i32
      %cond3A_719 = arith.cmpi ne, %convert_element_type3A_717, %cond3A_718 : i32
      scf.if %cond3A_719 {
        %mul3A_829 = arith.constant 128 : i32
        %mul3A_830 = arith.muli %add3A_714, %mul3A_829 : i32
        %add3A_831 = arith.constant 3072 : i32
        %add3A_832 = arith.addi %add3A_831, %mul3A_830 : i32
        %dma_start3A_833 = arith.constant 1 : i32
        %dma_start3A_834 = arith.constant 0 : i32
        %dma_start3A_835 = arith.constant 0 : i32
        %dma_start3A_836 = tpu.memref_slice %arg13[%dma_start3A_833, %dma_start3A_834, %dma_start3A_835] : memref<4x128x128xf32, #tpu.memory_space<vmem>> -> memref<1x128x128xf32, #tpu.memory_space<vmem>>
        %dma_start3A_837 = tpu.memref_squeeze %dma_start3A_836 : memref<1x128x128xf32, #tpu.memory_space<vmem>> -> memref<128x128xf32, #tpu.memory_space<vmem>>
        %dma_start3A_838 = tpu.memref_slice %arg12[%add3A_832] : memref<6144xi32, #tpu.memory_space<vmem>> -> memref<128xi32, #tpu.memory_space<vmem>>
        %dma_start3A_839 = arith.constant 0 : i32
        %dma_start3A_840 = arith.constant 0 : i32
        %dma_start3A_841 = tpu.memref_slice %arg9[%dma_start3A_839, %dma_start3A_840] : memref<1025x128xf32, #tpu.memory_space<vmem_shared>> -> memref<1025x128xf32, #tpu.memory_space<vmem_shared>>
        tpu.enqueue_indirect_dma source(%dma_start3A_841 : memref<1025x128xf32, #tpu.memory_space<vmem_shared>>) target(%dma_start3A_837 : memref<128x128xf32, #tpu.memory_space<vmem>>) offsets(%dma_start3A_838 : memref<128xi32, #tpu.memory_space<vmem>>) semaphore(%arg14 : memref<!tpu.dma_semaphore, #tpu.memory_space<semaphore_mem>>)
      } else {
      }
      %mul3A_720 = arith.constant 128 : i32
      %mul3A_721 = arith.muli %add3A_702, %mul3A_720 : i32
      %add3A_722 = arith.addi %mul3A_32, %mul3A_721 : i32
      %run_scoped3A_723 = arith.constant 2 : i32
      "tpu.region"() ({
        %run_scoped3A_829 = tpu.sem_alloc : memref<!tpu.dma_semaphore, #tpu.memory_space<semaphore_mem>>
        %dma_start3A_830 = arith.constant 0 : i32
        %dma_start3A_831 = arith.constant 0 : i32
        %dma_start3A_832 = tpu.memref_slice %arg13[%run_scoped3A_723, %dma_start3A_830, %dma_start3A_831] : memref<4x128x128xf32, #tpu.memory_space<vmem>> -> memref<1x128x128xf32, #tpu.memory_space<vmem>>
        %dma_start3A_833 = tpu.memref_squeeze %dma_start3A_832 : memref<1x128x128xf32, #tpu.memory_space<vmem>> -> memref<128x128xf32, #tpu.memory_space<vmem>>
        %dma_start3A_834 = arith.constant 0 : i32
        %dma_start3A_835 = tpu.memref_slice %arg7[%select_n3A, %add3A_722, %dma_start3A_834] : memref<4x8192x768xf32, #tpu.memory_space<hbm>> -> memref<1x128x128xf32, #tpu.memory_space<hbm>>
        %dma_start3A_836 = tpu.memref_squeeze %dma_start3A_835 : memref<1x128x128xf32, #tpu.memory_space<hbm>> -> memref<128x128xf32, #tpu.memory_space<hbm>>
        %dma_start3A_837 = arith.constant 0 : i32
        %dma_start3A_838 = tpu.memref_slice %arg7[%select_n3A, %add3A_722, %dma_start3A_837] : memref<4x8192x768xf32, #tpu.memory_space<hbm>> -> memref<1x128x128xf32, #tpu.memory_space<hbm>>
        %dma_start3A_839 = tpu.memref_squeeze %dma_start3A_838 : memref<1x128x128xf32, #tpu.memory_space<hbm>> -> memref<128x128xf32, #tpu.memory_space<hbm>>
        %dma_start3A_840 = arith.constant 0 : i32
        %dma_start3A_841 = arith.constant 0 : i32
        %dma_start3A_842 = tpu.memref_slice %arg13[%run_scoped3A_723, %dma_start3A_840, %dma_start3A_841] : memref<4x128x128xf32, #tpu.memory_space<vmem>> -> memref<1x128x128xf32, #tpu.memory_space<vmem>>
        %dma_start3A_843 = tpu.memref_squeeze %dma_start3A_842 : memref<1x128x128xf32, #tpu.memory_space<vmem>> -> memref<128x128xf32, #tpu.memory_space<vmem>>
        tpu.enqueue_dma source(%dma_start3A_843 : memref<128x128xf32, #tpu.memory_space<vmem>>) target(%dma_start3A_839 : memref<128x128xf32, #tpu.memory_space<hbm>>) target_semaphore(%run_scoped3A_829 : memref<!tpu.dma_semaphore, #tpu.memory_space<semaphore_mem>>)
        %dma_wait3A_844 = arith.constant 0 : i32
        %dma_wait3A_845 = arith.constant 0 : i32
        %dma_wait3A_846 = tpu.memref_slice %arg13[%run_scoped3A_723, %dma_wait3A_844, %dma_wait3A_845] : memref<4x128x128xf32, #tpu.memory_space<vmem>> -> memref<1x128x128xf32, #tpu.memory_space<vmem>>
        %dma_wait3A_847 = tpu.memref_squeeze %dma_wait3A_846 : memref<1x128x128xf32, #tpu.memory_space<vmem>> -> memref<128x128xf32, #tpu.memory_space<vmem>>
        %dma_wait3A_848 = arith.constant 0 : i32
        %dma_wait3A_849 = tpu.memref_slice %arg7[%select_n3A, %add3A_722, %dma_wait3A_848] : memref<4x8192x768xf32, #tpu.memory_space<hbm>> -> memref<1x128x128xf32, #tpu.memory_space<hbm>>
        %dma_wait3A_850 = tpu.memref_squeeze %dma_wait3A_849 : memref<1x128x128xf32, #tpu.memory_space<hbm>> -> memref<128x128xf32, #tpu.memory_space<hbm>>
        %dma_wait3A_851 = arith.constant 0 : i32
        %dma_wait3A_852 = tpu.memref_slice %arg7[%select_n3A, %add3A_722, %dma_wait3A_851] : memref<4x8192x768xf32, #tpu.memory_space<hbm>> -> memref<1x128x128xf32, #tpu.memory_space<hbm>>
        %dma_wait3A_853 = tpu.memref_squeeze %dma_wait3A_852 : memref<1x128x128xf32, #tpu.memory_space<hbm>> -> memref<128x128xf32, #tpu.memory_space<hbm>>
        %dma_wait3A_854 = arith.constant 0 : i32
        %dma_wait3A_855 = arith.constant 0 : i32
        %dma_wait3A_856 = tpu.memref_slice %arg13[%run_scoped3A_723, %dma_wait3A_854, %dma_wait3A_855] : memref<4x128x128xf32, #tpu.memory_space<vmem>> -> memref<1x128x128xf32, #tpu.memory_space<vmem>>
        %dma_wait3A_857 = tpu.memref_squeeze %dma_wait3A_856 : memref<1x128x128xf32, #tpu.memory_space<vmem>> -> memref<128x128xf32, #tpu.memory_space<vmem>>
        tpu.wait_dma2 semaphore(%run_scoped3A_829 : memref<!tpu.dma_semaphore, #tpu.memory_space<semaphore_mem>>) src(%dma_wait3A_857 : memref<128x128xf32, #tpu.memory_space<vmem>>) dst(%dma_wait3A_853 : memref<128x128xf32, #tpu.memory_space<hbm>>)
        tpu.yield
      }) : () -> ()
      %dma_wait3A_724 = arith.constant 3 : i32
      %dma_wait3A_725 = arith.constant 0 : i32
      %dma_wait3A_726 = arith.constant 0 : i32
      %dma_wait3A_727 = tpu.memref_slice %arg13[%dma_wait3A_724, %dma_wait3A_725, %dma_wait3A_726] : memref<4x128x128xf32, #tpu.memory_space<vmem>> -> memref<1x128x128xf32, #tpu.memory_space<vmem>>
      %dma_wait3A_728 = tpu.memref_squeeze %dma_wait3A_727 : memref<1x128x128xf32, #tpu.memory_space<vmem>> -> memref<128x128xf32, #tpu.memory_space<vmem>>
      %dma_wait3A_729 = arith.constant 0 : i32
      %dma_wait3A_730 = tpu.memref_slice %arg12[%dma_wait3A_729] : memref<6144xi32, #tpu.memory_space<vmem>> -> memref<128xi32, #tpu.memory_space<vmem>>
      %dma_wait3A_731 = arith.constant 0 : i32
      %dma_wait3A_732 = arith.constant 0 : i32
      %dma_wait3A_733 = tpu.memref_slice %arg8[%dma_wait3A_731, %dma_wait3A_732] : memref<1025x128xf32, #tpu.memory_space<vmem_shared>> -> memref<1025x128xf32, #tpu.memory_space<vmem_shared>>
      tpu.wait_indirect_dma semaphore(%arg14 : memref<!tpu.dma_semaphore, #tpu.memory_space<semaphore_mem>>) src(%dma_wait3A_733 : memref<1025x128xf32, #tpu.memory_space<vmem_shared>>) dst(%dma_wait3A_728 : memref<128x128xf32, #tpu.memory_space<vmem>>)
      %add3A_734 = arith.constant 0 : i32
      %add3A_735 = arith.addi %add3A_702, %add3A_734 : i32
      %lt3A_736 = arith.constant 8 : i32
      %lt3A_737 = arith.cmpi slt, %add3A_735, %lt3A_736 : i32
      %convert_element_type3A_738 = arith.extui %lt3A_737 : i1 to i32
      %cond3A_739 = arith.constant 0 : i32
      %cond3A_740 = arith.cmpi ne, %convert_element_type3A_738, %cond3A_739 : i32
      scf.if %cond3A_740 {
        %mul3A_829 = arith.constant 128 : i32
        %mul3A_830 = arith.muli %add3A_735, %mul3A_829 : i32
        %add3A_831 = arith.constant 4096 : i32
        %add3A_832 = arith.addi %add3A_831, %mul3A_830 : i32
        %dma_start3A_833 = arith.constant 2 : i32
        %dma_start3A_834 = arith.constant 0 : i32
        %dma_start3A_835 = arith.constant 0 : i32
        %dma_start3A_836 = tpu.memref_slice %arg13[%dma_start3A_833, %dma_start3A_834, %dma_start3A_835] : memref<4x128x128xf32, #tpu.memory_space<vmem>> -> memref<1x128x128xf32, #tpu.memory_space<vmem>>
        %dma_start3A_837 = tpu.memref_squeeze %dma_start3A_836 : memref<1x128x128xf32, #tpu.memory_space<vmem>> -> memref<128x128xf32, #tpu.memory_space<vmem>>
        %dma_start3A_838 = tpu.memref_slice %arg12[%add3A_832] : memref<6144xi32, #tpu.memory_space<vmem>> -> memref<128xi32, #tpu.memory_space<vmem>>
        %dma_start3A_839 = arith.constant 0 : i32
        %dma_start3A_840 = arith.constant 0 : i32
        %dma_start3A_841 = tpu.memref_slice %arg10[%dma_start3A_839, %dma_start3A_840] : memref<1025x128xf32, #tpu.memory_space<vmem_shared>> -> memref<1025x128xf32, #tpu.memory_space<vmem_shared>>
        tpu.enqueue_indirect_dma source(%dma_start3A_841 : memref<1025x128xf32, #tpu.memory_space<vmem_shared>>) target(%dma_start3A_837 : memref<128x128xf32, #tpu.memory_space<vmem>>) offsets(%dma_start3A_838 : memref<128xi32, #tpu.memory_space<vmem>>) semaphore(%arg14 : memref<!tpu.dma_semaphore, #tpu.memory_space<semaphore_mem>>)
      } else {
      }
      %mul3A_741 = arith.constant 128 : i32
      %mul3A_742 = arith.muli %add3A_702, %mul3A_741 : i32
      %add3A_743 = arith.addi %mul3A_32, %mul3A_742 : i32
      %run_scoped3A_744 = arith.constant 3 : i32
      "tpu.region"() ({
        %run_scoped3A_829 = tpu.sem_alloc : memref<!tpu.dma_semaphore, #tpu.memory_space<semaphore_mem>>
        %dma_start3A_830 = arith.constant 0 : i32
        %dma_start3A_831 = arith.constant 0 : i32
        %dma_start3A_832 = tpu.memref_slice %arg13[%run_scoped3A_744, %dma_start3A_830, %dma_start3A_831] : memref<4x128x128xf32, #tpu.memory_space<vmem>> -> memref<1x128x128xf32, #tpu.memory_space<vmem>>
        %dma_start3A_833 = tpu.memref_squeeze %dma_start3A_832 : memref<1x128x128xf32, #tpu.memory_space<vmem>> -> memref<128x128xf32, #tpu.memory_space<vmem>>
        %dma_start3A_834 = arith.constant 128 : i32
        %dma_start3A_835 = tpu.memref_slice %arg7[%select_n3A, %add3A_743, %dma_start3A_834] : memref<4x8192x768xf32, #tpu.memory_space<hbm>> -> memref<1x128x128xf32, #tpu.memory_space<hbm>>
        %dma_start3A_836 = tpu.memref_squeeze %dma_start3A_835 : memref<1x128x128xf32, #tpu.memory_space<hbm>> -> memref<128x128xf32, #tpu.memory_space<hbm>>
        %dma_start3A_837 = arith.constant 128 : i32
        %dma_start3A_838 = tpu.memref_slice %arg7[%select_n3A, %add3A_743, %dma_start3A_837] : memref<4x8192x768xf32, #tpu.memory_space<hbm>> -> memref<1x128x128xf32, #tpu.memory_space<hbm>>
        %dma_start3A_839 = tpu.memref_squeeze %dma_start3A_838 : memref<1x128x128xf32, #tpu.memory_space<hbm>> -> memref<128x128xf32, #tpu.memory_space<hbm>>
        %dma_start3A_840 = arith.constant 0 : i32
        %dma_start3A_841 = arith.constant 0 : i32
        %dma_start3A_842 = tpu.memref_slice %arg13[%run_scoped3A_744, %dma_start3A_840, %dma_start3A_841] : memref<4x128x128xf32, #tpu.memory_space<vmem>> -> memref<1x128x128xf32, #tpu.memory_space<vmem>>
        %dma_start3A_843 = tpu.memref_squeeze %dma_start3A_842 : memref<1x128x128xf32, #tpu.memory_space<vmem>> -> memref<128x128xf32, #tpu.memory_space<vmem>>
        tpu.enqueue_dma source(%dma_start3A_843 : memref<128x128xf32, #tpu.memory_space<vmem>>) target(%dma_start3A_839 : memref<128x128xf32, #tpu.memory_space<hbm>>) target_semaphore(%run_scoped3A_829 : memref<!tpu.dma_semaphore, #tpu.memory_space<semaphore_mem>>)
        %dma_wait3A_844 = arith.constant 0 : i32
        %dma_wait3A_845 = arith.constant 0 : i32
        %dma_wait3A_846 = tpu.memref_slice %arg13[%run_scoped3A_744, %dma_wait3A_844, %dma_wait3A_845] : memref<4x128x128xf32, #tpu.memory_space<vmem>> -> memref<1x128x128xf32, #tpu.memory_space<vmem>>
        %dma_wait3A_847 = tpu.memref_squeeze %dma_wait3A_846 : memref<1x128x128xf32, #tpu.memory_space<vmem>> -> memref<128x128xf32, #tpu.memory_space<vmem>>
        %dma_wait3A_848 = arith.constant 128 : i32
        %dma_wait3A_849 = tpu.memref_slice %arg7[%select_n3A, %add3A_743, %dma_wait3A_848] : memref<4x8192x768xf32, #tpu.memory_space<hbm>> -> memref<1x128x128xf32, #tpu.memory_space<hbm>>
        %dma_wait3A_850 = tpu.memref_squeeze %dma_wait3A_849 : memref<1x128x128xf32, #tpu.memory_space<hbm>> -> memref<128x128xf32, #tpu.memory_space<hbm>>
        %dma_wait3A_851 = arith.constant 128 : i32
        %dma_wait3A_852 = tpu.memref_slice %arg7[%select_n3A, %add3A_743, %dma_wait3A_851] : memref<4x8192x768xf32, #tpu.memory_space<hbm>> -> memref<1x128x128xf32, #tpu.memory_space<hbm>>
        %dma_wait3A_853 = tpu.memref_squeeze %dma_wait3A_852 : memref<1x128x128xf32, #tpu.memory_space<hbm>> -> memref<128x128xf32, #tpu.memory_space<hbm>>
        %dma_wait3A_854 = arith.constant 0 : i32
        %dma_wait3A_855 = arith.constant 0 : i32
        %dma_wait3A_856 = tpu.memref_slice %arg13[%run_scoped3A_744, %dma_wait3A_854, %dma_wait3A_855] : memref<4x128x128xf32, #tpu.memory_space<vmem>> -> memref<1x128x128xf32, #tpu.memory_space<vmem>>
        %dma_wait3A_857 = tpu.memref_squeeze %dma_wait3A_856 : memref<1x128x128xf32, #tpu.memory_space<vmem>> -> memref<128x128xf32, #tpu.memory_space<vmem>>
        tpu.wait_dma2 semaphore(%run_scoped3A_829 : memref<!tpu.dma_semaphore, #tpu.memory_space<semaphore_mem>>) src(%dma_wait3A_857 : memref<128x128xf32, #tpu.memory_space<vmem>>) dst(%dma_wait3A_853 : memref<128x128xf32, #tpu.memory_space<hbm>>)
        tpu.yield
      }) : () -> ()
      %dma_wait3A_745 = arith.constant 0 : i32
      %dma_wait3A_746 = arith.constant 0 : i32
      %dma_wait3A_747 = arith.constant 0 : i32
      %dma_wait3A_748 = tpu.memref_slice %arg13[%dma_wait3A_745, %dma_wait3A_746, %dma_wait3A_747] : memref<4x128x128xf32, #tpu.memory_space<vmem>> -> memref<1x128x128xf32, #tpu.memory_space<vmem>>
      %dma_wait3A_749 = tpu.memref_squeeze %dma_wait3A_748 : memref<1x128x128xf32, #tpu.memory_space<vmem>> -> memref<128x128xf32, #tpu.memory_space<vmem>>
      %dma_wait3A_750 = arith.constant 0 : i32
      %dma_wait3A_751 = tpu.memref_slice %arg12[%dma_wait3A_750] : memref<6144xi32, #tpu.memory_space<vmem>> -> memref<128xi32, #tpu.memory_space<vmem>>
      %dma_wait3A_752 = arith.constant 0 : i32
      %dma_wait3A_753 = arith.constant 0 : i32
      %dma_wait3A_754 = tpu.memref_slice %arg8[%dma_wait3A_752, %dma_wait3A_753] : memref<1025x128xf32, #tpu.memory_space<vmem_shared>> -> memref<1025x128xf32, #tpu.memory_space<vmem_shared>>
      tpu.wait_indirect_dma semaphore(%arg14 : memref<!tpu.dma_semaphore, #tpu.memory_space<semaphore_mem>>) src(%dma_wait3A_754 : memref<1025x128xf32, #tpu.memory_space<vmem_shared>>) dst(%dma_wait3A_749 : memref<128x128xf32, #tpu.memory_space<vmem>>)
      %add3A_755 = arith.constant 0 : i32
      %add3A_756 = arith.addi %add3A_702, %add3A_755 : i32
      %lt3A_757 = arith.constant 8 : i32
      %lt3A_758 = arith.cmpi slt, %add3A_756, %lt3A_757 : i32
      %convert_element_type3A_759 = arith.extui %lt3A_758 : i1 to i32
      %cond3A_760 = arith.constant 0 : i32
      %cond3A_761 = arith.cmpi ne, %convert_element_type3A_759, %cond3A_760 : i32
      scf.if %cond3A_761 {
        %mul3A_829 = arith.constant 128 : i32
        %mul3A_830 = arith.muli %add3A_756, %mul3A_829 : i32
        %add3A_831 = arith.constant 5120 : i32
        %add3A_832 = arith.addi %add3A_831, %mul3A_830 : i32
        %dma_start3A_833 = arith.constant 3 : i32
        %dma_start3A_834 = arith.constant 0 : i32
        %dma_start3A_835 = arith.constant 0 : i32
        %dma_start3A_836 = tpu.memref_slice %arg13[%dma_start3A_833, %dma_start3A_834, %dma_start3A_835] : memref<4x128x128xf32, #tpu.memory_space<vmem>> -> memref<1x128x128xf32, #tpu.memory_space<vmem>>
        %dma_start3A_837 = tpu.memref_squeeze %dma_start3A_836 : memref<1x128x128xf32, #tpu.memory_space<vmem>> -> memref<128x128xf32, #tpu.memory_space<vmem>>
        %dma_start3A_838 = tpu.memref_slice %arg12[%add3A_832] : memref<6144xi32, #tpu.memory_space<vmem>> -> memref<128xi32, #tpu.memory_space<vmem>>
        %dma_start3A_839 = arith.constant 0 : i32
        %dma_start3A_840 = arith.constant 0 : i32
        %dma_start3A_841 = tpu.memref_slice %arg11[%dma_start3A_839, %dma_start3A_840] : memref<1025x128xf32, #tpu.memory_space<vmem_shared>> -> memref<1025x128xf32, #tpu.memory_space<vmem_shared>>
        tpu.enqueue_indirect_dma source(%dma_start3A_841 : memref<1025x128xf32, #tpu.memory_space<vmem_shared>>) target(%dma_start3A_837 : memref<128x128xf32, #tpu.memory_space<vmem>>) offsets(%dma_start3A_838 : memref<128xi32, #tpu.memory_space<vmem>>) semaphore(%arg14 : memref<!tpu.dma_semaphore, #tpu.memory_space<semaphore_mem>>)
      } else {
      }
      %mul3A_762 = arith.constant 128 : i32
      %mul3A_763 = arith.muli %add3A_702, %mul3A_762 : i32
      %add3A_764 = arith.addi %mul3A_32, %mul3A_763 : i32
      %run_scoped3A_765 = arith.constant 0 : i32
      "tpu.region"() ({
        %run_scoped3A_829 = tpu.sem_alloc : memref<!tpu.dma_semaphore, #tpu.memory_space<semaphore_mem>>
        %dma_start3A_830 = arith.constant 0 : i32
        %dma_start3A_831 = arith.constant 0 : i32
        %dma_start3A_832 = tpu.memref_slice %arg13[%run_scoped3A_765, %dma_start3A_830, %dma_start3A_831] : memref<4x128x128xf32, #tpu.memory_space<vmem>> -> memref<1x128x128xf32, #tpu.memory_space<vmem>>
        %dma_start3A_833 = tpu.memref_squeeze %dma_start3A_832 : memref<1x128x128xf32, #tpu.memory_space<vmem>> -> memref<128x128xf32, #tpu.memory_space<vmem>>
        %dma_start3A_834 = arith.constant 256 : i32
        %dma_start3A_835 = tpu.memref_slice %arg7[%select_n3A, %add3A_764, %dma_start3A_834] : memref<4x8192x768xf32, #tpu.memory_space<hbm>> -> memref<1x128x128xf32, #tpu.memory_space<hbm>>
        %dma_start3A_836 = tpu.memref_squeeze %dma_start3A_835 : memref<1x128x128xf32, #tpu.memory_space<hbm>> -> memref<128x128xf32, #tpu.memory_space<hbm>>
        %dma_start3A_837 = arith.constant 256 : i32
        %dma_start3A_838 = tpu.memref_slice %arg7[%select_n3A, %add3A_764, %dma_start3A_837] : memref<4x8192x768xf32, #tpu.memory_space<hbm>> -> memref<1x128x128xf32, #tpu.memory_space<hbm>>
        %dma_start3A_839 = tpu.memref_squeeze %dma_start3A_838 : memref<1x128x128xf32, #tpu.memory_space<hbm>> -> memref<128x128xf32, #tpu.memory_space<hbm>>
        %dma_start3A_840 = arith.constant 0 : i32
        %dma_start3A_841 = arith.constant 0 : i32
        %dma_start3A_842 = tpu.memref_slice %arg13[%run_scoped3A_765, %dma_start3A_840, %dma_start3A_841] : memref<4x128x128xf32, #tpu.memory_space<vmem>> -> memref<1x128x128xf32, #tpu.memory_space<vmem>>
        %dma_start3A_843 = tpu.memref_squeeze %dma_start3A_842 : memref<1x128x128xf32, #tpu.memory_space<vmem>> -> memref<128x128xf32, #tpu.memory_space<vmem>>
        tpu.enqueue_dma source(%dma_start3A_843 : memref<128x128xf32, #tpu.memory_space<vmem>>) target(%dma_start3A_839 : memref<128x128xf32, #tpu.memory_space<hbm>>) target_semaphore(%run_scoped3A_829 : memref<!tpu.dma_semaphore, #tpu.memory_space<semaphore_mem>>)
        %dma_wait3A_844 = arith.constant 0 : i32
        %dma_wait3A_845 = arith.constant 0 : i32
        %dma_wait3A_846 = tpu.memref_slice %arg13[%run_scoped3A_765, %dma_wait3A_844, %dma_wait3A_845] : memref<4x128x128xf32, #tpu.memory_space<vmem>> -> memref<1x128x128xf32, #tpu.memory_space<vmem>>
        %dma_wait3A_847 = tpu.memref_squeeze %dma_wait3A_846 : memref<1x128x128xf32, #tpu.memory_space<vmem>> -> memref<128x128xf32, #tpu.memory_space<vmem>>
        %dma_wait3A_848 = arith.constant 256 : i32
        %dma_wait3A_849 = tpu.memref_slice %arg7[%select_n3A, %add3A_764, %dma_wait3A_848] : memref<4x8192x768xf32, #tpu.memory_space<hbm>> -> memref<1x128x128xf32, #tpu.memory_space<hbm>>
        %dma_wait3A_850 = tpu.memref_squeeze %dma_wait3A_849 : memref<1x128x128xf32, #tpu.memory_space<hbm>> -> memref<128x128xf32, #tpu.memory_space<hbm>>
        %dma_wait3A_851 = arith.constant 256 : i32
        %dma_wait3A_852 = tpu.memref_slice %arg7[%select_n3A, %add3A_764, %dma_wait3A_851] : memref<4x8192x768xf32, #tpu.memory_space<hbm>> -> memref<1x128x128xf32, #tpu.memory_space<hbm>>
        %dma_wait3A_853 = tpu.memref_squeeze %dma_wait3A_852 : memref<1x128x128xf32, #tpu.memory_space<hbm>> -> memref<128x128xf32, #tpu.memory_space<hbm>>
        %dma_wait3A_854 = arith.constant 0 : i32
        %dma_wait3A_855 = arith.constant 0 : i32
        %dma_wait3A_856 = tpu.memref_slice %arg13[%run_scoped3A_765, %dma_wait3A_854, %dma_wait3A_855] : memref<4x128x128xf32, #tpu.memory_space<vmem>> -> memref<1x128x128xf32, #tpu.memory_space<vmem>>
        %dma_wait3A_857 = tpu.memref_squeeze %dma_wait3A_856 : memref<1x128x128xf32, #tpu.memory_space<vmem>> -> memref<128x128xf32, #tpu.memory_space<vmem>>
        tpu.wait_dma2 semaphore(%run_scoped3A_829 : memref<!tpu.dma_semaphore, #tpu.memory_space<semaphore_mem>>) src(%dma_wait3A_857 : memref<128x128xf32, #tpu.memory_space<vmem>>) dst(%dma_wait3A_853 : memref<128x128xf32, #tpu.memory_space<hbm>>)
        tpu.yield
      }) : () -> ()
      %dma_wait3A_766 = arith.constant 1 : i32
      %dma_wait3A_767 = arith.constant 0 : i32
      %dma_wait3A_768 = arith.constant 0 : i32
      %dma_wait3A_769 = tpu.memref_slice %arg13[%dma_wait3A_766, %dma_wait3A_767, %dma_wait3A_768] : memref<4x128x128xf32, #tpu.memory_space<vmem>> -> memref<1x128x128xf32, #tpu.memory_space<vmem>>
      %dma_wait3A_770 = tpu.memref_squeeze %dma_wait3A_769 : memref<1x128x128xf32, #tpu.memory_space<vmem>> -> memref<128x128xf32, #tpu.memory_space<vmem>>
      %dma_wait3A_771 = arith.constant 0 : i32
      %dma_wait3A_772 = tpu.memref_slice %arg12[%dma_wait3A_771] : memref<6144xi32, #tpu.memory_space<vmem>> -> memref<128xi32, #tpu.memory_space<vmem>>
      %dma_wait3A_773 = arith.constant 0 : i32
      %dma_wait3A_774 = arith.constant 0 : i32
      %dma_wait3A_775 = tpu.memref_slice %arg8[%dma_wait3A_773, %dma_wait3A_774] : memref<1025x128xf32, #tpu.memory_space<vmem_shared>> -> memref<1025x128xf32, #tpu.memory_space<vmem_shared>>
      tpu.wait_indirect_dma semaphore(%arg14 : memref<!tpu.dma_semaphore, #tpu.memory_space<semaphore_mem>>) src(%dma_wait3A_775 : memref<1025x128xf32, #tpu.memory_space<vmem_shared>>) dst(%dma_wait3A_770 : memref<128x128xf32, #tpu.memory_space<vmem>>)
      %add3A_776 = arith.constant 1 : i32
      %add3A_777 = arith.addi %add3A_702, %add3A_776 : i32
      %lt3A_778 = arith.constant 8 : i32
      %lt3A_779 = arith.cmpi slt, %add3A_777, %lt3A_778 : i32
      %convert_element_type3A_780 = arith.extui %lt3A_779 : i1 to i32
      %cond3A_781 = arith.constant 0 : i32
      %cond3A_782 = arith.cmpi ne, %convert_element_type3A_780, %cond3A_781 : i32
      scf.if %cond3A_782 {
        %mul3A_829 = arith.constant 128 : i32
        %mul3A_830 = arith.muli %add3A_777, %mul3A_829 : i32
        %add3A_831 = arith.constant 0 : i32
        %add3A_832 = arith.addi %add3A_831, %mul3A_830 : i32
        %dma_start3A_833 = arith.constant 0 : i32
        %dma_start3A_834 = arith.constant 0 : i32
        %dma_start3A_835 = arith.constant 0 : i32
        %dma_start3A_836 = tpu.memref_slice %arg13[%dma_start3A_833, %dma_start3A_834, %dma_start3A_835] : memref<4x128x128xf32, #tpu.memory_space<vmem>> -> memref<1x128x128xf32, #tpu.memory_space<vmem>>
        %dma_start3A_837 = tpu.memref_squeeze %dma_start3A_836 : memref<1x128x128xf32, #tpu.memory_space<vmem>> -> memref<128x128xf32, #tpu.memory_space<vmem>>
        %dma_start3A_838 = tpu.memref_slice %arg12[%add3A_832] : memref<6144xi32, #tpu.memory_space<vmem>> -> memref<128xi32, #tpu.memory_space<vmem>>
        %dma_start3A_839 = arith.constant 0 : i32
        %dma_start3A_840 = arith.constant 0 : i32
        %dma_start3A_841 = tpu.memref_slice %arg8[%dma_start3A_839, %dma_start3A_840] : memref<1025x128xf32, #tpu.memory_space<vmem_shared>> -> memref<1025x128xf32, #tpu.memory_space<vmem_shared>>
        tpu.enqueue_indirect_dma source(%dma_start3A_841 : memref<1025x128xf32, #tpu.memory_space<vmem_shared>>) target(%dma_start3A_837 : memref<128x128xf32, #tpu.memory_space<vmem>>) offsets(%dma_start3A_838 : memref<128xi32, #tpu.memory_space<vmem>>) semaphore(%arg14 : memref<!tpu.dma_semaphore, #tpu.memory_space<semaphore_mem>>)
      } else {
      }
      %mul3A_783 = arith.constant 128 : i32
      %mul3A_784 = arith.muli %add3A_702, %mul3A_783 : i32
      %add3A_785 = arith.addi %mul3A_32, %mul3A_784 : i32
      %run_scoped3A_786 = arith.constant 1 : i32
      "tpu.region"() ({
        %run_scoped3A_829 = tpu.sem_alloc : memref<!tpu.dma_semaphore, #tpu.memory_space<semaphore_mem>>
        %dma_start3A_830 = arith.constant 0 : i32
        %dma_start3A_831 = arith.constant 0 : i32
        %dma_start3A_832 = tpu.memref_slice %arg13[%run_scoped3A_786, %dma_start3A_830, %dma_start3A_831] : memref<4x128x128xf32, #tpu.memory_space<vmem>> -> memref<1x128x128xf32, #tpu.memory_space<vmem>>
        %dma_start3A_833 = tpu.memref_squeeze %dma_start3A_832 : memref<1x128x128xf32, #tpu.memory_space<vmem>> -> memref<128x128xf32, #tpu.memory_space<vmem>>
        %dma_start3A_834 = arith.constant 384 : i32
        %dma_start3A_835 = tpu.memref_slice %arg7[%select_n3A, %add3A_785, %dma_start3A_834] : memref<4x8192x768xf32, #tpu.memory_space<hbm>> -> memref<1x128x128xf32, #tpu.memory_space<hbm>>
        %dma_start3A_836 = tpu.memref_squeeze %dma_start3A_835 : memref<1x128x128xf32, #tpu.memory_space<hbm>> -> memref<128x128xf32, #tpu.memory_space<hbm>>
        %dma_start3A_837 = arith.constant 384 : i32
        %dma_start3A_838 = tpu.memref_slice %arg7[%select_n3A, %add3A_785, %dma_start3A_837] : memref<4x8192x768xf32, #tpu.memory_space<hbm>> -> memref<1x128x128xf32, #tpu.memory_space<hbm>>
        %dma_start3A_839 = tpu.memref_squeeze %dma_start3A_838 : memref<1x128x128xf32, #tpu.memory_space<hbm>> -> memref<128x128xf32, #tpu.memory_space<hbm>>
        %dma_start3A_840 = arith.constant 0 : i32
        %dma_start3A_841 = arith.constant 0 : i32
        %dma_start3A_842 = tpu.memref_slice %arg13[%run_scoped3A_786, %dma_start3A_840, %dma_start3A_841] : memref<4x128x128xf32, #tpu.memory_space<vmem>> -> memref<1x128x128xf32, #tpu.memory_space<vmem>>
        %dma_start3A_843 = tpu.memref_squeeze %dma_start3A_842 : memref<1x128x128xf32, #tpu.memory_space<vmem>> -> memref<128x128xf32, #tpu.memory_space<vmem>>
        tpu.enqueue_dma source(%dma_start3A_843 : memref<128x128xf32, #tpu.memory_space<vmem>>) target(%dma_start3A_839 : memref<128x128xf32, #tpu.memory_space<hbm>>) target_semaphore(%run_scoped3A_829 : memref<!tpu.dma_semaphore, #tpu.memory_space<semaphore_mem>>)
        %dma_wait3A_844 = arith.constant 0 : i32
        %dma_wait3A_845 = arith.constant 0 : i32
        %dma_wait3A_846 = tpu.memref_slice %arg13[%run_scoped3A_786, %dma_wait3A_844, %dma_wait3A_845] : memref<4x128x128xf32, #tpu.memory_space<vmem>> -> memref<1x128x128xf32, #tpu.memory_space<vmem>>
        %dma_wait3A_847 = tpu.memref_squeeze %dma_wait3A_846 : memref<1x128x128xf32, #tpu.memory_space<vmem>> -> memref<128x128xf32, #tpu.memory_space<vmem>>
        %dma_wait3A_848 = arith.constant 384 : i32
        %dma_wait3A_849 = tpu.memref_slice %arg7[%select_n3A, %add3A_785, %dma_wait3A_848] : memref<4x8192x768xf32, #tpu.memory_space<hbm>> -> memref<1x128x128xf32, #tpu.memory_space<hbm>>
        %dma_wait3A_850 = tpu.memref_squeeze %dma_wait3A_849 : memref<1x128x128xf32, #tpu.memory_space<hbm>> -> memref<128x128xf32, #tpu.memory_space<hbm>>
        %dma_wait3A_851 = arith.constant 384 : i32
        %dma_wait3A_852 = tpu.memref_slice %arg7[%select_n3A, %add3A_785, %dma_wait3A_851] : memref<4x8192x768xf32, #tpu.memory_space<hbm>> -> memref<1x128x128xf32, #tpu.memory_space<hbm>>
        %dma_wait3A_853 = tpu.memref_squeeze %dma_wait3A_852 : memref<1x128x128xf32, #tpu.memory_space<hbm>> -> memref<128x128xf32, #tpu.memory_space<hbm>>
        %dma_wait3A_854 = arith.constant 0 : i32
        %dma_wait3A_855 = arith.constant 0 : i32
        %dma_wait3A_856 = tpu.memref_slice %arg13[%run_scoped3A_786, %dma_wait3A_854, %dma_wait3A_855] : memref<4x128x128xf32, #tpu.memory_space<vmem>> -> memref<1x128x128xf32, #tpu.memory_space<vmem>>
        %dma_wait3A_857 = tpu.memref_squeeze %dma_wait3A_856 : memref<1x128x128xf32, #tpu.memory_space<vmem>> -> memref<128x128xf32, #tpu.memory_space<vmem>>
        tpu.wait_dma2 semaphore(%run_scoped3A_829 : memref<!tpu.dma_semaphore, #tpu.memory_space<semaphore_mem>>) src(%dma_wait3A_857 : memref<128x128xf32, #tpu.memory_space<vmem>>) dst(%dma_wait3A_853 : memref<128x128xf32, #tpu.memory_space<hbm>>)
        tpu.yield
      }) : () -> ()
      %dma_wait3A_787 = arith.constant 2 : i32
      %dma_wait3A_788 = arith.constant 0 : i32
      %dma_wait3A_789 = arith.constant 0 : i32
      %dma_wait3A_790 = tpu.memref_slice %arg13[%dma_wait3A_787, %dma_wait3A_788, %dma_wait3A_789] : memref<4x128x128xf32, #tpu.memory_space<vmem>> -> memref<1x128x128xf32, #tpu.memory_space<vmem>>
      %dma_wait3A_791 = tpu.memref_squeeze %dma_wait3A_790 : memref<1x128x128xf32, #tpu.memory_space<vmem>> -> memref<128x128xf32, #tpu.memory_space<vmem>>
      %dma_wait3A_792 = arith.constant 0 : i32
      %dma_wait3A_793 = tpu.memref_slice %arg12[%dma_wait3A_792] : memref<6144xi32, #tpu.memory_space<vmem>> -> memref<128xi32, #tpu.memory_space<vmem>>
      %dma_wait3A_794 = arith.constant 0 : i32
      %dma_wait3A_795 = arith.constant 0 : i32
      %dma_wait3A_796 = tpu.memref_slice %arg8[%dma_wait3A_794, %dma_wait3A_795] : memref<1025x128xf32, #tpu.memory_space<vmem_shared>> -> memref<1025x128xf32, #tpu.memory_space<vmem_shared>>
      tpu.wait_indirect_dma semaphore(%arg14 : memref<!tpu.dma_semaphore, #tpu.memory_space<semaphore_mem>>) src(%dma_wait3A_796 : memref<1025x128xf32, #tpu.memory_space<vmem_shared>>) dst(%dma_wait3A_791 : memref<128x128xf32, #tpu.memory_space<vmem>>)
      %add3A_797 = arith.constant 1 : i32
      %add3A_798 = arith.addi %add3A_702, %add3A_797 : i32
      %lt3A_799 = arith.constant 8 : i32
      %lt3A_800 = arith.cmpi slt, %add3A_798, %lt3A_799 : i32
      %convert_element_type3A_801 = arith.extui %lt3A_800 : i1 to i32
      %cond3A_802 = arith.constant 0 : i32
      %cond3A_803 = arith.cmpi ne, %convert_element_type3A_801, %cond3A_802 : i32
      scf.if %cond3A_803 {
        %mul3A_829 = arith.constant 128 : i32
        %mul3A_830 = arith.muli %add3A_798, %mul3A_829 : i32
        %add3A_831 = arith.constant 1024 : i32
        %add3A_832 = arith.addi %add3A_831, %mul3A_830 : i32
        %dma_start3A_833 = arith.constant 1 : i32
        %dma_start3A_834 = arith.constant 0 : i32
        %dma_start3A_835 = arith.constant 0 : i32
        %dma_start3A_836 = tpu.memref_slice %arg13[%dma_start3A_833, %dma_start3A_834, %dma_start3A_835] : memref<4x128x128xf32, #tpu.memory_space<vmem>> -> memref<1x128x128xf32, #tpu.memory_space<vmem>>
        %dma_start3A_837 = tpu.memref_squeeze %dma_start3A_836 : memref<1x128x128xf32, #tpu.memory_space<vmem>> -> memref<128x128xf32, #tpu.memory_space<vmem>>
        %dma_start3A_838 = tpu.memref_slice %arg12[%add3A_832] : memref<6144xi32, #tpu.memory_space<vmem>> -> memref<128xi32, #tpu.memory_space<vmem>>
        %dma_start3A_839 = arith.constant 0 : i32
        %dma_start3A_840 = arith.constant 0 : i32
        %dma_start3A_841 = tpu.memref_slice %arg9[%dma_start3A_839, %dma_start3A_840] : memref<1025x128xf32, #tpu.memory_space<vmem_shared>> -> memref<1025x128xf32, #tpu.memory_space<vmem_shared>>
        tpu.enqueue_indirect_dma source(%dma_start3A_841 : memref<1025x128xf32, #tpu.memory_space<vmem_shared>>) target(%dma_start3A_837 : memref<128x128xf32, #tpu.memory_space<vmem>>) offsets(%dma_start3A_838 : memref<128xi32, #tpu.memory_space<vmem>>) semaphore(%arg14 : memref<!tpu.dma_semaphore, #tpu.memory_space<semaphore_mem>>)
      } else {
      }
      %mul3A_804 = arith.constant 128 : i32
      %mul3A_805 = arith.muli %add3A_702, %mul3A_804 : i32
      %add3A_806 = arith.addi %mul3A_32, %mul3A_805 : i32
      %run_scoped3A_807 = arith.constant 2 : i32
      "tpu.region"() ({
        %run_scoped3A_829 = tpu.sem_alloc : memref<!tpu.dma_semaphore, #tpu.memory_space<semaphore_mem>>
        %dma_start3A_830 = arith.constant 0 : i32
        %dma_start3A_831 = arith.constant 0 : i32
        %dma_start3A_832 = tpu.memref_slice %arg13[%run_scoped3A_807, %dma_start3A_830, %dma_start3A_831] : memref<4x128x128xf32, #tpu.memory_space<vmem>> -> memref<1x128x128xf32, #tpu.memory_space<vmem>>
        %dma_start3A_833 = tpu.memref_squeeze %dma_start3A_832 : memref<1x128x128xf32, #tpu.memory_space<vmem>> -> memref<128x128xf32, #tpu.memory_space<vmem>>
        %dma_start3A_834 = arith.constant 512 : i32
        %dma_start3A_835 = tpu.memref_slice %arg7[%select_n3A, %add3A_806, %dma_start3A_834] : memref<4x8192x768xf32, #tpu.memory_space<hbm>> -> memref<1x128x128xf32, #tpu.memory_space<hbm>>
        %dma_start3A_836 = tpu.memref_squeeze %dma_start3A_835 : memref<1x128x128xf32, #tpu.memory_space<hbm>> -> memref<128x128xf32, #tpu.memory_space<hbm>>
        %dma_start3A_837 = arith.constant 512 : i32
        %dma_start3A_838 = tpu.memref_slice %arg7[%select_n3A, %add3A_806, %dma_start3A_837] : memref<4x8192x768xf32, #tpu.memory_space<hbm>> -> memref<1x128x128xf32, #tpu.memory_space<hbm>>
        %dma_start3A_839 = tpu.memref_squeeze %dma_start3A_838 : memref<1x128x128xf32, #tpu.memory_space<hbm>> -> memref<128x128xf32, #tpu.memory_space<hbm>>
        %dma_start3A_840 = arith.constant 0 : i32
        %dma_start3A_841 = arith.constant 0 : i32
        %dma_start3A_842 = tpu.memref_slice %arg13[%run_scoped3A_807, %dma_start3A_840, %dma_start3A_841] : memref<4x128x128xf32, #tpu.memory_space<vmem>> -> memref<1x128x128xf32, #tpu.memory_space<vmem>>
        %dma_start3A_843 = tpu.memref_squeeze %dma_start3A_842 : memref<1x128x128xf32, #tpu.memory_space<vmem>> -> memref<128x128xf32, #tpu.memory_space<vmem>>
        tpu.enqueue_dma source(%dma_start3A_843 : memref<128x128xf32, #tpu.memory_space<vmem>>) target(%dma_start3A_839 : memref<128x128xf32, #tpu.memory_space<hbm>>) target_semaphore(%run_scoped3A_829 : memref<!tpu.dma_semaphore, #tpu.memory_space<semaphore_mem>>)
        %dma_wait3A_844 = arith.constant 0 : i32
        %dma_wait3A_845 = arith.constant 0 : i32
        %dma_wait3A_846 = tpu.memref_slice %arg13[%run_scoped3A_807, %dma_wait3A_844, %dma_wait3A_845] : memref<4x128x128xf32, #tpu.memory_space<vmem>> -> memref<1x128x128xf32, #tpu.memory_space<vmem>>
        %dma_wait3A_847 = tpu.memref_squeeze %dma_wait3A_846 : memref<1x128x128xf32, #tpu.memory_space<vmem>> -> memref<128x128xf32, #tpu.memory_space<vmem>>
        %dma_wait3A_848 = arith.constant 512 : i32
        %dma_wait3A_849 = tpu.memref_slice %arg7[%select_n3A, %add3A_806, %dma_wait3A_848] : memref<4x8192x768xf32, #tpu.memory_space<hbm>> -> memref<1x128x128xf32, #tpu.memory_space<hbm>>
        %dma_wait3A_850 = tpu.memref_squeeze %dma_wait3A_849 : memref<1x128x128xf32, #tpu.memory_space<hbm>> -> memref<128x128xf32, #tpu.memory_space<hbm>>
        %dma_wait3A_851 = arith.constant 512 : i32
        %dma_wait3A_852 = tpu.memref_slice %arg7[%select_n3A, %add3A_806, %dma_wait3A_851] : memref<4x8192x768xf32, #tpu.memory_space<hbm>> -> memref<1x128x128xf32, #tpu.memory_space<hbm>>
        %dma_wait3A_853 = tpu.memref_squeeze %dma_wait3A_852 : memref<1x128x128xf32, #tpu.memory_space<hbm>> -> memref<128x128xf32, #tpu.memory_space<hbm>>
        %dma_wait3A_854 = arith.constant 0 : i32
        %dma_wait3A_855 = arith.constant 0 : i32
        %dma_wait3A_856 = tpu.memref_slice %arg13[%run_scoped3A_807, %dma_wait3A_854, %dma_wait3A_855] : memref<4x128x128xf32, #tpu.memory_space<vmem>> -> memref<1x128x128xf32, #tpu.memory_space<vmem>>
        %dma_wait3A_857 = tpu.memref_squeeze %dma_wait3A_856 : memref<1x128x128xf32, #tpu.memory_space<vmem>> -> memref<128x128xf32, #tpu.memory_space<vmem>>
        tpu.wait_dma2 semaphore(%run_scoped3A_829 : memref<!tpu.dma_semaphore, #tpu.memory_space<semaphore_mem>>) src(%dma_wait3A_857 : memref<128x128xf32, #tpu.memory_space<vmem>>) dst(%dma_wait3A_853 : memref<128x128xf32, #tpu.memory_space<hbm>>)
        tpu.yield
      }) : () -> ()
      %dma_wait3A_808 = arith.constant 3 : i32
      %dma_wait3A_809 = arith.constant 0 : i32
      %dma_wait3A_810 = arith.constant 0 : i32
      %dma_wait3A_811 = tpu.memref_slice %arg13[%dma_wait3A_808, %dma_wait3A_809, %dma_wait3A_810] : memref<4x128x128xf32, #tpu.memory_space<vmem>> -> memref<1x128x128xf32, #tpu.memory_space<vmem>>
      %dma_wait3A_812 = tpu.memref_squeeze %dma_wait3A_811 : memref<1x128x128xf32, #tpu.memory_space<vmem>> -> memref<128x128xf32, #tpu.memory_space<vmem>>
      %dma_wait3A_813 = arith.constant 0 : i32
      %dma_wait3A_814 = tpu.memref_slice %arg12[%dma_wait3A_813] : memref<6144xi32, #tpu.memory_space<vmem>> -> memref<128xi32, #tpu.memory_space<vmem>>
      %dma_wait3A_815 = arith.constant 0 : i32
      %dma_wait3A_816 = arith.constant 0 : i32
      %dma_wait3A_817 = tpu.memref_slice %arg8[%dma_wait3A_815, %dma_wait3A_816] : memref<1025x128xf32, #tpu.memory_space<vmem_shared>> -> memref<1025x128xf32, #tpu.memory_space<vmem_shared>>
      tpu.wait_indirect_dma semaphore(%arg14 : memref<!tpu.dma_semaphore, #tpu.memory_space<semaphore_mem>>) src(%dma_wait3A_817 : memref<1025x128xf32, #tpu.memory_space<vmem_shared>>) dst(%dma_wait3A_812 : memref<128x128xf32, #tpu.memory_space<vmem>>)
      %add3A_818 = arith.constant 1 : i32
      %add3A_819 = arith.addi %add3A_702, %add3A_818 : i32
      %lt3A_820 = arith.constant 8 : i32
      %lt3A_821 = arith.cmpi slt, %add3A_819, %lt3A_820 : i32
      %convert_element_type3A_822 = arith.extui %lt3A_821 : i1 to i32
      %cond3A_823 = arith.constant 0 : i32
      %cond3A_824 = arith.cmpi ne, %convert_element_type3A_822, %cond3A_823 : i32
      scf.if %cond3A_824 {
        %mul3A_829 = arith.constant 128 : i32
        %mul3A_830 = arith.muli %add3A_819, %mul3A_829 : i32
        %add3A_831 = arith.constant 2048 : i32
        %add3A_832 = arith.addi %add3A_831, %mul3A_830 : i32
        %dma_start3A_833 = arith.constant 2 : i32
        %dma_start3A_834 = arith.constant 0 : i32
        %dma_start3A_835 = arith.constant 0 : i32
        %dma_start3A_836 = tpu.memref_slice %arg13[%dma_start3A_833, %dma_start3A_834, %dma_start3A_835] : memref<4x128x128xf32, #tpu.memory_space<vmem>> -> memref<1x128x128xf32, #tpu.memory_space<vmem>>
        %dma_start3A_837 = tpu.memref_squeeze %dma_start3A_836 : memref<1x128x128xf32, #tpu.memory_space<vmem>> -> memref<128x128xf32, #tpu.memory_space<vmem>>
        %dma_start3A_838 = tpu.memref_slice %arg12[%add3A_832] : memref<6144xi32, #tpu.memory_space<vmem>> -> memref<128xi32, #tpu.memory_space<vmem>>
        %dma_start3A_839 = arith.constant 0 : i32
        %dma_start3A_840 = arith.constant 0 : i32
        %dma_start3A_841 = tpu.memref_slice %arg8[%dma_start3A_839, %dma_start3A_840] : memref<1025x128xf32, #tpu.memory_space<vmem_shared>> -> memref<1025x128xf32, #tpu.memory_space<vmem_shared>>
        tpu.enqueue_indirect_dma source(%dma_start3A_841 : memref<1025x128xf32, #tpu.memory_space<vmem_shared>>) target(%dma_start3A_837 : memref<128x128xf32, #tpu.memory_space<vmem>>) offsets(%dma_start3A_838 : memref<128xi32, #tpu.memory_space<vmem>>) semaphore(%arg14 : memref<!tpu.dma_semaphore, #tpu.memory_space<semaphore_mem>>)
      } else {
      }
      %mul3A_825 = arith.constant 128 : i32
      %mul3A_826 = arith.muli %add3A_702, %mul3A_825 : i32
      %add3A_827 = arith.addi %mul3A_32, %mul3A_826 : i32
      %run_scoped3A_828 = arith.constant 3 : i32
      "tpu.region"() ({
        %run_scoped3A_829 = tpu.sem_alloc : memref<!tpu.dma_semaphore, #tpu.memory_space<semaphore_mem>>
        %dma_start3A_830 = arith.constant 0 : i32
        %dma_start3A_831 = arith.constant 0 : i32
        %dma_start3A_832 = tpu.memref_slice %arg13[%run_scoped3A_828, %dma_start3A_830, %dma_start3A_831] : memref<4x128x128xf32, #tpu.memory_space<vmem>> -> memref<1x128x128xf32, #tpu.memory_space<vmem>>
        %dma_start3A_833 = tpu.memref_squeeze %dma_start3A_832 : memref<1x128x128xf32, #tpu.memory_space<vmem>> -> memref<128x128xf32, #tpu.memory_space<vmem>>
        %dma_start3A_834 = arith.constant 640 : i32
        %dma_start3A_835 = tpu.memref_slice %arg7[%select_n3A, %add3A_827, %dma_start3A_834] : memref<4x8192x768xf32, #tpu.memory_space<hbm>> -> memref<1x128x128xf32, #tpu.memory_space<hbm>>
        %dma_start3A_836 = tpu.memref_squeeze %dma_start3A_835 : memref<1x128x128xf32, #tpu.memory_space<hbm>> -> memref<128x128xf32, #tpu.memory_space<hbm>>
        %dma_start3A_837 = arith.constant 640 : i32
        %dma_start3A_838 = tpu.memref_slice %arg7[%select_n3A, %add3A_827, %dma_start3A_837] : memref<4x8192x768xf32, #tpu.memory_space<hbm>> -> memref<1x128x128xf32, #tpu.memory_space<hbm>>
        %dma_start3A_839 = tpu.memref_squeeze %dma_start3A_838 : memref<1x128x128xf32, #tpu.memory_space<hbm>> -> memref<128x128xf32, #tpu.memory_space<hbm>>
        %dma_start3A_840 = arith.constant 0 : i32
        %dma_start3A_841 = arith.constant 0 : i32
        %dma_start3A_842 = tpu.memref_slice %arg13[%run_scoped3A_828, %dma_start3A_840, %dma_start3A_841] : memref<4x128x128xf32, #tpu.memory_space<vmem>> -> memref<1x128x128xf32, #tpu.memory_space<vmem>>
        %dma_start3A_843 = tpu.memref_squeeze %dma_start3A_842 : memref<1x128x128xf32, #tpu.memory_space<vmem>> -> memref<128x128xf32, #tpu.memory_space<vmem>>
        tpu.enqueue_dma source(%dma_start3A_843 : memref<128x128xf32, #tpu.memory_space<vmem>>) target(%dma_start3A_839 : memref<128x128xf32, #tpu.memory_space<hbm>>) target_semaphore(%run_scoped3A_829 : memref<!tpu.dma_semaphore, #tpu.memory_space<semaphore_mem>>)
        %dma_wait3A_844 = arith.constant 0 : i32
        %dma_wait3A_845 = arith.constant 0 : i32
        %dma_wait3A_846 = tpu.memref_slice %arg13[%run_scoped3A_828, %dma_wait3A_844, %dma_wait3A_845] : memref<4x128x128xf32, #tpu.memory_space<vmem>> -> memref<1x128x128xf32, #tpu.memory_space<vmem>>
        %dma_wait3A_847 = tpu.memref_squeeze %dma_wait3A_846 : memref<1x128x128xf32, #tpu.memory_space<vmem>> -> memref<128x128xf32, #tpu.memory_space<vmem>>
        %dma_wait3A_848 = arith.constant 640 : i32
        %dma_wait3A_849 = tpu.memref_slice %arg7[%select_n3A, %add3A_827, %dma_wait3A_848] : memref<4x8192x768xf32, #tpu.memory_space<hbm>> -> memref<1x128x128xf32, #tpu.memory_space<hbm>>
        %dma_wait3A_850 = tpu.memref_squeeze %dma_wait3A_849 : memref<1x128x128xf32, #tpu.memory_space<hbm>> -> memref<128x128xf32, #tpu.memory_space<hbm>>
        %dma_wait3A_851 = arith.constant 640 : i32
        %dma_wait3A_852 = tpu.memref_slice %arg7[%select_n3A, %add3A_827, %dma_wait3A_851] : memref<4x8192x768xf32, #tpu.memory_space<hbm>> -> memref<1x128x128xf32, #tpu.memory_space<hbm>>
        %dma_wait3A_853 = tpu.memref_squeeze %dma_wait3A_852 : memref<1x128x128xf32, #tpu.memory_space<hbm>> -> memref<128x128xf32, #tpu.memory_space<hbm>>
        %dma_wait3A_854 = arith.constant 0 : i32
        %dma_wait3A_855 = arith.constant 0 : i32
        %dma_wait3A_856 = tpu.memref_slice %arg13[%run_scoped3A_828, %dma_wait3A_854, %dma_wait3A_855] : memref<4x128x128xf32, #tpu.memory_space<vmem>> -> memref<1x128x128xf32, #tpu.memory_space<vmem>>
        %dma_wait3A_857 = tpu.memref_squeeze %dma_wait3A_856 : memref<1x128x128xf32, #tpu.memory_space<vmem>> -> memref<128x128xf32, #tpu.memory_space<vmem>>
        tpu.wait_dma2 semaphore(%run_scoped3A_829 : memref<!tpu.dma_semaphore, #tpu.memory_space<semaphore_mem>>) src(%dma_wait3A_857 : memref<128x128xf32, #tpu.memory_space<vmem>>) dst(%dma_wait3A_853 : memref<128x128xf32, #tpu.memory_space<hbm>>)
        tpu.yield
      }) : () -> ()
    }
    %scan3A_314 = arith.constant 2 : i32
    return
  }
}

</mosaic_0001>

<sc_bundles>
// kernel: _sc_embed.3.cloned.1.call-start
scs
__scs_entry_jumppad:
0x0: {  	(pc) =	sbr.rel $0x88, $3  }
0x1: {  	(tag) =	ssettag $0x0;
	lr =	simm.s32 $0x1  }
0x2: {  	[smem:$0x3F9C] =	sst lr;
	_ =	strace $0xD0000000  }
0x3: {  	_ = 	snop  }
0x4: {  	_ = 	snop  }
0x5: {  	_ = 	snop  }
0x6: {  	_ = 	snop  }
0x7: {  	_ = 	snop  }
__scs_overlays_trampoline_lowered:
0x8: {  	[smem:$0x3FAB] =	sst s0  }
0x9: {  	[smem:$0x3FAC] =	sst s1  }
0xa: {  	[smem:$0x3FAD] =	sst s2  }
0xb: {  	[smem:$0x3FAE] =	sst s3  }
0xc: {  	[smem:$0x3FAF] =	sst s4  }
0xd: {  	[smem:$0x3FB0] =	sst s5  }
0xe: {  	[smem:$0x3FB1] =	sst s6  }
0xf: {  	[smem:$0x3FB2] =	sst s7  }
0x10: {  	[smem:$0x3FB3] =	sst s8  }
0x11: {  	[smem:$0x3FB4] =	sst s9;
	s0 =	simm.s32 @!p0 $0x0  }
0x12: {  	s1 =	sld [smem:$0x3F9A];
	s0 =	simm.s32 @p0 $0x1  }
0x13: {  	[smem:$0x3FB5] =	sst s0;
	s0 =	simm.s32 @!p1 $0x0  }
0x14: {  	s2 =	sld [smem:$0x3F99];
	s0 =	simm.s32 @p1 $0x1  }
0x15: {  	[smem:$0x3FB6] =	sst s0;
	s0 =	simm.s32 @!p2 $0x0  }
0x16: {  	s3 =	sld [smem:$0x3FDB];
	s0 =	simm.s32 @p2 $0x1  }
0x17: {  	s4 =	simm.s32 $0x1BF5;
	[smem:$0x3FB8] =	sst s0  }
0x18: {  	s0 =	sld [smem:$0x3F9B];
	_ =	swait.ge [sflag:s4], $0x0  }
0x19: {  	s7 =	sld [smem:$0x3F9C]  }
0x1a: {  	s8 =	sadd.s32 $0xFFFFE003, lr  }
0x1b: {  	s9 =	sadd.s32 $0xFFFFFEF7, lr;
	s5 =	simm.s32 $0xFFFFFFFF;
	p2 =	slt.u32 s8, $0xFFFFF086  }
0x1c: {  	p1 =	slt.u32 s9, $0xF7A;
	s5 =	simm.s32 @!p2 $0x0  }
0x1d: {  	s5 =	simm.s32 @p1 $0x1;
	p0 =	seq.s32 s7, s2  }
0x1e: {  	s7 =	smul.u32 @!p0 $0xF7A, s2;
	p2 =	seq.s32 @!p0 s5, $0x0  }
0x1f: {  	s9 =	smul.u32 $0xF7A, s1;
	s8 =	simm.s32 @!p0 $0x1BF5;
	p2 =	por !p2, p0  }
0x20: {  	[sflag:s8] =	ssyncset.s32 @!p0 $0xFFFFF086;
	s6 =	sadd.s32 @!p0 s3, s7;
	s7 =	simm.s32 @!p0 $0x108  }
0x21: {  	s3 =	sadd.s32 s3, s9;
	s6 =	sadd.s32 @!p0 $0x88, s6;
	s7 =	simm.s32 @p2 $0x1082  }
0x22: {  	[simem:s7], [sflag:s8] =	dma.local @!p0 [hbm:s6], $0xF7A  }
0x23: {  	s9 =	sor.u32 $0xD0000000, s2;
	s6 =	simm.s32 $0x108;
	_ =	swait.ge @!p0 [sflag:s8], $0x0  }
0x24: {  	s3 =	sadd.s32 $0x88, s3;
	s6 =	simm.s32 @!p1 $0x1082;
	[sflag:s4] =	ssyncset.s32 $0xFFFFF086  }
0x25: {  	[simem:s6], [sflag:s4] =	dma.local [hbm:s3], $0xF7A  }
0x26: {  	[smem:$0x3F9C] =	sst s1;
	(tag) =	ssettag s2;
	_ =	strace s9  }
0x27: {  	s1 =	sld [smem:$0x3FAC]  }
0x28: {  	s2 =	sld [smem:$0x3FAD]  }
0x29: {  	s4 =	sld [smem:$0x3FAF]  }
0x2a: {  	p0 =	seq.s32 s5, $0x0;
	s5 =	sld [smem:$0x3FB0]  }
0x2b: {  	s6 =	sld [smem:$0x3FB1]  }
0x2c: {  	s7 =	sld [smem:$0x3FB2]  }
0x2d: {  	s3 =	simm.s32 $0x108;
	s8 =	sld [smem:$0x3FB3]  }
0x2e: {  	s3 =	simm.s32 @!p0 $0x1082;
	s9 =	sld [smem:$0x3FB4]  }
0x2f: {  	lr =	sadd.s32 s0, s3;
	s0 =	sld [smem:$0x3FAB]  }
0x30: {  	s3 =	sld [smem:$0x3FAE]  }
0x31: {  	[smem:$0x3FB7] =	sst s10  }
0x32: {  	s10 =	sld [smem:$0x3FB5];
	_ =	sdelay $0x3  }
0x33: {  	p0 =	seq.s32 s10, $0x1;
	s10 =	sld [smem:$0x3FB7];
	_ =	sdelay $0x3  }
0x34: {  	[smem:$0x3FB7] =	sst s10  }
0x35: {  	s10 =	sld [smem:$0x3FB6];
	_ =	sdelay $0x3  }
0x36: {  	p1 =	seq.s32 s10, $0x1;
	s10 =	sld [smem:$0x3FB7];
	_ =	sdelay $0x3  }
0x37: {  	[smem:$0x3FB7] =	sst s10  }
0x38: {  	s10 =	sld [smem:$0x3FB8]  }
0x39: {  	_ = 	snop;
	(pc) =	sbr.ind lr, $3  }
0x3a: {  	_ = 	snop  }
0x3b: {  	_ = 	snop  }
0x3c: {  	p2 =	seq.s32 s10, $0x1;
	s10 =	sld [smem:$0x3FB7]  }
0x3d: {  	_ =	shalt  }
0x3e: {  	_ =	shalt  }
0x3f: {  	_ =	shalt  }
0x40: {  	_ =	shalt  }
0x41: {  	_ =	shalt  }
0x42: {  	_ =	shalt  }
0x43: {  	_ =	shalt  }
0x44: {  	_ =	shalt  }
0x45: {  	_ =	shalt  }
0x46: {  	_ =	shalt  }
0x47: {  	_ =	shalt  }
0x48: {  	_ =	shalt  }
0x49: {  	_ =	shalt  }
0x4a: {  	_ =	shalt  }
0x4b: {  	_ =	shalt  }
0x4c: {  	_ =	shalt  }
0x4d: {  	_ =	shalt  }
0x4e: {  	_ =	shalt  }
0x4f: {  	_ =	shalt  }
0x50: {  	_ =	shalt  }
0x51: {  	_ =	shalt  }
0x52: {  	_ =	shalt  }
0x53: {  	_ =	shalt  }
0x54: {  	_ =	shalt  }
0x55: {  	_ =	shalt  }
0x56: {  	_ =	shalt  }
0x57: {  	_ =	shalt  }
0x58: {  	_ =	shalt  }
0x59: {  	_ =	shalt  }
0x5a: {  	_ =	shalt  }
0x5b: {  	_ =	shalt  }
0x5c: {  	_ =	shalt  }
0x5d: {  	_ =	shalt  }
0x5e: {  	_ =	shalt  }
0x5f: {  	_ =	shalt  }
0x60: {  	_ =	shalt  }
0x61: {  	_ =	shalt  }
0x62: {  	_ =	shalt  }
0x63: {  	_ =	shalt  }
0x64: {  	_ =	shalt  }
0x65: {  	_ =	shalt  }
0x66: {  	_ =	shalt  }
0x67: {  	_ =	shalt  }
0x68: {  	_ =	shalt  }
0x69: {  	_ =	shalt  }
0x6a: {  	_ =	shalt  }
0x6b: {  	_ =	shalt  }
0x6c: {  	_ =	shalt  }
0x6d: {  	_ =	shalt  }
0x6e: {  	_ =	shalt  }
0x6f: {  	_ =	shalt  }
0x70: {  	_ =	shalt  }
0x71: {  	_ =	shalt  }
0x72: {  	_ =	shalt  }
0x73: {  	_ =	shalt  }
0x74: {  	_ =	shalt  }
0x75: {  	_ =	shalt  }
0x76: {  	_ =	shalt  }
0x77: {  	_ =	shalt  }
0x78: {  	_ =	shalt  }
0x79: {  	_ =	shalt  }
0x7a: {  	_ =	shalt  }
0x7b: {  	_ =	shalt  }
0x7c: {  	_ =	shalt  }
0x7d: {  	_ =	shalt  }
0x7e: {  	_ =	shalt  }
0x7f: {  	_ =	shalt  }
0x80: {  	_ =	shalt  }
0x81: {  	_ =	shalt  }
0x82: {  	_ =	shalt  }
0x83: {  	_ =	shalt  }
0x84: {  	_ =	shalt  }
0x85: {  	_ =	shalt  }
0x86: {  	_ =	shalt  }
0x87: {  	_ =	shalt  }
.Lfunc_end0:
.L_simem_size_0:
called_computation_lowered:
.L_overlay_start_0:
0x88: {  	s2 =	sld [smem:$0x3FD9]  }
0x89: {  	s3 =	sld [smem:$0x3FFE];
	_ =	sdelay $0x1  }
0x8a: {  	s1 =	srdreg.scid  }
0x8b: {  	s0 =	sand.u32 $0x1, s1  }
0x8c: {  	s18 =	sshll.u32 s0, $0xA;
	s2 =	sadd.s32 s3, s2  }
0x8d: {  	s2 =	sadd.s32 s2, s18  }
0x8e: {  	[smem:$0x3FC3] =	sst s2  }
0x8f: {  	_ = 	snop  }
0x90: {  	s2 =	sld [smem:$0x3FC9]  }
0x91: {  	s19 =	sld [smem:$0x3FC8]  }
0x92: {  	s4 =	sld [smem:$0x3FC7]  }
0x93: {  	s5 =	sld [smem:$0x3FC6]  }
0x94: {  	s6 =	sld [smem:$0x3FC5]  }
0x95: {  	s7 =	sld [smem:$0x3FD0];
	(tm) =	ssettm $0x1  }
0x96: {  	s8 =	sld [smem:$0x3FFB];
	_ =	sdelay $0x3  }
0x97: {  	_ =	strace s8  }
0x98: {  	s8 =	sld [smem:$0x3FFC];
	_ =	sdelay $0x3  }
0x99: {  	_ =	strace s8  }
0x9a: {  	s8 =	sld [smem:$0x3FFD];
	_ =	sdelay $0x3  }
0x9b: {  	_ =	strace s8  }
0x9c: {  	_ =	strace $0x8FFFFFFF  }
0x9d: {  	s20 =	sld [smem:$0x3FDB];
	_ =	sdelay $0x1  }
0x9e: {  	s9 =	simm.s32 $_scs_section_size  }
0x9f: {  	s10 =	simm.s32 $_size__tile_overlayer_lowered;
	s11 =	simm.s32 $_tile_overlayer_lowered  }
0xa0: {  	s23 =	simm.s32 $0x1BFF;
	s22 =	sshll.u32 s11, $0x1;
	s8 =	sadd.s32 s9, s20  }
0xa1: {  	s12 =	simm.s32 $0x0;
	s21 =	sshll.u32 s10, $0x1;
	s10 =	sadd.s32 s22, s8  }
0xa2: {  	[timem:s12], [sflag:s23] =	dma.local [hbm:s10], s21  }
0xa3: {  	_ =	swait.ge [sflag:s23], s21  }
0xa4: {  	s9 =	ssub.s32 $0x0, s21;
	[sflag:s23] =	ssyncset.done $0x0  }
0xa5: {  	[sflag:s23] =	ssyncadd.s32 s9;
	_ =	sdelay $0x1  }
0xa6: {  	s24 =	simm.s32 $0x1B8B  }
0xa7: {  	_ =	swait.ge [sflag:s24], $0x1  }
0xa8: {  	[sflag:s24] =	ssyncset.done $0x0  }
0xa9: {  	s25 =	simm.s32 $0x1B8E;
	[sflag:s24] =	ssyncadd.s32 $0xFFFFFFFF  }
0xaa: {  	s26 =	simm.s32 $execute0_lowered;
	[smem:$0x3FD2] =	sst s25  }
0xab: {  	s9 =	sshll.u32 s26, $0x1;
	_ =	strace $0x80000046;
	[dreg:$0x1] =	wrdreg $0xFFFFFFFF  }
0xac: {  	s28 =	simm.s32 $_size_execute0_lowered;
	s8 =	sadd.s32 s8, s9;
	[dreg:$0x0] =	wrdreg $0x0  }
0xad: {  	s9 =	sshll.u32 s28, $0x1;
	[dreg:$0x2] =	wrdreg s8  }
0xae: {  	[dreg:$0x3] =	wrdreg s9  }
0xaf: {  	[dreg:$0x4] =	wrdreg $0xC0  }
0xb0: {  	_ =	task [dreg:s12], $0x5FFFF  }
0xb1: {  	[dreg:$0x1] =	wrdreg $0xFFFFFFFF  }
0xb2: {  	[dreg:$0x0] =	wrdreg $0x60  }
0xb3: {  	[dreg:$0x2] =	wrdreg s2  }
0xb4: {  	[dreg:$0x3] =	wrdreg s19  }
0xb5: {  	[dreg:$0x4] =	wrdreg s4  }
0xb6: {  	[dreg:$0x5] =	wrdreg s5  }
0xb7: {  	[dreg:$0x6] =	wrdreg s6  }
0xb8: {  	[dreg:$0x7] =	wrdreg s7  }
0xb9: {  	[dreg:$0x8] =	wrdreg $0x0  }
0xba: {  	[dreg:$0x9] =	wrdreg $0x20080  }
0xbb: {  	[dreg:$0xa] =	wrdreg $0x40100  }
0xbc: {  	[dreg:$0xb] =	wrdreg $0x60180  }
0xbd: {  	[dreg:$0xc] =	wrdreg $0x9  }
0xbe: {  	_ =	task.clear_ibuf [dreg:s12], $0xDFFFF;
	_ =	strace $0x90000046  }
0xbf: {  	s29 =	simm.s32 $0x9;
	_ =	strace $0x80000048  }
0xc0: {  	_ =	swait.ge [sflag:s29], $0x1  }
0xc1: {  	[sflag:s29] =	ssyncadd.s32 $0xFFFFFFFF  }
0xc2: {  	_ =	strace $0x90000048  }
0xc3: {  	_ =	sfence  }
0xc4: {  	s30 =	sld [smem:$0x0];
	_ =	sdelay $0x2  }
0xc5: {  	s31 =	sshll.u32 s1, $0xD;
	s1 =	sshrl.u32 s1, $0x2  }
0xc6: {  	s3 =	sand.u32 $0x4000, s31;
	s1 =	sadd.s32 s1, s30  }
0xc7: {  	s0 =	sor.u32 s3, s0;
	s1 =	sshll.u32 s1, $0x11  }
0xc8: {  	s0 =	sor.u32 s1, s0  }
0xc9: {  	s0 =	sadd.s32 $0x8F2B, s0  }
0xca: {  	[sflag:s0] =	ssyncadd.remote.s32 $0x1  }
0xcb: {  	_ =	sfence.sel $0xFFFF  }
0xcc: {  	[dreg:$0x0] =	wrdreg $0xFFFFFFFF;
	(pc) =	sbr.abs _section_cstart, $3  }
0xcd: {  	[dreg:$0x1] =	wrdreg $0xFFFFFFFF  }
0xce: {  	_ =	task.clear_ibuf [dreg:s12], $0x2FFFF;
	_ =	strace $0x9FFFFFFF  }
0xcf: {  	(tm) =	ssettm $0x7FFFFFFF  }
tec
execute0_lowered:
.L_overlay_start_1:
0x0: {  	(tag) =	ssettag $0x1  }
0x1: {  	s0 =	stileid.u32  }
0x2: {  	s12 =	sshrl.u32 s0, $0x2  }
0x3: {  	p4 =	sgt.s32 s12, $0x1  }
0x4: {  	p2 =	seq.s32 @p4 s12, $0x2  }
0x5: {  	s14 =	sand.u32 $0x3, s0;
	p0 =	por !p2, !p4  }
0x6: {  	p3 =	sne.s32 @!p0 s14, $0x3  }
0x7: {  	s5 =	rddreg [dreg:$0x0];
	p1 =	por p2, !p4;
	p3 =	por @p4 p3, !p2  }
0x8: {  	s9 =	rddreg [dreg:$0x1];
	p5 =	sne.s32 @!p1 s14, $0x3;
	s2 =	simm.s32 @!p3 $0x0  }
0x9: {  	s10 =	rddreg [dreg:$0x2];
	p2 =	por @p4 p5, p2;
	s2 =	simm.s32 @p3 $0x1  }
0xa: {  	p6 =	seq.s32 @!p4 s12, $0x0;
	[smem:$0x7F7] =	sst s2;
	s2 =	simm.s32 @!p2 $0x0  }
0xb: {  	s11 =	rddreg [dreg:$0x3];
	s2 =	simm.s32 @p2 $0x1;
	p2 =	por !p6, p4  }
0xc: {  	s13 =	rddreg [dreg:$0x4];
	p5 =	sne.s32 @!p2 s14, $0x3  }
0xd: {  	s6 =	sld [smem:$0x7F7];
	p5 =	por @!p4 p5, !p6  }
0xe: {  	s1 =	rddreg [dreg:$0x5];
	p3 =	por p6, p4;
	s4 =	simm.s32 @!p5 $0x0  }
0xf: {  	[smem:$0x7F8] =	sst s2;
	s4 =	simm.s32 @p5 $0x1;
	p5 =	sne.s32 @!p3 s14, $0x3  }
0x10: {  	s15 =	sld [smem:$0x7F8];
	p5 =	por @!p4 p5, p6;
	p6 =	seq.s32 s6, $0x1  }
0x11: {  	s3 =	rddreg [dreg:$0x7];
	s7 =	srdreg.scid;
	p6 =	por p6, !p4  }
0x12: {  	s28 =	simm.s32 $0x1800;
	[smem:$0x7F9] =	sst s4;
	s6 =	simm.s32 @!p6 $0x0  }
0x13: {  	s16 =	sld [smem:$0x7F9];
	s6 =	simm.s32 @p6 $0x1;
	p6 =	seq.s32 s15, $0x1  }
0x14: {  	s29 =	simm.s32 $0x2;
	s8 =	sand.u32 $0x1, s7;
	p6 =	por p6, !p4  }
0x15: {  	s7 =	simm.s32 $0x0;
	[smem:$0x7FA] =	sst s6;
	s6 =	simm.s32 @!p6 $0x0  }
0x16: {  	[smem:$0x7FF] =	sst s7;
	s6 =	simm.s32 @p6 $0x1;
	p6 =	seq.s32 s16, $0x1  }
0x17: {  	s30 =	simm.s32 $0x8A20;
	s2 =	rddreg [dreg:$0x6];
	p6 =	por p6, p4  }
0x18: {  	s31 =	simm.s32 $0x0;
	[smem:$0x7FB] =	sst s6;
	s6 =	simm.s32 @!p6 $0x0  }
0x19: {  	s17 =	sshll.u32 s0, $0x1;
	s4 =	rddreg [dreg:$0x8];
	s6 =	simm.s32 @p6 $0x1  }
0x1a: {  	s17 =	sor.u32 s8, s17;
	s23 =	sshll.u32 s14, $0xC;
	[smem:$0x7FC] =	sst s6  }
0x1b: {  	s18 =	sshll.u32 s14, $0xF;
	s20 =	sadd.s32 s13, s23;
	s6 =	rddreg [dreg:$0x9]  }
0x1c: {  	s13 =	sadd.s32 $0x4000, s13;
	_ =	strace $0x80000047;
	[dreg:$0xb] =	wrdreg s20  }
0x1d: {  	s24 =	sadd.s32 s11, s23;
	s25 =	sshll.u32 s17, $0x7;
	[dreg:$0xc] =	wrdreg s13  }
0x1e: {  	s11 =	sadd.s32 $0x4000, s11;
	s26 =	sadd.s32 s10, s23;
	[dreg:$0xd] =	wrdreg s24  }
0x1f: {  	s10 =	sadd.s32 $0x4000, s10;
	s15 =	ssub.s32 $0x2, s8;
	[dreg:$0xe] =	wrdreg s11  }
0x20: {  	s16 =	sshrl.u32 s15, $0x1;
	p4 =	por p5, p4;
	[dreg:$0xf] =	wrdreg s26  }
0x21: {  	p5 =	sne.s32 s14, $0x3;
	s14 =	sadd.s32 s9, s23;
	[dreg:$0x10] =	wrdreg s10  }
0x22: {  	s15 =	ssub.s32 s15, s16;
	s9 =	sadd.s32 $0x4000, s9;
	[dreg:$0x11] =	wrdreg s14  }
0x23: {  	s21 =	sadd.s32 s18, s4;
	s16 =	smax.u32 s15, $0x1;
	[dreg:$0x12] =	wrdreg s9  }
0x24: {  	s8 =	sshll.u32 s17, $0xA;
	[dreg:$0x13] =	wrdreg s16;
	s9 =	sshrl.u32 @!p0 s21, $0x3  }
0x25: {  	s22 =	sadd.s32 $0x20000, s4;
	s8 =	sand.u32 $0x1C00, s8;
	[dreg:$0x14] =	wrdreg s9  }
0x26: {  	s13 =	sadd.s32 s5, s25;
	s5 =	sadd.s32 s18, s3;
	s17 =	sld [smem:$0x7FA]  }
0x27: {  	s15 =	sadd.s32 $0x280, s1;
	s21 =	sld [smem:$0x7FC];
	s5 =	sshrl.u32 @!p3 s5, $0x3  }
0x28: {  	s19 =	sadd.s32 s18, s6;
	s23 =	sadd.s32 $0x2000, s13;
	[dreg:$0x1a] =	wrdreg s5  }
0x29: {  	s20 =	sadd.s32 $0x20000, s6;
	s24 =	sadd.s32 $0x3000, s13;
	[dreg:$0x1d] =	wrdreg s23  }
0x2a: {  	s10 =	sadd.s32 s18, s2;
	s25 =	sadd.s32 $0x4000, s13;
	[dreg:$0x1e] =	wrdreg s24  }
0x2b: {  	s26 =	sadd.s32 $0x5000, s13;
	[dreg:$0x1f] =	wrdreg s25;
	p6 =	seq.s32 s17, $0x1  }
0x2c: {  	s18 =	smul.u32 $0x600000, s12;
	[smem:$0x7FD] =	sst s26;
	s9 =	sshrl.u32 @!p6 s22, $0x3  }
0x2d: {  	s11 =	sadd.s32 $0x100, s1;
	s12 =	sadd.s32 $0x180, s1;
	[dreg:$0x15] =	wrdreg s9  }
0x2e: {  	s14 =	sadd.s32 $0x200, s1;
	s9 =	sshrl.u32 @!p1 s19, $0x3;
	s19 =	sld [smem:$0x7FB]  }
0x2f: {  	s23 =	simm.s32 $0xD820;
	s24 =	simm.s32 $0x11820;
	s22 =	sadd.s32 $0x1000, s13  }
0x30: {  	s25 =	simm.s32 $0x15820;
	s26 =	simm.s32 $0x400;
	[dreg:$0x1c] =	wrdreg s22  }
0x31: {  	s22 =	simm.s32 $0x9820;
	[dreg:$0x16] =	wrdreg s9;
	p6 =	seq.s32 s19, $0x1  }
.Ltmp0:
0x32: {  	s9 =	sshrl.u32 @!p6 s20, $0x3;
	p6 =	seq.s32 s21, $0x1;
	(pc) =	sbr.rel .LBB2_1-.Ltmp0, $4  }
0x33: {  	[dreg:$0x17] =	wrdreg s9;
	s9 =	sshrl.u32 @!p2 s10, $0x3;
	s10 =	sadd.s32 $0x20000, s2  }
0x34: {  	[dreg:$0x18] =	wrdreg s9;
	s9 =	sadd.s32 $0x20000, s3;
	s10 =	sshrl.u32 @!p6 s10, $0x3  }
0x35: {  	s20 =	simm.s32 $0x1;
	[dreg:$0x19] =	wrdreg s10;
	s5 =	sshrl.u32 @!p4 s9, $0x3  }
0x36: {  	s21 =	simm.s32 $0x80;
	s10 =	sadd.s32 $0x80, s1;
	[dreg:$0x1b] =	wrdreg s5  }
.LBB2_4:
0x37: {  	[hbm4b:s5+s26] =	stream.strided.scatter [tilespmem:s25], [sflag:$0x2], $0x4000, s28, s26, $0x38;
	[tilespmem:$0x19820] =	vst v63  }
0x38: {  	_ =	swait.ge [sflag:s29], $0x4000  }
0x39: {  	s31 =	sadd.s32 $0x1, s31;
	s19 =	rddreg [dreg:$0x13]  }
0x3a: {  	p6 =	sne.s32 s31, s19  }
.Ltmp1:
0x3b: {  	_ = 	snop;
	(pc) =	sbr.rel @!p6 .LBB2_5-.Ltmp1, $3  }
0x3c: {  	_ =	sdelay $0x1  }
0x3d: {  	[sflag:s29] =	ssyncset.done $0x0  }
0x3e: {  	[sflag:s29] =	ssyncadd.s32 $0xFFFFC000  }
.LBB2_1:
0x3f: {  	s5 =	sshll.u32 @!p0 s0, $0x6;
	s9 =	rddreg [dreg:$0xd]  }
0x40: {  	s16 =	rddreg [dreg:$0x14];
	s5 =	sor.u32 @!p0 $0x1C01, s5  }
0x41: {  	[spmem:s16], [sflag:s5] =	dma.local @!p0 [hbm:s9], $0x1000  }
0x42: {  	s9 =	sld [smem:$0x7FA];
	_ =	sdelay $0x1  }
0x43: {  	s16 =	rddreg [dreg:$0x15]  }
0x44: {  	p6 =	seq.s32 s9, $0x1;
	s9 =	rddreg [dreg:$0xe]  }
0x45: {  	[spmem:s16], [sflag:s5] =	dma.local @!p6 [hbm:s9], $0x10  }
0x46: {  	s5 =	sshll.u32 @!p1 s0, $0x6;
	s9 =	rddreg [dreg:$0xb]  }
0x47: {  	s5 =	sor.u32 @!p1 $0x1C01, s5;
	s16 =	rddreg [dreg:$0x16]  }
0x48: {  	[spmem:s16], [sflag:s5] =	dma.local @!p1 [hbm:s9], $0x1000  }
0x49: {  	s9 =	sld [smem:$0x7FB];
	_ =	sdelay $0x1  }
0x4a: {  	s16 =	rddreg [dreg:$0x17]  }
0x4b: {  	p6 =	seq.s32 s9, $0x1;
	s9 =	rddreg [dreg:$0xc]  }
0x4c: {  	[spmem:s16], [sflag:s5] =	dma.local @!p6 [hbm:s9], $0x10  }
0x4d: {  	s5 =	sshll.u32 @!p2 s0, $0x6;
	s9 =	rddreg [dreg:$0x11]  }
0x4e: {  	s5 =	sor.u32 @!p2 $0x1C01, s5;
	s16 =	rddreg [dreg:$0x18]  }
0x4f: {  	[spmem:s16], [sflag:s5] =	dma.local @!p2 [hbm:s9], $0x1000  }
0x50: {  	s9 =	sld [smem:$0x7FC];
	_ =	sdelay $0x1  }
0x51: {  	s16 =	rddreg [dreg:$0x19]  }
0x52: {  	p6 =	seq.s32 s9, $0x1;
	s9 =	rddreg [dreg:$0x12]  }
0x53: {  	[spmem:s16], [sflag:s5] =	dma.local @!p6 [hbm:s9], $0x10  }
0x54: {  	s5 =	sshll.u32 @!p3 s0, $0x6;
	s9 =	rddreg [dreg:$0xf]  }
0x55: {  	s5 =	sor.u32 @!p3 $0x1C01, s5;
	s16 =	rddreg [dreg:$0x1a]  }
0x56: {  	[spmem:s16], [sflag:s5] =	dma.local @!p3 [hbm:s9], $0x1000  }
0x57: {  	s9 =	rddreg [dreg:$0x10]  }
0x58: {  	s16 =	rddreg [dreg:$0x1b]  }
0x59: {  	[spmem:s16], [sflag:s5] =	dma.local @!p4 [hbm:s9], $0x10  }
0x5a: {  	s9 =	simm.s32 $0x8020  }
0x5b: {  	[tilespmem:s9], [sflag:$0x1] =	stream.linear.gather [hbm4b:s13+s7], $0x400, $0x38;
	[tilespmem:$0x19820] =	vst v63  }
0x5c: {  	s16 =	simm.s32 $0x8420;
	s5 =	rddreg [dreg:$0x1c]  }
0x5d: {  	[tilespmem:s16], [sflag:$0x1] =	stream.linear.gather [hbm4b:s5+s7], $0x400, $0x38;
	[tilespmem:$0x19820] =	vst v63  }
0x5e: {  	s17 =	simm.s32 $0x8820;
	s19 =	rddreg [dreg:$0x1d]  }
0x5f: {  	[tilespmem:s17], [sflag:$0x1] =	stream.linear.gather [hbm4b:s19+s7], $0x400, $0x38;
	[tilespmem:$0x19820] =	vst v63  }
0x60: {  	s5 =	rddreg [dreg:$0x1e];
	s19 =	simm.s32 $0x8C20  }
0x61: {  	[tilespmem:s19], [sflag:$0x1] =	stream.linear.gather [hbm4b:s5+s7], $0x400, $0x38;
	[tilespmem:$0x19820] =	vst v63  }
0x62: {  	s5 =	rddreg [dreg:$0x1f];
	s19 =	simm.s32 $0x9020  }
0x63: {  	[tilespmem:s19], [sflag:$0x1] =	stream.linear.gather [hbm4b:s5+s7], $0x400, $0x38;
	[tilespmem:$0x19820] =	vst v63  }
0x64: {  	s5 =	sld [smem:$0x7FD];
	_ =	sdelay $0x1  }
0x65: {  	s19 =	simm.s32 $0x9420  }
0x66: {  	[tilespmem:s19], [sflag:$0x1] =	stream.linear.gather [hbm4b:s5+s7], $0x400, $0x38;
	[tilespmem:$0x19820] =	vst v63  }
0x67: {  	_ =	swait.ge [sflag:s20], $0x1000  }
0x68: {  	[sflag:s20] =	ssyncset.done $0x0  }
0x69: {  	s5 =	simm.s32 @!p5 $0x1;
	[sflag:s20] =	ssyncadd.s32 $0xFFFFF000  }
0x6a: {  	_ =	swait.ge @!p5 [sflag:s5], $0x10  }
0x6b: {  	[sflag:s5] =	ssyncset.done @!p5 $0x0  }
0x6c: {  	[sflag:s5] =	ssyncadd.s32 @!p5 $0xFFFFFFF0  }
0x6d: {  	_ =	swait.ge [sflag:s20], $0x400  }
0x6e: {  	[sflag:s20] =	ssyncset.done $0x0  }
0x6f: {  	[sflag:s20] =	ssyncadd.s32 $0xFFFFFC00  }
0x70: {  	_ =	swait.ge [sflag:s20], $0x400  }
0x71: {  	[sflag:s20] =	ssyncset.done $0x0  }
0x72: {  	[sflag:s20] =	ssyncadd.s32 $0xFFFFFC00  }
0x73: {  	_ =	swait.ge [sflag:s20], $0x400  }
0x74: {  	[sflag:s20] =	ssyncset.done $0x0  }
0x75: {  	[sflag:s20] =	ssyncadd.s32 $0xFFFFFC00  }
0x76: {  	_ =	swait.ge [sflag:s20], $0x400  }
0x77: {  	[sflag:s20] =	ssyncset.done $0x0  }
0x78: {  	[sflag:s20] =	ssyncadd.s32 $0xFFFFFC00  }
0x79: {  	_ =	swait.ge [sflag:s20], $0x400  }
0x7a: {  	[sflag:s20] =	ssyncset.done $0x0  }
0x7b: {  	[sflag:s20] =	ssyncadd.s32 $0xFFFFFC00  }
0x7c: {  	_ =	swait.ge [sflag:s20], $0x400  }
0x7d: {  	[sflag:s20] =	ssyncset.done $0x0  }
0x7e: {  	[sflag:s20] =	ssyncadd.s32 $0xFFFFFC00  }
0x7f: {  	[bflag:$0x0] =	sbarrier.arrive $0xFFFF  }
0x80: {  	[tilespmem:s22], [sflag:$0x1] =	stream.indirect.gather [spmem:s2], $0x80, s9, s21, $0xb8;
	[tilespmem:$0x19820] =	vst v63  }
0x81: {  	_ = 	snop  }
0x82: {  	[tilespmem:s23], [sflag:$0x1] =	stream.indirect.gather [spmem:s3], $0x80, s16, s21, $0xb8;
	[tilespmem:$0x19820] =	vst v63  }
0x83: {  	p6 =	por $0x1, $0x1;
	s5 =	simm.s32 $0x0  }
0x84: {  	[tilespmem:s24], [sflag:$0x1] =	stream.indirect.gather [spmem:s2], $0x80, s17, s21, $0xb8;
	[tilespmem:$0x19820] =	vst v63  }
.LBB2_2:
0x85: {  	s5 =	sshll.u32 s5, $0x9  }
0x86: {  	_ =	swait.ge [sflag:s20], $0x4000;
	s16 =	sor.u32 s8, s5  }
0x87: {  	[sflag:s20] =	ssyncset.done $0x0;
	s9 =	sand.u32 $0x3FFFFE00, s5;
	s16 =	sshrl.u32 s16, $0x3  }
0x88: {  	[sflag:s20] =	ssyncadd.s32 $0xFFFFC000;
	s17 =	sadd.s32 $0x8C20, s9;
	s16 =	smul.u32 $0x1800, s16  }
0x89: {  	[tilespmem:s25], [sflag:$0x1] =	stream.indirect.gather [spmem:s3], $0x80, s17, s21, $0xb8;
	[tilespmem:$0x19820] =	vst v63  }
0x8a: {  	s16 =	sadd.s32 s18, s16  }
0x8b: {  	s16 =	sshrl.u32 s16, $0x3  }
0x8c: {  	s19 =	sadd.s32 s1, s16  }
0x8d: {  	[hbm4b:s19+s26] =	stream.strided.scatter [tilespmem:s22], [sflag:$0x2], $0x4000, s28, s26, $0x38;
	[tilespmem:$0x19820] =	vst v63  }
0x8e: {  	_ =	swait.ge [sflag:s29], $0x4000  }
0x8f: {  	[sflag:s29] =	ssyncset.done $0x0  }
0x90: {  	[sflag:s29] =	ssyncadd.s32 $0xFFFFC000  }
0x91: {  	_ =	swait.ge [sflag:s20], $0x4000  }
0x92: {  	[sflag:s20] =	ssyncset.done $0x0  }
0x93: {  	s19 =	sadd.s32 $0x9020, s5;
	[sflag:s20] =	ssyncadd.s32 $0xFFFFC000  }
0x94: {  	[tilespmem:s22], [sflag:$0x1] =	stream.indirect.gather [spmem:s4], $0x80, s19, s21, $0xb8;
	[tilespmem:$0x19820] =	vst v63  }
0x95: {  	s19 =	sadd.s32 s16, s10  }
0x96: {  	[hbm4b:s19+s26] =	stream.strided.scatter [tilespmem:s23], [sflag:$0x2], $0x4000, s28, s26, $0x38;
	[tilespmem:$0x19820] =	vst v63  }
0x97: {  	_ =	swait.ge [sflag:s29], $0x4000  }
0x98: {  	[sflag:s29] =	ssyncset.done $0x0  }
0x99: {  	[sflag:s29] =	ssyncadd.s32 $0xFFFFC000  }
0x9a: {  	_ =	swait.ge [sflag:s20], $0x4000  }
0x9b: {  	[sflag:s20] =	ssyncset.done $0x0  }
0x9c: {  	s19 =	sadd.s32 $0x9420, s5;
	[sflag:s20] =	ssyncadd.s32 $0xFFFFC000  }
0x9d: {  	[tilespmem:s23], [sflag:$0x1] =	stream.indirect.gather [spmem:s6], $0x80, s19, s21, $0xb8;
	[tilespmem:$0x19820] =	vst v63  }
0x9e: {  	s19 =	sadd.s32 s16, s11  }
0x9f: {  	[hbm4b:s19+s26] =	stream.strided.scatter [tilespmem:s24], [sflag:$0x2], $0x4000, s28, s26, $0x38;
	[tilespmem:$0x19820] =	vst v63  }
0xa0: {  	_ =	swait.ge [sflag:s29], $0x4000  }
0xa1: {  	[sflag:s29] =	ssyncset.done $0x0  }
0xa2: {  	[sflag:s29] =	ssyncadd.s32 $0xFFFFC000  }
0xa3: {  	s17 =	sor.u32 $0x80, s5;
	_ =	swait.ge [sflag:s20], $0x4000  }
0xa4: {  	s19 =	sand.u32 $0x3FFFFE80, s17;
	[sflag:s20] =	ssyncset.done $0x0  }
0xa5: {  	s19 =	sadd.s32 $0x8020, s19;
	[sflag:s20] =	ssyncadd.s32 $0xFFFFC000  }
0xa6: {  	[tilespmem:s24], [sflag:$0x1] =	stream.indirect.gather [spmem:s2], $0x80, s19, s21, $0xb8;
	[tilespmem:$0x19820] =	vst v63  }
0xa7: {  	s19 =	sadd.s32 s16, s12  }
0xa8: {  	[hbm4b:s19+s26] =	stream.strided.scatter [tilespmem:s25], [sflag:$0x2], $0x4000, s28, s26, $0x38;
	[tilespmem:$0x19820] =	vst v63  }
0xa9: {  	_ =	swait.ge [sflag:s29], $0x4000  }
0xaa: {  	[sflag:s29] =	ssyncset.done $0x0  }
0xab: {  	[sflag:s29] =	ssyncadd.s32 $0xFFFFC000  }
0xac: {  	_ =	swait.ge [sflag:s20], $0x4000  }
0xad: {  	[sflag:s20] =	ssyncset.done $0x0  }
0xae: {  	s19 =	sadd.s32 $0x84A0, s9;
	[sflag:s20] =	ssyncadd.s32 $0xFFFFC000  }
0xaf: {  	[tilespmem:s25], [sflag:$0x1] =	stream.indirect.gather [spmem:s3], $0x80, s19, s21, $0xb8;
	[tilespmem:$0x19820] =	vst v63  }
0xb0: {  	s19 =	sadd.s32 s16, s14  }
0xb1: {  	[hbm4b:s19+s26] =	stream.strided.scatter [tilespmem:s22], [sflag:$0x2], $0x4000, s28, s26, $0x38;
	[tilespmem:$0x19820] =	vst v63  }
0xb2: {  	_ =	swait.ge [sflag:s29], $0x4000  }
0xb3: {  	[sflag:s29] =	ssyncset.done $0x0  }
0xb4: {  	[sflag:s29] =	ssyncadd.s32 $0xFFFFC000  }
0xb5: {  	_ =	swait.ge [sflag:s20], $0x4000  }
0xb6: {  	[sflag:s20] =	ssyncset.done $0x0  }
0xb7: {  	s19 =	sadd.s32 $0x88A0, s9;
	[sflag:s20] =	ssyncadd.s32 $0xFFFFC000  }
0xb8: {  	[tilespmem:s22], [sflag:$0x1] =	stream.indirect.gather [spmem:s2], $0x80, s19, s21, $0xb8;
	[tilespmem:$0x19820] =	vst v63  }
0xb9: {  	s16 =	sadd.s32 s16, s15  }
0xba: {  	[hbm4b:s16+s26] =	stream.strided.scatter [tilespmem:s23], [sflag:$0x2], $0x4000, s28, s26, $0x38;
	[tilespmem:$0x19820] =	vst v63  }
0xbb: {  	s17 =	sor.u32 s8, s17;
	_ =	swait.ge [sflag:s29], $0x4000  }
0xbc: {  	s16 =	sshrl.u32 s17, $0x3;
	[sflag:s29] =	ssyncset.done $0x0  }
0xbd: {  	s16 =	smul.u32 $0x1800, s16;
	[sflag:s29] =	ssyncadd.s32 $0xFFFFC000  }
0xbe: {  	_ =	swait.ge [sflag:s20], $0x4000  }
0xbf: {  	s16 =	sadd.s32 s18, s16;
	[sflag:s20] =	ssyncset.done $0x0  }
0xc0: {  	s19 =	sadd.s32 $0x8CA0, s9;
	s16 =	sshrl.u32 s16, $0x3;
	[sflag:s20] =	ssyncadd.s32 $0xFFFFC000  }
0xc1: {  	[tilespmem:s23], [sflag:$0x1] =	stream.indirect.gather [spmem:s3], $0x80, s19, s21, $0xb8;
	[tilespmem:$0x19820] =	vst v63  }
0xc2: {  	s19 =	sadd.s32 s1, s16  }
0xc3: {  	[hbm4b:s19+s26] =	stream.strided.scatter [tilespmem:s24], [sflag:$0x2], $0x4000, s28, s26, $0x38;
	[tilespmem:$0x19820] =	vst v63  }
0xc4: {  	_ =	swait.ge [sflag:s29], $0x4000  }
0xc5: {  	[sflag:s29] =	ssyncset.done $0x0  }
0xc6: {  	[sflag:s29] =	ssyncadd.s32 $0xFFFFC000  }
0xc7: {  	_ =	swait.ge [sflag:s20], $0x4000  }
0xc8: {  	[sflag:s20] =	ssyncset.done $0x0  }
0xc9: {  	s19 =	sadd.s32 $0x90A0, s5;
	[sflag:s20] =	ssyncadd.s32 $0xFFFFC000  }
0xca: {  	[tilespmem:s24], [sflag:$0x1] =	stream.indirect.gather [spmem:s4], $0x80, s19, s21, $0xb8;
	[tilespmem:$0x19820] =	vst v63  }
0xcb: {  	s19 =	sadd.s32 s16, s10  }
0xcc: {  	[hbm4b:s19+s26] =	stream.strided.scatter [tilespmem:s25], [sflag:$0x2], $0x4000, s28, s26, $0x38;
	[tilespmem:$0x19820] =	vst v63  }
0xcd: {  	_ =	swait.ge [sflag:s29], $0x4000  }
0xce: {  	[sflag:s29] =	ssyncset.done $0x0  }
0xcf: {  	[sflag:s29] =	ssyncadd.s32 $0xFFFFC000  }
0xd0: {  	_ =	swait.ge [sflag:s20], $0x4000  }
0xd1: {  	[sflag:s20] =	ssyncset.done $0x0  }
0xd2: {  	s19 =	sadd.s32 $0x94A0, s5;
	[sflag:s20] =	ssyncadd.s32 $0xFFFFC000  }
0xd3: {  	[tilespmem:s25], [sflag:$0x1] =	stream.indirect.gather [spmem:s6], $0x80, s19, s21, $0xb8;
	[tilespmem:$0x19820] =	vst v63  }
0xd4: {  	s19 =	sadd.s32 s16, s11  }
0xd5: {  	[hbm4b:s19+s26] =	stream.strided.scatter [tilespmem:s22], [sflag:$0x2], $0x4000, s28, s26, $0x38;
	[tilespmem:$0x19820] =	vst v63  }
0xd6: {  	_ =	swait.ge [sflag:s29], $0x4000  }
0xd7: {  	[sflag:s29] =	ssyncset.done $0x0  }
0xd8: {  	[sflag:s29] =	ssyncadd.s32 $0xFFFFC000  }
0xd9: {  	s17 =	sor.u32 $0x100, s5;
	_ =	swait.ge [sflag:s20], $0x4000  }
0xda: {  	s19 =	sand.u32 $0x3FFFFF00, s17;
	[sflag:s20] =	ssyncset.done $0x0  }
0xdb: {  	s19 =	sadd.s32 $0x8020, s19;
	[sflag:s20] =	ssyncadd.s32 $0xFFFFC000  }
0xdc: {  	[tilespmem:s22], [sflag:$0x1] =	stream.indirect.gather [spmem:s2], $0x80, s19, s21, $0xb8;
	[tilespmem:$0x19820] =	vst v63  }
0xdd: {  	s19 =	sadd.s32 s16, s12  }
0xde: {  	[hbm4b:s19+s26] =	stream.strided.scatter [tilespmem:s23], [sflag:$0x2], $0x4000, s28, s26, $0x38;
	[tilespmem:$0x19820] =	vst v63  }
0xdf: {  	_ =	swait.ge [sflag:s29], $0x4000  }
0xe0: {  	[sflag:s29] =	ssyncset.done $0x0  }
0xe1: {  	[sflag:s29] =	ssyncadd.s32 $0xFFFFC000  }
0xe2: {  	_ =	swait.ge [sflag:s20], $0x4000  }
0xe3: {  	[sflag:s20] =	ssyncset.done $0x0  }
0xe4: {  	s19 =	sadd.s32 $0x8520, s9;
	[sflag:s20] =	ssyncadd.s32 $0xFFFFC000  }
0xe5: {  	[tilespmem:s23], [sflag:$0x1] =	stream.indirect.gather [spmem:s3], $0x80, s19, s21, $0xb8;
	[tilespmem:$0x19820] =	vst v63  }
0xe6: {  	s19 =	sadd.s32 s16, s14  }
0xe7: {  	[hbm4b:s19+s26] =	stream.strided.scatter [tilespmem:s24], [sflag:$0x2], $0x4000, s28, s26, $0x38;
	[tilespmem:$0x19820] =	vst v63  }
0xe8: {  	_ =	swait.ge [sflag:s29], $0x4000  }
0xe9: {  	[sflag:s29] =	ssyncset.done $0x0  }
0xea: {  	[sflag:s29] =	ssyncadd.s32 $0xFFFFC000  }
0xeb: {  	_ =	swait.ge [sflag:s20], $0x4000  }
0xec: {  	[sflag:s20] =	ssyncset.done $0x0  }
0xed: {  	s19 =	sadd.s32 $0x8920, s9;
	[sflag:s20] =	ssyncadd.s32 $0xFFFFC000  }
0xee: {  	[tilespmem:s24], [sflag:$0x1] =	stream.indirect.gather [spmem:s2], $0x80, s19, s21, $0xb8;
	[tilespmem:$0x19820] =	vst v63  }
0xef: {  	s16 =	sadd.s32 s16, s15  }
0xf0: {  	[hbm4b:s16+s26] =	stream.strided.scatter [tilespmem:s25], [sflag:$0x2], $0x4000, s28, s26, $0x38;
	[tilespmem:$0x19820] =	vst v63  }
0xf1: {  	s17 =	sor.u32 s8, s17;
	_ =	swait.ge [sflag:s29], $0x4000  }
0xf2: {  	s16 =	sshrl.u32 s17, $0x3;
	[sflag:s29] =	ssyncset.done $0x0  }
0xf3: {  	s16 =	smul.u32 $0x1800, s16;
	[sflag:s29] =	ssyncadd.s32 $0xFFFFC000  }
0xf4: {  	_ =	swait.ge [sflag:s20], $0x4000  }
0xf5: {  	s16 =	sadd.s32 s18, s16;
	[sflag:s20] =	ssyncset.done $0x0  }
0xf6: {  	s19 =	sadd.s32 $0x8D20, s9;
	s16 =	sshrl.u32 s16, $0x3;
	[sflag:s20] =	ssyncadd.s32 $0xFFFFC000  }
0xf7: {  	[tilespmem:s25], [sflag:$0x1] =	stream.indirect.gather [spmem:s3], $0x80, s19, s21, $0xb8;
	[tilespmem:$0x19820] =	vst v63  }
0xf8: {  	s19 =	sadd.s32 s1, s16  }
0xf9: {  	[hbm4b:s19+s26] =	stream.strided.scatter [tilespmem:s22], [sflag:$0x2], $0x4000, s28, s26, $0x38;
	[tilespmem:$0x19820] =	vst v63  }
0xfa: {  	_ =	swait.ge [sflag:s29], $0x4000  }
0xfb: {  	[sflag:s29] =	ssyncset.done $0x0  }
0xfc: {  	[sflag:s29] =	ssyncadd.s32 $0xFFFFC000  }
0xfd: {  	_ =	swait.ge [sflag:s20], $0x4000  }
0xfe: {  	[sflag:s20] =	ssyncset.done $0x0  }
0xff: {  	s19 =	sadd.s32 $0x9120, s5;
	[sflag:s20] =	ssyncadd.s32 $0xFFFFC000  }
0x100: {  	[tilespmem:s22], [sflag:$0x1] =	stream.indirect.gather [spmem:s4], $0x80, s19, s21, $0xb8;
	[tilespmem:$0x19820] =	vst v63  }
0x101: {  	s19 =	sadd.s32 s16, s10  }
0x102: {  	[hbm4b:s19+s26] =	stream.strided.scatter [tilespmem:s23], [sflag:$0x2], $0x4000, s28, s26, $0x38;
	[tilespmem:$0x19820] =	vst v63  }
0x103: {  	_ =	swait.ge [sflag:s29], $0x4000  }
0x104: {  	[sflag:s29] =	ssyncset.done $0x0  }
0x105: {  	[sflag:s29] =	ssyncadd.s32 $0xFFFFC000  }
0x106: {  	_ =	swait.ge [sflag:s20], $0x4000  }
0x107: {  	[sflag:s20] =	ssyncset.done $0x0  }
0x108: {  	s19 =	sadd.s32 $0x9520, s5;
	[sflag:s20] =	ssyncadd.s32 $0xFFFFC000  }
0x109: {  	[tilespmem:s23], [sflag:$0x1] =	stream.indirect.gather [spmem:s6], $0x80, s19, s21, $0xb8;
	[tilespmem:$0x19820] =	vst v63  }
0x10a: {  	s19 =	sadd.s32 s16, s11  }
0x10b: {  	[hbm4b:s19+s26] =	stream.strided.scatter [tilespmem:s24], [sflag:$0x2], $0x4000, s28, s26, $0x38;
	[tilespmem:$0x19820] =	vst v63  }
0x10c: {  	_ =	swait.ge [sflag:s29], $0x4000  }
0x10d: {  	[sflag:s29] =	ssyncset.done $0x0  }
0x10e: {  	[sflag:s29] =	ssyncadd.s32 $0xFFFFC000  }
0x10f: {  	s17 =	sor.u32 $0x180, s5;
	_ =	swait.ge [sflag:s20], $0x4000  }
0x110: {  	s19 =	sand.u32 $0x3FFFFF80, s17;
	[sflag:s20] =	ssyncset.done $0x0  }
0x111: {  	s19 =	sadd.s32 $0x8020, s19;
	[sflag:s20] =	ssyncadd.s32 $0xFFFFC000  }
0x112: {  	[tilespmem:s24], [sflag:$0x1] =	stream.indirect.gather [spmem:s2], $0x80, s19, s21, $0xb8;
	[tilespmem:$0x19820] =	vst v63  }
0x113: {  	s19 =	sadd.s32 s16, s12  }
0x114: {  	[hbm4b:s19+s26] =	stream.strided.scatter [tilespmem:s25], [sflag:$0x2], $0x4000, s28, s26, $0x38;
	[tilespmem:$0x19820] =	vst v63  }
0x115: {  	_ =	swait.ge [sflag:s29], $0x4000  }
0x116: {  	[sflag:s29] =	ssyncset.done $0x0  }
0x117: {  	[sflag:s29] =	ssyncadd.s32 $0xFFFFC000  }
0x118: {  	_ =	swait.ge [sflag:s20], $0x4000  }
0x119: {  	[sflag:s20] =	ssyncset.done $0x0  }
0x11a: {  	s19 =	sadd.s32 $0x85A0, s9;
	[sflag:s20] =	ssyncadd.s32 $0xFFFFC000  }
0x11b: {  	[tilespmem:s25], [sflag:$0x1] =	stream.indirect.gather [spmem:s3], $0x80, s19, s21, $0xb8;
	[tilespmem:$0x19820] =	vst v63  }
0x11c: {  	s19 =	sadd.s32 s16, s14  }
0x11d: {  	[hbm4b:s19+s26] =	stream.strided.scatter [tilespmem:s22], [sflag:$0x2], $0x4000, s28, s26, $0x38;
	[tilespmem:$0x19820] =	vst v63  }
0x11e: {  	_ =	swait.ge [sflag:s29], $0x4000  }
0x11f: {  	[sflag:s29] =	ssyncset.done $0x0  }
0x120: {  	[sflag:s29] =	ssyncadd.s32 $0xFFFFC000  }
0x121: {  	_ =	swait.ge [sflag:s20], $0x4000  }
0x122: {  	[sflag:s20] =	ssyncset.done $0x0  }
0x123: {  	s19 =	sadd.s32 $0x89A0, s9;
	[sflag:s20] =	ssyncadd.s32 $0xFFFFC000  }
0x124: {  	[tilespmem:s22], [sflag:$0x1] =	stream.indirect.gather [spmem:s2], $0x80, s19, s21, $0xb8;
	[tilespmem:$0x19820] =	vst v63  }
0x125: {  	s16 =	sadd.s32 s16, s15  }
0x126: {  	[hbm4b:s16+s26] =	stream.strided.scatter [tilespmem:s23], [sflag:$0x2], $0x4000, s28, s26, $0x38;
	[tilespmem:$0x19820] =	vst v63  }
0x127: {  	_ =	swait.ge [sflag:s29], $0x4000  }
0x128: {  	s19 =	sor.u32 s8, s17;
	[sflag:s29] =	ssyncset.done $0x0  }
0x129: {  	s16 =	sshrl.u32 s19, $0x3;
	[sflag:s29] =	ssyncadd.s32 $0xFFFFC000  }
0x12a: {  	s16 =	smul.u32 $0x1800, s16;
	_ =	swait.ge [sflag:s20], $0x4000  }
0x12b: {  	[sflag:s20] =	ssyncset.done $0x0  }
0x12c: {  	s9 =	sadd.s32 $0x8DA0, s9;
	s17 =	sadd.s32 s18, s16;
	[sflag:s20] =	ssyncadd.s32 $0xFFFFC000  }
0x12d: {  	[tilespmem:s23], [sflag:$0x1] =	stream.indirect.gather [spmem:s3], $0x80, s9, s21, $0xb8;
	[tilespmem:$0x19820] =	vst v63  }
0x12e: {  	s9 =	sshrl.u32 s17, $0x3  }
0x12f: {  	s19 =	sadd.s32 s1, s9  }
0x130: {  	[hbm4b:s19+s26] =	stream.strided.scatter [tilespmem:s24], [sflag:$0x2], $0x4000, s28, s26, $0x38;
	[tilespmem:$0x19820] =	vst v63  }
0x131: {  	_ =	swait.ge [sflag:s29], $0x4000  }
0x132: {  	[sflag:s29] =	ssyncset.done $0x0  }
0x133: {  	[sflag:s29] =	ssyncadd.s32 $0xFFFFC000  }
0x134: {  	_ =	swait.ge [sflag:s20], $0x4000  }
0x135: {  	[sflag:s20] =	ssyncset.done $0x0  }
0x136: {  	s17 =	sadd.s32 $0x91A0, s5;
	[sflag:s20] =	ssyncadd.s32 $0xFFFFC000  }
0x137: {  	[tilespmem:s24], [sflag:$0x1] =	stream.indirect.gather [spmem:s4], $0x80, s17, s21, $0xb8;
	[tilespmem:$0x19820] =	vst v63  }
0x138: {  	s19 =	sadd.s32 s9, s10  }
0x139: {  	[hbm4b:s19+s26] =	stream.strided.scatter [tilespmem:s25], [sflag:$0x2], $0x4000, s28, s26, $0x38;
	[tilespmem:$0x19820] =	vst v63  }
0x13a: {  	_ =	swait.ge [sflag:s29], $0x4000  }
0x13b: {  	[sflag:s29] =	ssyncset.done $0x0  }
0x13c: {  	[sflag:s29] =	ssyncadd.s32 $0xFFFFC000  }
0x13d: {  	_ =	swait.ge [sflag:s20], $0x4000  }
0x13e: {  	[sflag:s20] =	ssyncset.done $0x0  }
0x13f: {  	s5 =	sadd.s32 $0x95A0, s5;
	[sflag:s20] =	ssyncadd.s32 $0xFFFFC000  }
0x140: {  	[tilespmem:s25], [sflag:$0x1] =	stream.indirect.gather [spmem:s6], $0x80, s5, s21, $0xb8;
	[tilespmem:$0x19820] =	vst v63  }
0x141: {  	s16 =	sadd.s32 s9, s11  }
0x142: {  	[hbm4b:s16+s26] =	stream.strided.scatter [tilespmem:s22], [sflag:$0x2], $0x4000, s28, s26, $0x38;
	[tilespmem:$0x19820] =	vst v63  }
0x143: {  	_ =	swait.ge [sflag:s29], $0x4000  }
0x144: {  	[sflag:s29] =	ssyncset.done $0x0  }
0x145: {  	[sflag:s29] =	ssyncadd.s32 $0xFFFFC000  }
0x146: {  	_ =	swait.ge [sflag:s20], $0x4000  }
0x147: {  	s17 =	simm.s32 @p6 $0x9820;
	[sflag:s20] =	ssyncset.done $0x0  }
0x148: {  	s5 =	simm.s32 @p6 $0x80;
	s16 =	simm.s32 @p6 $0x8220;
	[sflag:s20] =	ssyncadd.s32 $0xFFFFC000  }
0x149: {  	[tilespmem:s17], [sflag:$0x1] =	stream.indirect.gather @p6 [spmem:s2], $0x80, s16, s5, $0xb8;
	[tilespmem:$0x19820] =	vst v63  }
0x14a: {  	s17 =	sadd.s32 s9, s12  }
0x14b: {  	[hbm4b:s17+s26] =	stream.strided.scatter [tilespmem:s23], [sflag:$0x2], $0x4000, s28, s26, $0x38;
	[tilespmem:$0x19820] =	vst v63  }
0x14c: {  	_ =	swait.ge [sflag:s29], $0x4000  }
0x14d: {  	[sflag:s29] =	ssyncset.done $0x0  }
0x14e: {  	[sflag:s29] =	ssyncadd.s32 $0xFFFFC000  }
0x14f: {  	_ =	swait.ge [sflag:s20], $0x4000  }
0x150: {  	[sflag:s20] =	ssyncset.done $0x0  }
0x151: {  	s16 =	simm.s32 @p6 $0x8620;
	s17 =	simm.s32 @p6 $0xD820;
	[sflag:s20] =	ssyncadd.s32 $0xFFFFC000  }
0x152: {  	[tilespmem:s17], [sflag:$0x1] =	stream.indirect.gather @p6 [spmem:s3], $0x80, s16, s5, $0xb8;
	[tilespmem:$0x19820] =	vst v63  }
0x153: {  	s19 =	sadd.s32 s9, s14  }
0x154: {  	[hbm4b:s19+s26] =	stream.strided.scatter [tilespmem:s24], [sflag:$0x2], $0x4000, s28, s26, $0x38;
	[tilespmem:$0x19820] =	vst v63  }
0x155: {  	_ =	swait.ge [sflag:s29], $0x4000  }
.Ltmp2:
0x156: {  	[sflag:s29] =	ssyncset.done $0x0;
	(pc) =	sbr.rel @!p6 .LBB2_4-.Ltmp2, $4  }
0x157: {  	[sflag:s29] =	ssyncadd.s32 $0xFFFFC000  }
0x158: {  	_ =	swait.ge [sflag:s20], $0x4000  }
0x159: {  	[sflag:s20] =	ssyncset.done $0x0  }
0x15a: {  	s5 =	sadd.s32 s9, s15;
	[sflag:s20] =	ssyncadd.s32 $0xFFFFC000  }
0x15b: {  	[tilespmem:s24], [sflag:$0x1] =	stream.indirect.gather [spmem:s2], $0x80, s30, s21, $0xb8;
	[tilespmem:$0x19820] =	vst v63  }
.Ltmp3:
0x15c: {  	_ = 	snop;
	(pc) =	sbr.rel .LBB2_2-.Ltmp3, $4  }
0x15d: {  	[hbm4b:s5+s26] =	stream.strided.scatter [tilespmem:s25], [sflag:$0x2], $0x4000, s28, s26, $0x38;
	[tilespmem:$0x19820] =	vst v63  }
0x15e: {  	_ =	swait.ge [sflag:s29], $0x4000  }
0x15f: {  	[sflag:s29] =	ssyncset.done $0x0  }
0x160: {  	p6 =	por $0x0, $0x0;
	s5 =	simm.s32 $0x1;
	[sflag:s29] =	ssyncadd.s32 $0xFFFFC000  }
.LBB2_5:
0x161: {  	_ =	sfence.sel $0x180000  }
0x162: {  	[bflag:$0x0] =	sbarrier.arrive $0xFFFF  }
0x163: {  	_ =	strace $0x90000047  }
0x164: {  	[bflag:$0x2] =	sbarrier.arrive $0xFFFF  }
0x165: {  	p0 =	sne.s32 s0, $0x0;
	s0 =	rddreg [dreg:$0xa]  }
0x166: {  	s0 =	sadd.s32 @!p0 $0x100000, s0  }
0x167: {  	[sflag:s0] =	ssyncadd.tile.s32 @!p0 $0x1;
	_ =	shalt  }
.Lfunc_end2:
_tile_overlayer_lowered:
.L_overlay_start_2:
0x168: {  	(tag) =	ssettag $0x2  }
0x169: {  	s0 =	rddreg [dreg:$0x0];
	s2 =	stileid.u32  }
0x16a: {  	s1 =	rddreg [dreg:$0x1];
	p0 =	sne.s32 s2, $0x0  }
0x16b: {  	s3 =	rddreg [dreg:$0x2];
	[bflag:$0x3] =	sbarrier.arrive $0xFFFF;
	s2 =	simm.s32 @!p0 $0x1C02  }
0x16c: {  	[timem:s3], [sflag:s2] =	dma.local @!p0 [hbm:s0], s1  }
0x16d: {  	s0 =	simm.s32 @!p0 $0x2  }
0x16e: {  	_ =	swait.ge @!p0 [sflag:s0], s1  }
0x16f: {  	s1 =	ssub.s32 @!p0 $0x0, s1;
	[sflag:s0] =	ssyncset.done @!p0 $0x0  }
0x170: {  	[sflag:s0] =	ssyncadd.s32 @!p0 s1  }
0x171: {  	[bflag:$0x3] =	sbarrier.arrive $0xFFFF  }
0x172: {  	_ =	shalt  }

</sc_bundles>
